<compile_context>
chip_gen: v7x
topology: tpu7x:2x2x1
jax: 0.10.2.dev20260603
libtpu: 0.0.44.dev20260713+nightly
codegen_flags: <defaults>
</compile_context>

<pallas_src>
import functools

import jax
import jax.numpy as jnp
from jax import lax
from jax.experimental import pallas as pl
from jax.experimental.pallas import tpu as pltpu
from jax.experimental.pallas import tpu_sc as plsc

_NB = 31
_L = 16
_NW = 32
_CHUNK = 32768
_UNROLL = 8

_mesh = plsc.VectorSubcoreMesh(core_axis_name="c", subcore_axis_name="s")


def _wid():
    return lax.axis_index("c") * 16 + lax.axis_index("s")


def _params_kernel(sc_ref, tcs_ref, st_ref, e_ref, p_ref):
    x = sc_ref[...]
    col = lax.broadcasted_iota(jnp.int32, x.shape, 1)
    comp = (col // _L) % 4
    mn = jnp.minimum(jnp.min(jnp.where(comp == 0, x, jnp.inf)), tcs_ref[0])
    mx = jnp.maximum(jnp.max(jnp.where(comp == 1, x, -jnp.inf)), tcs_ref[1])
    s = jnp.sum(jnp.where(comp == 2, x, 0.0)) + tcs_ref[2]
    ss = jnp.sum(jnp.where(comp == 3, x, 0.0)) + tcs_ref[3]
    st_ref[0] = mn
    st_ref[1] = mx
    st_ref[2] = s
    st_ref[3] = ss
    r0 = jnp.where(mx == mn, mn - 0.5, mn)
    r1 = jnp.where(mx == mn, mx + 0.5, mx)
    span = r1 - r0
    for j in range(_NB):
        e_ref[j] = r0 + span * jnp.float32(j / _NB)
    e_ref[_NB] = r1
    scale = jnp.float32(_NB) / span
    for l in range(_L):
        p_ref[l] = r0
        p_ref[_L + l] = scale


def _tc_stats_kernel(x_ref, o_ref):
    i = pl.program_id(0)
    x = x_ref[...]
    mn = jnp.min(x)
    mx = jnp.max(x)
    s = jnp.sum(x)
    ss = jnp.sum(x * x)

    @pl.when(i == 0)
    def _init():
        o_ref[0] = mn
        o_ref[1] = mx
        o_ref[2] = s
        o_ref[3] = ss

    @pl.when(i != 0)
    def _acc():
        o_ref[0] = jnp.minimum(o_ref[0], mn)
        o_ref[1] = jnp.maximum(o_ref[1], mx)
        o_ref[2] = o_ref[2] + s
        o_ref[3] = o_ref[3] + ss


def _stats_body(x_hbm, out_hbm, buf0, buf1, stats_v, sem0, sem1, *, off, npw,
                nchunks):
    base = off + _wid() * npw
    bufs = (buf0, buf1)
    sems = (sem0, sem1)

    def copy(c):
        return pltpu.make_async_copy(
            x_hbm.at[pl.ds(base + c * _CHUNK, _CHUNK)], bufs[c % 2], sems[c % 2])

    copy(0).start()
    mn = jnp.full((_L,), jnp.inf, jnp.float32)
    mx = jnp.full((_L,), -jnp.inf, jnp.float32)
    s = jnp.zeros((_L,), jnp.float32)
    ss = jnp.zeros((_L,), jnp.float32)
    carry = (mn, mx, s, ss)

    for c in range(nchunks):
        if c + 1 < nchunks:
            copy(c + 1).start()
        copy(c).wait()
        buf = bufs[c % 2]

        def body(i, carry, buf=buf):
            mn, mx, s, ss = carry
            for k in range(_UNROLL):
                v = buf[pl.ds((i * _UNROLL + k) * _L, _L)]
                mn = jnp.minimum(mn, v)
                mx = jnp.maximum(mx, v)
                s = s + v
                ss = ss + v * v
            return (mn, mx, s, ss)

        carry = lax.fori_loop(0, _CHUNK // (_UNROLL * _L), body, carry)

    mn, mx, s, ss = carry
    stats_v[pl.ds(0, _L)] = mn
    stats_v[pl.ds(_L, _L)] = mx
    stats_v[pl.ds(2 * _L, _L)] = s
    stats_v[pl.ds(3 * _L, _L)] = ss
    pltpu.sync_copy(stats_v, out_hbm.at[pl.ds(_wid() * 4 * _L, 4 * _L)])


def _tc_count_kernel(e_ref, x_ref, o_ref):
    i = pl.program_id(0)
    x = x_ref[...]

    @pl.when(i == 0)
    def _init():
        for j in range(_NB + 1):
            o_ref[j] = 0.0

    for j in range(1, _NB):
        cnt = jnp.sum((x >= e_ref[j]).astype(jnp.float32))
        o_ref[j] = o_ref[j] + cnt


def _hist_body(x_hbm, params_hbm, out_hbm, buf0, buf1, params_v, *scratch,
               off, npw, nchunks):
    hists = scratch[:_UNROLL]
    sem0, sem1 = scratch[_UNROLL:]
    base = off + _wid() * npw
    bufs = (buf0, buf1)

    def copy(c):
        return pltpu.make_async_copy(
            x_hbm.at[pl.ds(base + c * _CHUNK, _CHUNK)], bufs[c % 2], sems[c % 2])

    sems = (sem0, sem1)
    copy(0).start()
    pltpu.sync_copy(params_hbm, params_v)
    r0 = params_v[pl.ds(0, _L)]
    scl = params_v[pl.ds(_L, _L)]
    lane = lax.iota(jnp.int32, _L)
    ones = jnp.full((_L,), 1.0, jnp.float32)
    zero = jnp.zeros((_L,), jnp.float32)

    def zbody(i, _):
        for h in hists:
            h[pl.ds(i * _L, _L)] = zero
        return 0

    lax.fori_loop(0, 32, zbody, 0)

    for c in range(nchunks):
        if c + 1 < nchunks:
            copy(c + 1).start()
        copy(c).wait()
        buf = bufs[c % 2]

        def body(i, _, buf=buf):
            for k in range(_UNROLL):
                v = buf[pl.ds((i * _UNROLL + k) * _L, _L)]
                t = (v - r0) * scl
                ix = t.astype(jnp.int32)
                addr = ix * _L + lane
                plsc.addupdate_scatter(hists[k], [addr], ones)
            return 0

        lax.fori_loop(0, _CHUNK // (_UNROLL * _L), body, 0)

    def mbody(i, _):
        acc = hists[0][pl.ds(i * _L, _L)]
        for h in hists[1:]:
            acc = acc + h[pl.ds(i * _L, _L)]
        hists[0][pl.ds(i * _L, _L)] = acc
        return 0

    lax.fori_loop(0, 32, mbody, 0)
    pltpu.sync_copy(hists[0], out_hbm.at[pl.ds(_wid() * 32 * _L, 32 * _L)])


_SC_CHUNKS_PER_WORKER = 5
_SC_STATS_CHUNKS_PER_WORKER = 7
_TC_BLOCK_ROWS = 8192
_TC_LANES = 128


def kernel(array):
    n = array.size
    npw = n // _NW
    nchunks = npw // _CHUNK

    npw_st = _SC_STATS_CHUNKS_PER_WORKER * _CHUNK
    n_st_sc = _NW * npw_st
    n_st_tc = n - n_st_sc

    stats_call = pl.kernel(
        functools.partial(
            _stats_body, off=n_st_tc, npw=npw_st,
            nchunks=_SC_STATS_CHUNKS_PER_WORKER),
        out_type=jax.ShapeDtypeStruct((_NW * 4 * _L,), jnp.float32),
        mesh=_mesh,
        compiler_params=pltpu.CompilerParams(needs_layout_passes=False),
        scratch_types=[
            pltpu.VMEM((_CHUNK,), jnp.float32),
            pltpu.VMEM((_CHUNK,), jnp.float32),
            pltpu.VMEM((4 * _L,), jnp.float32),
            pltpu.SemaphoreType.DMA,
            pltpu.SemaphoreType.DMA,
        ],
    )
    stats = stats_call(array).reshape(_NW, 4, _L)

    x2 = array.reshape(-1, _TC_LANES)
    grid_st = n_st_tc // (_TC_BLOCK_ROWS * _TC_LANES)
    tc_stats = pl.pallas_call(
        _tc_stats_kernel,
        grid=(grid_st,),
        in_specs=[pl.BlockSpec((_TC_BLOCK_ROWS, _TC_LANES), lambda i: (i, 0))],
        out_specs=pl.BlockSpec(memory_space=pltpu.SMEM),
        out_shape=jax.ShapeDtypeStruct((4,), jnp.float32),
    )(x2)

    mn = jnp.minimum(stats[:, 0, :].min(), tc_stats[0])
    mx = jnp.maximum(stats[:, 1, :].max(), tc_stats[1])
    s = stats[:, 2, :].sum() + tc_stats[2]
    ss = stats[:, 3, :].sum() + tc_stats[3]
    num = jnp.asarray(n, jnp.int32)

    r0 = jnp.where(mx == mn, mn - 0.5, mn)
    r1 = jnp.where(mx == mn, mx + 0.5, mx)
    span = r1 - r0
    edges = r0 + span * (lax.iota(jnp.float32, _NB + 1) * (1.0 / _NB))
    edges = edges.at[_NB].set(r1)
    scale = jnp.float32(_NB) / span
    params = jnp.concatenate([
        jnp.full((_L,), r0, jnp.float32),
        jnp.full((_L,), scale, jnp.float32),
    ])

    npw_sc = _SC_CHUNKS_PER_WORKER * _CHUNK
    n_sc = _NW * npw_sc
    n_tc = n - n_sc

    hist_call = pl.kernel(
        functools.partial(
            _hist_body, off=n_tc, npw=npw_sc, nchunks=_SC_CHUNKS_PER_WORKER),
        out_type=jax.ShapeDtypeStruct((_NW * 32 * _L,), jnp.float32),
        mesh=_mesh,
        compiler_params=pltpu.CompilerParams(needs_layout_passes=False),
        scratch_types=[
            pltpu.VMEM((_CHUNK,), jnp.float32),
            pltpu.VMEM((_CHUNK,), jnp.float32),
            pltpu.VMEM((2 * _L,), jnp.float32),
        ] + [pltpu.VMEM((32 * _L,), jnp.float32) for _ in range(_UNROLL)] + [
            pltpu.SemaphoreType.DMA,
            pltpu.SemaphoreType.DMA,
        ],
    )
    tables = hist_call(array, params).reshape(_NW, 32, _L)
    rows = tables.sum(axis=(0, 2))
    counts_sc = rows[:_NB].at[_NB - 1].add(rows[_NB])

    x2 = array.reshape(-1, _TC_LANES)
    grid = n_tc // (_TC_BLOCK_ROWS * _TC_LANES)
    g = pl.pallas_call(
        _tc_count_kernel,
        grid=(grid,),
        in_specs=[
            pl.BlockSpec(memory_space=pltpu.SMEM),
            pl.BlockSpec((_TC_BLOCK_ROWS, _TC_LANES), lambda i: (i, 0)),
        ],
        out_specs=pl.BlockSpec(memory_space=pltpu.SMEM),
        out_shape=jax.ShapeDtypeStruct((_NB + 1,), jnp.float32),
    )(edges, x2)
    gfull = g.at[0].set(jnp.float32(n_tc)).at[_NB].set(0.0)
    counts_tc = gfull[:_NB] - gfull[1:_NB + 1]

    counts = counts_sc + counts_tc
    return (mn, mx, num, s, ss, edges, counts)

# --- scband reference (transcript-rebuilt; emitter-appended) ---
"""Pipeline reference for scband-histogram-87703232184641 (READ-ONLY COPY).

The authoritative reference and input builder live on the scoring server;
editing this copy changes nothing except your own understanding.
"""

import jax, jax.numpy as jnp
import numpy as np

NUM_BINS = 31
N = 16777216

def setup_inputs(seed: int = 0) -> dict:
    key = jax.random.key(seed)
    array = jax.random.normal(key, (N,), dtype=jnp.float32)
    return {"array": array}

def reference(array):
    # Faithful translation of Histogram.from_array(array, num_bins=31)
    a = array.ravel()
    mn = a.min()
    mx = a.max()
    num = jnp.asarray(a.size, dtype=jnp.int32)
    s = a.sum()
    ss = (a ** 2).sum()
    counts, edges = jnp.histogram(a, bins=NUM_BINS)
    # Returns the same fields Histogram stores: min, max, num, sum, sum_squares, bucket_limits, bucket_counts
    return (mn, mx, num, s, ss, edges, counts)

if __name__ == "__main__":
    import jax
    _d = setup_inputs()
    print(jax.jit(kernel)(*tuple(_d.values())))

</pallas_src>

<mosaic_0001>
#map = affine_map<(d0, d1) -> (0)>
module attributes {stable_mosaic.version = 14 : i64} {
  func.func @_stats_body(%arg0: i32, %arg1: i32, %arg2: memref<16777216xf32, #tpu.memory_space<hbm>>, %arg3: memref<2048xf32, #tpu.memory_space<hbm>>, %arg4: memref<32768xf32, #tpu.memory_space<vmem>>, %arg5: memref<32768xf32, #tpu.memory_space<vmem>>, %arg6: memref<64xf32, #tpu.memory_space<vmem>>, %arg7: memref<!tpu.dma_semaphore, #tpu.memory_space<semaphore_mem>>, %arg8: memref<!tpu.dma_semaphore, #tpu.memory_space<semaphore_mem>>) attributes {dimension_semantics = [#tpu.dimension_semantics<core_parallel>, #tpu.dimension_semantics<subcore_parallel>], iteration_bounds = array<i64: 2, 16>, scalar_prefetch = 0 : i64, scratch_operands = 5 : i64, tpu.core_type = #tpu.core_type<sc_vector_subcore>, window_params = [{transform_indices = #map}, {transform_indices = #map}]} {
    %mul3A = arith.constant 16 : i32
    %mul3A_0 = arith.muli %arg0, %mul3A : i32
    %add3A = arith.addi %mul3A_0, %arg1 : i32
    %mul3A_1 = arith.constant 229376 : i32
    %mul3A_2 = arith.muli %add3A, %mul3A_1 : i32
    %add3A_3 = arith.constant 9437184 : i32
    %add3A_4 = arith.addi %add3A_3, %mul3A_2 : i32
    %add3A_5 = arith.constant 0 : i32
    %add3A_6 = arith.addi %add3A_4, %add3A_5 : i32
    %dma_start3A = tpu.memref_slice %arg2[%add3A_6] : memref<16777216xf32, #tpu.memory_space<hbm>> -> memref<32768xf32, #tpu.memory_space<hbm>>
    %dma_start3A_7 = tpu.memref_slice %arg2[%add3A_6] : memref<16777216xf32, #tpu.memory_space<hbm>> -> memref<32768xf32, #tpu.memory_space<hbm>>
    tpu.enqueue_dma source(%dma_start3A_7 : memref<32768xf32, #tpu.memory_space<hbm>>) target(%arg4 : memref<32768xf32, #tpu.memory_space<vmem>>) target_semaphore(%arg7 : memref<!tpu.dma_semaphore, #tpu.memory_space<semaphore_mem>>)
    %broadcast_in_dim3A = arith.constant 0x7F800000 : f32
    %broadcast_in_dim3A_8 = vector.broadcast %broadcast_in_dim3A : f32 to vector<16xf32>
    %broadcast_in_dim3A_9 = arith.constant 0xFF800000 : f32
    %broadcast_in_dim3A_10 = vector.broadcast %broadcast_in_dim3A_9 : f32 to vector<16xf32>
    %broadcast_in_dim3A_11 = arith.constant 0.000000e+00 : f32
    %broadcast_in_dim3A_12 = vector.broadcast %broadcast_in_dim3A_11 : f32 to vector<16xf32>
    %broadcast_in_dim3A_13 = arith.constant 0.000000e+00 : f32
    %broadcast_in_dim3A_14 = vector.broadcast %broadcast_in_dim3A_13 : f32 to vector<16xf32>
    %add3A_15 = arith.constant 32768 : i32
    %add3A_16 = arith.addi %add3A_4, %add3A_15 : i32
    %dma_start3A_17 = tpu.memref_slice %arg2[%add3A_16] : memref<16777216xf32, #tpu.memory_space<hbm>> -> memref<32768xf32, #tpu.memory_space<hbm>>
    %dma_start3A_18 = tpu.memref_slice %arg2[%add3A_16] : memref<16777216xf32, #tpu.memory_space<hbm>> -> memref<32768xf32, #tpu.memory_space<hbm>>
    tpu.enqueue_dma source(%dma_start3A_18 : memref<32768xf32, #tpu.memory_space<hbm>>) target(%arg5 : memref<32768xf32, #tpu.memory_space<vmem>>) target_semaphore(%arg8 : memref<!tpu.dma_semaphore, #tpu.memory_space<semaphore_mem>>)
    %add3A_19 = arith.constant 0 : i32
    %add3A_20 = arith.addi %add3A_4, %add3A_19 : i32
    %dma_wait3A = tpu.memref_slice %arg2[%add3A_20] : memref<16777216xf32, #tpu.memory_space<hbm>> -> memref<32768xf32, #tpu.memory_space<hbm>>
    %dma_wait3A_21 = tpu.memref_slice %arg2[%add3A_20] : memref<16777216xf32, #tpu.memory_space<hbm>> -> memref<32768xf32, #tpu.memory_space<hbm>>
    tpu.wait_dma2 semaphore(%arg7 : memref<!tpu.dma_semaphore, #tpu.memory_space<semaphore_mem>>) src(%dma_wait3A_21 : memref<32768xf32, #tpu.memory_space<hbm>>) dst(%arg4 : memref<32768xf32, #tpu.memory_space<vmem>>)
    %scan3A = arith.constant 0 : i32
    %scan3A_22 = arith.constant 256 : i32
    %scan3A_23 = arith.addi %scan3A, %scan3A_22 : i32
    %scan3A_24 = arith.constant 1 : i32
    %scan3A_25:4 = scf.for %scan3A_121 = %scan3A to %scan3A_23 step %scan3A_24 iter_args(%scan3A_122 = %broadcast_in_dim3A_8, %scan3A_123 = %broadcast_in_dim3A_10, %scan3A_124 = %broadcast_in_dim3A_12, %scan3A_125 = %broadcast_in_dim3A_14) -> (vector<16xf32>, vector<16xf32>, vector<16xf32>, vector<16xf32>)  : i32 {
      %mul3A_126 = arith.constant 8 : i32
      %mul3A_127 = arith.muli %scan3A_121, %mul3A_126 : i32
      %add3A_128 = arith.constant 0 : i32
      %add3A_129 = arith.addi %mul3A_127, %add3A_128 : i32
      %mul3A_130 = arith.constant 16 : i32
      %mul3A_131 = arith.muli %add3A_129, %mul3A_130 : i32
      %get3A = arith.index_cast %mul3A_131 : i32 to index
      %get3A_132 = tpu.vector_load %arg4[%get3A] {strides = array<i32>} : memref<32768xf32, #tpu.memory_space<vmem>>, vector<16xf32>,
      %min3A = arith.minimumf %scan3A_122, %get3A_132 : vector<16xf32>
      %max3A = arith.maximumf %scan3A_123, %get3A_132 : vector<16xf32>
      %add3A_133 = arith.addf %scan3A_124, %get3A_132 : vector<16xf32>
      %mul3A_134 = arith.mulf %get3A_132, %get3A_132 : vector<16xf32>
      %add3A_135 = arith.addf %scan3A_125, %mul3A_134 : vector<16xf32>
      %mul3A_136 = arith.constant 8 : i32
      %mul3A_137 = arith.muli %scan3A_121, %mul3A_136 : i32
      %add3A_138 = arith.constant 1 : i32
      %add3A_139 = arith.addi %mul3A_137, %add3A_138 : i32
      %mul3A_140 = arith.constant 16 : i32
      %mul3A_141 = arith.muli %add3A_139, %mul3A_140 : i32
      %get3A_142 = arith.index_cast %mul3A_141 : i32 to index
      %get3A_143 = tpu.vector_load %arg4[%get3A_142] {strides = array<i32>} : memref<32768xf32, #tpu.memory_space<vmem>>, vector<16xf32>,
      %min3A_144 = arith.minimumf %min3A, %get3A_143 : vector<16xf32>
      %max3A_145 = arith.maximumf %max3A, %get3A_143 : vector<16xf32>
      %add3A_146 = arith.addf %add3A_133, %get3A_143 : vector<16xf32>
      %mul3A_147 = arith.mulf %get3A_143, %get3A_143 : vector<16xf32>
      %add3A_148 = arith.addf %add3A_135, %mul3A_147 : vector<16xf32>
      %mul3A_149 = arith.constant 8 : i32
      %mul3A_150 = arith.muli %scan3A_121, %mul3A_149 : i32
      %add3A_151 = arith.constant 2 : i32
      %add3A_152 = arith.addi %mul3A_150, %add3A_151 : i32
      %mul3A_153 = arith.constant 16 : i32
      %mul3A_154 = arith.muli %add3A_152, %mul3A_153 : i32
      %get3A_155 = arith.index_cast %mul3A_154 : i32 to index
      %get3A_156 = tpu.vector_load %arg4[%get3A_155] {strides = array<i32>} : memref<32768xf32, #tpu.memory_space<vmem>>, vector<16xf32>,
      %min3A_157 = arith.minimumf %min3A_144, %get3A_156 : vector<16xf32>
      %max3A_158 = arith.maximumf %max3A_145, %get3A_156 : vector<16xf32>
      %add3A_159 = arith.addf %add3A_146, %get3A_156 : vector<16xf32>
      %mul3A_160 = arith.mulf %get3A_156, %get3A_156 : vector<16xf32>
      %add3A_161 = arith.addf %add3A_148, %mul3A_160 : vector<16xf32>
      %mul3A_162 = arith.constant 8 : i32
      %mul3A_163 = arith.muli %scan3A_121, %mul3A_162 : i32
      %add3A_164 = arith.constant 3 : i32
      %add3A_165 = arith.addi %mul3A_163, %add3A_164 : i32
      %mul3A_166 = arith.constant 16 : i32
      %mul3A_167 = arith.muli %add3A_165, %mul3A_166 : i32
      %get3A_168 = arith.index_cast %mul3A_167 : i32 to index
      %get3A_169 = tpu.vector_load %arg4[%get3A_168] {strides = array<i32>} : memref<32768xf32, #tpu.memory_space<vmem>>, vector<16xf32>,
      %min3A_170 = arith.minimumf %min3A_157, %get3A_169 : vector<16xf32>
      %max3A_171 = arith.maximumf %max3A_158, %get3A_169 : vector<16xf32>
      %add3A_172 = arith.addf %add3A_159, %get3A_169 : vector<16xf32>
      %mul3A_173 = arith.mulf %get3A_169, %get3A_169 : vector<16xf32>
      %add3A_174 = arith.addf %add3A_161, %mul3A_173 : vector<16xf32>
      %mul3A_175 = arith.constant 8 : i32
      %mul3A_176 = arith.muli %scan3A_121, %mul3A_175 : i32
      %add3A_177 = arith.constant 4 : i32
      %add3A_178 = arith.addi %mul3A_176, %add3A_177 : i32
      %mul3A_179 = arith.constant 16 : i32
      %mul3A_180 = arith.muli %add3A_178, %mul3A_179 : i32
      %get3A_181 = arith.index_cast %mul3A_180 : i32 to index
      %get3A_182 = tpu.vector_load %arg4[%get3A_181] {strides = array<i32>} : memref<32768xf32, #tpu.memory_space<vmem>>, vector<16xf32>,
      %min3A_183 = arith.minimumf %min3A_170, %get3A_182 : vector<16xf32>
      %max3A_184 = arith.maximumf %max3A_171, %get3A_182 : vector<16xf32>
      %add3A_185 = arith.addf %add3A_172, %get3A_182 : vector<16xf32>
      %mul3A_186 = arith.mulf %get3A_182, %get3A_182 : vector<16xf32>
      %add3A_187 = arith.addf %add3A_174, %mul3A_186 : vector<16xf32>
      %mul3A_188 = arith.constant 8 : i32
      %mul3A_189 = arith.muli %scan3A_121, %mul3A_188 : i32
      %add3A_190 = arith.constant 5 : i32
      %add3A_191 = arith.addi %mul3A_189, %add3A_190 : i32
      %mul3A_192 = arith.constant 16 : i32
      %mul3A_193 = arith.muli %add3A_191, %mul3A_192 : i32
      %get3A_194 = arith.index_cast %mul3A_193 : i32 to index
      %get3A_195 = tpu.vector_load %arg4[%get3A_194] {strides = array<i32>} : memref<32768xf32, #tpu.memory_space<vmem>>, vector<16xf32>,
      %min3A_196 = arith.minimumf %min3A_183, %get3A_195 : vector<16xf32>
      %max3A_197 = arith.maximumf %max3A_184, %get3A_195 : vector<16xf32>
      %add3A_198 = arith.addf %add3A_185, %get3A_195 : vector<16xf32>
      %mul3A_199 = arith.mulf %get3A_195, %get3A_195 : vector<16xf32>
      %add3A_200 = arith.addf %add3A_187, %mul3A_199 : vector<16xf32>
      %mul3A_201 = arith.constant 8 : i32
      %mul3A_202 = arith.muli %scan3A_121, %mul3A_201 : i32
      %add3A_203 = arith.constant 6 : i32
      %add3A_204 = arith.addi %mul3A_202, %add3A_203 : i32
      %mul3A_205 = arith.constant 16 : i32
      %mul3A_206 = arith.muli %add3A_204, %mul3A_205 : i32
      %get3A_207 = arith.index_cast %mul3A_206 : i32 to index
      %get3A_208 = tpu.vector_load %arg4[%get3A_207] {strides = array<i32>} : memref<32768xf32, #tpu.memory_space<vmem>>, vector<16xf32>,
      %min3A_209 = arith.minimumf %min3A_196, %get3A_208 : vector<16xf32>
      %max3A_210 = arith.maximumf %max3A_197, %get3A_208 : vector<16xf32>
      %add3A_211 = arith.addf %add3A_198, %get3A_208 : vector<16xf32>
      %mul3A_212 = arith.mulf %get3A_208, %get3A_208 : vector<16xf32>
      %add3A_213 = arith.addf %add3A_200, %mul3A_212 : vector<16xf32>
      %mul3A_214 = arith.constant 8 : i32
      %mul3A_215 = arith.muli %scan3A_121, %mul3A_214 : i32
      %add3A_216 = arith.constant 7 : i32
      %add3A_217 = arith.addi %mul3A_215, %add3A_216 : i32
      %mul3A_218 = arith.constant 16 : i32
      %mul3A_219 = arith.muli %add3A_217, %mul3A_218 : i32
      %get3A_220 = arith.index_cast %mul3A_219 : i32 to index
      %get3A_221 = tpu.vector_load %arg4[%get3A_220] {strides = array<i32>} : memref<32768xf32, #tpu.memory_space<vmem>>, vector<16xf32>,
      %min3A_222 = arith.minimumf %min3A_209, %get3A_221 : vector<16xf32>
      %max3A_223 = arith.maximumf %max3A_210, %get3A_221 : vector<16xf32>
      %add3A_224 = arith.addf %add3A_211, %get3A_221 : vector<16xf32>
      %mul3A_225 = arith.mulf %get3A_221, %get3A_221 : vector<16xf32>
      %add3A_226 = arith.addf %add3A_213, %mul3A_225 : vector<16xf32>
      scf.yield %min3A_222, %max3A_223, %add3A_224, %add3A_226 : vector<16xf32>, vector<16xf32>, vector<16xf32>, vector<16xf32>
    }
    %scan3A_26 = arith.constant 256 : i32
    %add3A_27 = arith.constant 65536 : i32
    %add3A_28 = arith.addi %add3A_4, %add3A_27 : i32
    %dma_start3A_29 = tpu.memref_slice %arg2[%add3A_28] : memref<16777216xf32, #tpu.memory_space<hbm>> -> memref<32768xf32, #tpu.memory_space<hbm>>
    %dma_start3A_30 = tpu.memref_slice %arg2[%add3A_28] : memref<16777216xf32, #tpu.memory_space<hbm>> -> memref<32768xf32, #tpu.memory_space<hbm>>
    tpu.enqueue_dma source(%dma_start3A_30 : memref<32768xf32, #tpu.memory_space<hbm>>) target(%arg4 : memref<32768xf32, #tpu.memory_space<vmem>>) target_semaphore(%arg7 : memref<!tpu.dma_semaphore, #tpu.memory_space<semaphore_mem>>)
    %add3A_31 = arith.constant 32768 : i32
    %add3A_32 = arith.addi %add3A_4, %add3A_31 : i32
    %dma_wait3A_33 = tpu.memref_slice %arg2[%add3A_32] : memref<16777216xf32, #tpu.memory_space<hbm>> -> memref<32768xf32, #tpu.memory_space<hbm>>
    %dma_wait3A_34 = tpu.memref_slice %arg2[%add3A_32] : memref<16777216xf32, #tpu.memory_space<hbm>> -> memref<32768xf32, #tpu.memory_space<hbm>>
    tpu.wait_dma2 semaphore(%arg8 : memref<!tpu.dma_semaphore, #tpu.memory_space<semaphore_mem>>) src(%dma_wait3A_34 : memref<32768xf32, #tpu.memory_space<hbm>>) dst(%arg5 : memref<32768xf32, #tpu.memory_space<vmem>>)
    %scan3A_35 = arith.constant 0 : i32
    %scan3A_36 = arith.constant 256 : i32
    %scan3A_37 = arith.addi %scan3A_35, %scan3A_36 : i32
    %scan3A_38 = arith.constant 1 : i32
    %scan3A_39:4 = scf.for %scan3A_121 = %scan3A_35 to %scan3A_37 step %scan3A_38 iter_args(%scan3A_122 = %scan3A_25#0, %scan3A_123 = %scan3A_25#1, %scan3A_124 = %scan3A_25#2, %scan3A_125 = %scan3A_25#3) -> (vector<16xf32>, vector<16xf32>, vector<16xf32>, vector<16xf32>)  : i32 {
      %mul3A_126 = arith.constant 8 : i32
      %mul3A_127 = arith.muli %scan3A_121, %mul3A_126 : i32
      %add3A_128 = arith.constant 0 : i32
      %add3A_129 = arith.addi %mul3A_127, %add3A_128 : i32
      %mul3A_130 = arith.constant 16 : i32
      %mul3A_131 = arith.muli %add3A_129, %mul3A_130 : i32
      %get3A = arith.index_cast %mul3A_131 : i32 to index
      %get3A_132 = tpu.vector_load %arg5[%get3A] {strides = array<i32>} : memref<32768xf32, #tpu.memory_space<vmem>>, vector<16xf32>,
      %min3A = arith.minimumf %scan3A_122, %get3A_132 : vector<16xf32>
      %max3A = arith.maximumf %scan3A_123, %get3A_132 : vector<16xf32>
      %add3A_133 = arith.addf %scan3A_124, %get3A_132 : vector<16xf32>
      %mul3A_134 = arith.mulf %get3A_132, %get3A_132 : vector<16xf32>
      %add3A_135 = arith.addf %scan3A_125, %mul3A_134 : vector<16xf32>
      %mul3A_136 = arith.constant 8 : i32
      %mul3A_137 = arith.muli %scan3A_121, %mul3A_136 : i32
      %add3A_138 = arith.constant 1 : i32
      %add3A_139 = arith.addi %mul3A_137, %add3A_138 : i32
      %mul3A_140 = arith.constant 16 : i32
      %mul3A_141 = arith.muli %add3A_139, %mul3A_140 : i32
      %get3A_142 = arith.index_cast %mul3A_141 : i32 to index
      %get3A_143 = tpu.vector_load %arg5[%get3A_142] {strides = array<i32>} : memref<32768xf32, #tpu.memory_space<vmem>>, vector<16xf32>,
      %min3A_144 = arith.minimumf %min3A, %get3A_143 : vector<16xf32>
      %max3A_145 = arith.maximumf %max3A, %get3A_143 : vector<16xf32>
      %add3A_146 = arith.addf %add3A_133, %get3A_143 : vector<16xf32>
      %mul3A_147 = arith.mulf %get3A_143, %get3A_143 : vector<16xf32>
      %add3A_148 = arith.addf %add3A_135, %mul3A_147 : vector<16xf32>
      %mul3A_149 = arith.constant 8 : i32
      %mul3A_150 = arith.muli %scan3A_121, %mul3A_149 : i32
      %add3A_151 = arith.constant 2 : i32
      %add3A_152 = arith.addi %mul3A_150, %add3A_151 : i32
      %mul3A_153 = arith.constant 16 : i32
      %mul3A_154 = arith.muli %add3A_152, %mul3A_153 : i32
      %get3A_155 = arith.index_cast %mul3A_154 : i32 to index
      %get3A_156 = tpu.vector_load %arg5[%get3A_155] {strides = array<i32>} : memref<32768xf32, #tpu.memory_space<vmem>>, vector<16xf32>,
      %min3A_157 = arith.minimumf %min3A_144, %get3A_156 : vector<16xf32>
      %max3A_158 = arith.maximumf %max3A_145, %get3A_156 : vector<16xf32>
      %add3A_159 = arith.addf %add3A_146, %get3A_156 : vector<16xf32>
      %mul3A_160 = arith.mulf %get3A_156, %get3A_156 : vector<16xf32>
      %add3A_161 = arith.addf %add3A_148, %mul3A_160 : vector<16xf32>
      %mul3A_162 = arith.constant 8 : i32
      %mul3A_163 = arith.muli %scan3A_121, %mul3A_162 : i32
      %add3A_164 = arith.constant 3 : i32
      %add3A_165 = arith.addi %mul3A_163, %add3A_164 : i32
      %mul3A_166 = arith.constant 16 : i32
      %mul3A_167 = arith.muli %add3A_165, %mul3A_166 : i32
      %get3A_168 = arith.index_cast %mul3A_167 : i32 to index
      %get3A_169 = tpu.vector_load %arg5[%get3A_168] {strides = array<i32>} : memref<32768xf32, #tpu.memory_space<vmem>>, vector<16xf32>,
      %min3A_170 = arith.minimumf %min3A_157, %get3A_169 : vector<16xf32>
      %max3A_171 = arith.maximumf %max3A_158, %get3A_169 : vector<16xf32>
      %add3A_172 = arith.addf %add3A_159, %get3A_169 : vector<16xf32>
      %mul3A_173 = arith.mulf %get3A_169, %get3A_169 : vector<16xf32>
      %add3A_174 = arith.addf %add3A_161, %mul3A_173 : vector<16xf32>
      %mul3A_175 = arith.constant 8 : i32
      %mul3A_176 = arith.muli %scan3A_121, %mul3A_175 : i32
      %add3A_177 = arith.constant 4 : i32
      %add3A_178 = arith.addi %mul3A_176, %add3A_177 : i32
      %mul3A_179 = arith.constant 16 : i32
      %mul3A_180 = arith.muli %add3A_178, %mul3A_179 : i32
      %get3A_181 = arith.index_cast %mul3A_180 : i32 to index
      %get3A_182 = tpu.vector_load %arg5[%get3A_181] {strides = array<i32>} : memref<32768xf32, #tpu.memory_space<vmem>>, vector<16xf32>,
      %min3A_183 = arith.minimumf %min3A_170, %get3A_182 : vector<16xf32>
      %max3A_184 = arith.maximumf %max3A_171, %get3A_182 : vector<16xf32>
      %add3A_185 = arith.addf %add3A_172, %get3A_182 : vector<16xf32>
      %mul3A_186 = arith.mulf %get3A_182, %get3A_182 : vector<16xf32>
      %add3A_187 = arith.addf %add3A_174, %mul3A_186 : vector<16xf32>
      %mul3A_188 = arith.constant 8 : i32
      %mul3A_189 = arith.muli %scan3A_121, %mul3A_188 : i32
      %add3A_190 = arith.constant 5 : i32
      %add3A_191 = arith.addi %mul3A_189, %add3A_190 : i32
      %mul3A_192 = arith.constant 16 : i32
      %mul3A_193 = arith.muli %add3A_191, %mul3A_192 : i32
      %get3A_194 = arith.index_cast %mul3A_193 : i32 to index
      %get3A_195 = tpu.vector_load %arg5[%get3A_194] {strides = array<i32>} : memref<32768xf32, #tpu.memory_space<vmem>>, vector<16xf32>,
      %min3A_196 = arith.minimumf %min3A_183, %get3A_195 : vector<16xf32>
      %max3A_197 = arith.maximumf %max3A_184, %get3A_195 : vector<16xf32>
      %add3A_198 = arith.addf %add3A_185, %get3A_195 : vector<16xf32>
      %mul3A_199 = arith.mulf %get3A_195, %get3A_195 : vector<16xf32>
      %add3A_200 = arith.addf %add3A_187, %mul3A_199 : vector<16xf32>
      %mul3A_201 = arith.constant 8 : i32
      %mul3A_202 = arith.muli %scan3A_121, %mul3A_201 : i32
      %add3A_203 = arith.constant 6 : i32
      %add3A_204 = arith.addi %mul3A_202, %add3A_203 : i32
      %mul3A_205 = arith.constant 16 : i32
      %mul3A_206 = arith.muli %add3A_204, %mul3A_205 : i32
      %get3A_207 = arith.index_cast %mul3A_206 : i32 to index
      %get3A_208 = tpu.vector_load %arg5[%get3A_207] {strides = array<i32>} : memref<32768xf32, #tpu.memory_space<vmem>>, vector<16xf32>,
      %min3A_209 = arith.minimumf %min3A_196, %get3A_208 : vector<16xf32>
      %max3A_210 = arith.maximumf %max3A_197, %get3A_208 : vector<16xf32>
      %add3A_211 = arith.addf %add3A_198, %get3A_208 : vector<16xf32>
      %mul3A_212 = arith.mulf %get3A_208, %get3A_208 : vector<16xf32>
      %add3A_213 = arith.addf %add3A_200, %mul3A_212 : vector<16xf32>
      %mul3A_214 = arith.constant 8 : i32
      %mul3A_215 = arith.muli %scan3A_121, %mul3A_214 : i32
      %add3A_216 = arith.constant 7 : i32
      %add3A_217 = arith.addi %mul3A_215, %add3A_216 : i32
      %mul3A_218 = arith.constant 16 : i32
      %mul3A_219 = arith.muli %add3A_217, %mul3A_218 : i32
      %get3A_220 = arith.index_cast %mul3A_219 : i32 to index
      %get3A_221 = tpu.vector_load %arg5[%get3A_220] {strides = array<i32>} : memref<32768xf32, #tpu.memory_space<vmem>>, vector<16xf32>,
      %min3A_222 = arith.minimumf %min3A_209, %get3A_221 : vector<16xf32>
      %max3A_223 = arith.maximumf %max3A_210, %get3A_221 : vector<16xf32>
      %add3A_224 = arith.addf %add3A_211, %get3A_221 : vector<16xf32>
      %mul3A_225 = arith.mulf %get3A_221, %get3A_221 : vector<16xf32>
      %add3A_226 = arith.addf %add3A_213, %mul3A_225 : vector<16xf32>
      scf.yield %min3A_222, %max3A_223, %add3A_224, %add3A_226 : vector<16xf32>, vector<16xf32>, vector<16xf32>, vector<16xf32>
    }
    %scan3A_40 = arith.constant 256 : i32
    %add3A_41 = arith.constant 98304 : i32
    %add3A_42 = arith.addi %add3A_4, %add3A_41 : i32
    %dma_start3A_43 = tpu.memref_slice %arg2[%add3A_42] : memref<16777216xf32, #tpu.memory_space<hbm>> -> memref<32768xf32, #tpu.memory_space<hbm>>
    %dma_start3A_44 = tpu.memref_slice %arg2[%add3A_42] : memref<16777216xf32, #tpu.memory_space<hbm>> -> memref<32768xf32, #tpu.memory_space<hbm>>
    tpu.enqueue_dma source(%dma_start3A_44 : memref<32768xf32, #tpu.memory_space<hbm>>) target(%arg5 : memref<32768xf32, #tpu.memory_space<vmem>>) target_semaphore(%arg8 : memref<!tpu.dma_semaphore, #tpu.memory_space<semaphore_mem>>)
    %add3A_45 = arith.constant 65536 : i32
    %add3A_46 = arith.addi %add3A_4, %add3A_45 : i32
    %dma_wait3A_47 = tpu.memref_slice %arg2[%add3A_46] : memref<16777216xf32, #tpu.memory_space<hbm>> -> memref<32768xf32, #tpu.memory_space<hbm>>
    %dma_wait3A_48 = tpu.memref_slice %arg2[%add3A_46] : memref<16777216xf32, #tpu.memory_space<hbm>> -> memref<32768xf32, #tpu.memory_space<hbm>>
    tpu.wait_dma2 semaphore(%arg7 : memref<!tpu.dma_semaphore, #tpu.memory_space<semaphore_mem>>) src(%dma_wait3A_48 : memref<32768xf32, #tpu.memory_space<hbm>>) dst(%arg4 : memref<32768xf32, #tpu.memory_space<vmem>>)
    %scan3A_49 = arith.constant 0 : i32
    %scan3A_50 = arith.constant 256 : i32
    %scan3A_51 = arith.addi %scan3A_49, %scan3A_50 : i32
    %scan3A_52 = arith.constant 1 : i32
    %scan3A_53:4 = scf.for %scan3A_121 = %scan3A_49 to %scan3A_51 step %scan3A_52 iter_args(%scan3A_122 = %scan3A_39#0, %scan3A_123 = %scan3A_39#1, %scan3A_124 = %scan3A_39#2, %scan3A_125 = %scan3A_39#3) -> (vector<16xf32>, vector<16xf32>, vector<16xf32>, vector<16xf32>)  : i32 {
      %mul3A_126 = arith.constant 8 : i32
      %mul3A_127 = arith.muli %scan3A_121, %mul3A_126 : i32
      %add3A_128 = arith.constant 0 : i32
      %add3A_129 = arith.addi %mul3A_127, %add3A_128 : i32
      %mul3A_130 = arith.constant 16 : i32
      %mul3A_131 = arith.muli %add3A_129, %mul3A_130 : i32
      %get3A = arith.index_cast %mul3A_131 : i32 to index
      %get3A_132 = tpu.vector_load %arg4[%get3A] {strides = array<i32>} : memref<32768xf32, #tpu.memory_space<vmem>>, vector<16xf32>,
      %min3A = arith.minimumf %scan3A_122, %get3A_132 : vector<16xf32>
      %max3A = arith.maximumf %scan3A_123, %get3A_132 : vector<16xf32>
      %add3A_133 = arith.addf %scan3A_124, %get3A_132 : vector<16xf32>
      %mul3A_134 = arith.mulf %get3A_132, %get3A_132 : vector<16xf32>
      %add3A_135 = arith.addf %scan3A_125, %mul3A_134 : vector<16xf32>
      %mul3A_136 = arith.constant 8 : i32
      %mul3A_137 = arith.muli %scan3A_121, %mul3A_136 : i32
      %add3A_138 = arith.constant 1 : i32
      %add3A_139 = arith.addi %mul3A_137, %add3A_138 : i32
      %mul3A_140 = arith.constant 16 : i32
      %mul3A_141 = arith.muli %add3A_139, %mul3A_140 : i32
      %get3A_142 = arith.index_cast %mul3A_141 : i32 to index
      %get3A_143 = tpu.vector_load %arg4[%get3A_142] {strides = array<i32>} : memref<32768xf32, #tpu.memory_space<vmem>>, vector<16xf32>,
      %min3A_144 = arith.minimumf %min3A, %get3A_143 : vector<16xf32>
      %max3A_145 = arith.maximumf %max3A, %get3A_143 : vector<16xf32>
      %add3A_146 = arith.addf %add3A_133, %get3A_143 : vector<16xf32>
      %mul3A_147 = arith.mulf %get3A_143, %get3A_143 : vector<16xf32>
      %add3A_148 = arith.addf %add3A_135, %mul3A_147 : vector<16xf32>
      %mul3A_149 = arith.constant 8 : i32
      %mul3A_150 = arith.muli %scan3A_121, %mul3A_149 : i32
      %add3A_151 = arith.constant 2 : i32
      %add3A_152 = arith.addi %mul3A_150, %add3A_151 : i32
      %mul3A_153 = arith.constant 16 : i32
      %mul3A_154 = arith.muli %add3A_152, %mul3A_153 : i32
      %get3A_155 = arith.index_cast %mul3A_154 : i32 to index
      %get3A_156 = tpu.vector_load %arg4[%get3A_155] {strides = array<i32>} : memref<32768xf32, #tpu.memory_space<vmem>>, vector<16xf32>,
      %min3A_157 = arith.minimumf %min3A_144, %get3A_156 : vector<16xf32>
      %max3A_158 = arith.maximumf %max3A_145, %get3A_156 : vector<16xf32>
      %add3A_159 = arith.addf %add3A_146, %get3A_156 : vector<16xf32>
      %mul3A_160 = arith.mulf %get3A_156, %get3A_156 : vector<16xf32>
      %add3A_161 = arith.addf %add3A_148, %mul3A_160 : vector<16xf32>
      %mul3A_162 = arith.constant 8 : i32
      %mul3A_163 = arith.muli %scan3A_121, %mul3A_162 : i32
      %add3A_164 = arith.constant 3 : i32
      %add3A_165 = arith.addi %mul3A_163, %add3A_164 : i32
      %mul3A_166 = arith.constant 16 : i32
      %mul3A_167 = arith.muli %add3A_165, %mul3A_166 : i32
      %get3A_168 = arith.index_cast %mul3A_167 : i32 to index
      %get3A_169 = tpu.vector_load %arg4[%get3A_168] {strides = array<i32>} : memref<32768xf32, #tpu.memory_space<vmem>>, vector<16xf32>,
      %min3A_170 = arith.minimumf %min3A_157, %get3A_169 : vector<16xf32>
      %max3A_171 = arith.maximumf %max3A_158, %get3A_169 : vector<16xf32>
      %add3A_172 = arith.addf %add3A_159, %get3A_169 : vector<16xf32>
      %mul3A_173 = arith.mulf %get3A_169, %get3A_169 : vector<16xf32>
      %add3A_174 = arith.addf %add3A_161, %mul3A_173 : vector<16xf32>
      %mul3A_175 = arith.constant 8 : i32
      %mul3A_176 = arith.muli %scan3A_121, %mul3A_175 : i32
      %add3A_177 = arith.constant 4 : i32
      %add3A_178 = arith.addi %mul3A_176, %add3A_177 : i32
      %mul3A_179 = arith.constant 16 : i32
      %mul3A_180 = arith.muli %add3A_178, %mul3A_179 : i32
      %get3A_181 = arith.index_cast %mul3A_180 : i32 to index
      %get3A_182 = tpu.vector_load %arg4[%get3A_181] {strides = array<i32>} : memref<32768xf32, #tpu.memory_space<vmem>>, vector<16xf32>,
      %min3A_183 = arith.minimumf %min3A_170, %get3A_182 : vector<16xf32>
      %max3A_184 = arith.maximumf %max3A_171, %get3A_182 : vector<16xf32>
      %add3A_185 = arith.addf %add3A_172, %get3A_182 : vector<16xf32>
      %mul3A_186 = arith.mulf %get3A_182, %get3A_182 : vector<16xf32>
      %add3A_187 = arith.addf %add3A_174, %mul3A_186 : vector<16xf32>
      %mul3A_188 = arith.constant 8 : i32
      %mul3A_189 = arith.muli %scan3A_121, %mul3A_188 : i32
      %add3A_190 = arith.constant 5 : i32
      %add3A_191 = arith.addi %mul3A_189, %add3A_190 : i32
      %mul3A_192 = arith.constant 16 : i32
      %mul3A_193 = arith.muli %add3A_191, %mul3A_192 : i32
      %get3A_194 = arith.index_cast %mul3A_193 : i32 to index
      %get3A_195 = tpu.vector_load %arg4[%get3A_194] {strides = array<i32>} : memref<32768xf32, #tpu.memory_space<vmem>>, vector<16xf32>,
      %min3A_196 = arith.minimumf %min3A_183, %get3A_195 : vector<16xf32>
      %max3A_197 = arith.maximumf %max3A_184, %get3A_195 : vector<16xf32>
      %add3A_198 = arith.addf %add3A_185, %get3A_195 : vector<16xf32>
      %mul3A_199 = arith.mulf %get3A_195, %get3A_195 : vector<16xf32>
      %add3A_200 = arith.addf %add3A_187, %mul3A_199 : vector<16xf32>
      %mul3A_201 = arith.constant 8 : i32
      %mul3A_202 = arith.muli %scan3A_121, %mul3A_201 : i32
      %add3A_203 = arith.constant 6 : i32
      %add3A_204 = arith.addi %mul3A_202, %add3A_203 : i32
      %mul3A_205 = arith.constant 16 : i32
      %mul3A_206 = arith.muli %add3A_204, %mul3A_205 : i32
      %get3A_207 = arith.index_cast %mul3A_206 : i32 to index
      %get3A_208 = tpu.vector_load %arg4[%get3A_207] {strides = array<i32>} : memref<32768xf32, #tpu.memory_space<vmem>>, vector<16xf32>,
      %min3A_209 = arith.minimumf %min3A_196, %get3A_208 : vector<16xf32>
      %max3A_210 = arith.maximumf %max3A_197, %get3A_208 : vector<16xf32>
      %add3A_211 = arith.addf %add3A_198, %get3A_208 : vector<16xf32>
      %mul3A_212 = arith.mulf %get3A_208, %get3A_208 : vector<16xf32>
      %add3A_213 = arith.addf %add3A_200, %mul3A_212 : vector<16xf32>
      %mul3A_214 = arith.constant 8 : i32
      %mul3A_215 = arith.muli %scan3A_121, %mul3A_214 : i32
      %add3A_216 = arith.constant 7 : i32
      %add3A_217 = arith.addi %mul3A_215, %add3A_216 : i32
      %mul3A_218 = arith.constant 16 : i32
      %mul3A_219 = arith.muli %add3A_217, %mul3A_218 : i32
      %get3A_220 = arith.index_cast %mul3A_219 : i32 to index
      %get3A_221 = tpu.vector_load %arg4[%get3A_220] {strides = array<i32>} : memref<32768xf32, #tpu.memory_space<vmem>>, vector<16xf32>,
      %min3A_222 = arith.minimumf %min3A_209, %get3A_221 : vector<16xf32>
      %max3A_223 = arith.maximumf %max3A_210, %get3A_221 : vector<16xf32>
      %add3A_224 = arith.addf %add3A_211, %get3A_221 : vector<16xf32>
      %mul3A_225 = arith.mulf %get3A_221, %get3A_221 : vector<16xf32>
      %add3A_226 = arith.addf %add3A_213, %mul3A_225 : vector<16xf32>
      scf.yield %min3A_222, %max3A_223, %add3A_224, %add3A_226 : vector<16xf32>, vector<16xf32>, vector<16xf32>, vector<16xf32>
    }
    %scan3A_54 = arith.constant 256 : i32
    %add3A_55 = arith.constant 131072 : i32
    %add3A_56 = arith.addi %add3A_4, %add3A_55 : i32
    %dma_start3A_57 = tpu.memref_slice %arg2[%add3A_56] : memref<16777216xf32, #tpu.memory_space<hbm>> -> memref<32768xf32, #tpu.memory_space<hbm>>
    %dma_start3A_58 = tpu.memref_slice %arg2[%add3A_56] : memref<16777216xf32, #tpu.memory_space<hbm>> -> memref<32768xf32, #tpu.memory_space<hbm>>
    tpu.enqueue_dma source(%dma_start3A_58 : memref<32768xf32, #tpu.memory_space<hbm>>) target(%arg4 : memref<32768xf32, #tpu.memory_space<vmem>>) target_semaphore(%arg7 : memref<!tpu.dma_semaphore, #tpu.memory_space<semaphore_mem>>)
    %add3A_59 = arith.constant 98304 : i32
    %add3A_60 = arith.addi %add3A_4, %add3A_59 : i32
    %dma_wait3A_61 = tpu.memref_slice %arg2[%add3A_60] : memref<16777216xf32, #tpu.memory_space<hbm>> -> memref<32768xf32, #tpu.memory_space<hbm>>
    %dma_wait3A_62 = tpu.memref_slice %arg2[%add3A_60] : memref<16777216xf32, #tpu.memory_space<hbm>> -> memref<32768xf32, #tpu.memory_space<hbm>>
    tpu.wait_dma2 semaphore(%arg8 : memref<!tpu.dma_semaphore, #tpu.memory_space<semaphore_mem>>) src(%dma_wait3A_62 : memref<32768xf32, #tpu.memory_space<hbm>>) dst(%arg5 : memref<32768xf32, #tpu.memory_space<vmem>>)
    %scan3A_63 = arith.constant 0 : i32
    %scan3A_64 = arith.constant 256 : i32
    %scan3A_65 = arith.addi %scan3A_63, %scan3A_64 : i32
    %scan3A_66 = arith.constant 1 : i32
    %scan3A_67:4 = scf.for %scan3A_121 = %scan3A_63 to %scan3A_65 step %scan3A_66 iter_args(%scan3A_122 = %scan3A_53#0, %scan3A_123 = %scan3A_53#1, %scan3A_124 = %scan3A_53#2, %scan3A_125 = %scan3A_53#3) -> (vector<16xf32>, vector<16xf32>, vector<16xf32>, vector<16xf32>)  : i32 {
      %mul3A_126 = arith.constant 8 : i32
      %mul3A_127 = arith.muli %scan3A_121, %mul3A_126 : i32
      %add3A_128 = arith.constant 0 : i32
      %add3A_129 = arith.addi %mul3A_127, %add3A_128 : i32
      %mul3A_130 = arith.constant 16 : i32
      %mul3A_131 = arith.muli %add3A_129, %mul3A_130 : i32
      %get3A = arith.index_cast %mul3A_131 : i32 to index
      %get3A_132 = tpu.vector_load %arg5[%get3A] {strides = array<i32>} : memref<32768xf32, #tpu.memory_space<vmem>>, vector<16xf32>,
      %min3A = arith.minimumf %scan3A_122, %get3A_132 : vector<16xf32>
      %max3A = arith.maximumf %scan3A_123, %get3A_132 : vector<16xf32>
      %add3A_133 = arith.addf %scan3A_124, %get3A_132 : vector<16xf32>
      %mul3A_134 = arith.mulf %get3A_132, %get3A_132 : vector<16xf32>
      %add3A_135 = arith.addf %scan3A_125, %mul3A_134 : vector<16xf32>
      %mul3A_136 = arith.constant 8 : i32
      %mul3A_137 = arith.muli %scan3A_121, %mul3A_136 : i32
      %add3A_138 = arith.constant 1 : i32
      %add3A_139 = arith.addi %mul3A_137, %add3A_138 : i32
      %mul3A_140 = arith.constant 16 : i32
      %mul3A_141 = arith.muli %add3A_139, %mul3A_140 : i32
      %get3A_142 = arith.index_cast %mul3A_141 : i32 to index
      %get3A_143 = tpu.vector_load %arg5[%get3A_142] {strides = array<i32>} : memref<32768xf32, #tpu.memory_space<vmem>>, vector<16xf32>,
      %min3A_144 = arith.minimumf %min3A, %get3A_143 : vector<16xf32>
      %max3A_145 = arith.maximumf %max3A, %get3A_143 : vector<16xf32>
      %add3A_146 = arith.addf %add3A_133, %get3A_143 : vector<16xf32>
      %mul3A_147 = arith.mulf %get3A_143, %get3A_143 : vector<16xf32>
      %add3A_148 = arith.addf %add3A_135, %mul3A_147 : vector<16xf32>
      %mul3A_149 = arith.constant 8 : i32
      %mul3A_150 = arith.muli %scan3A_121, %mul3A_149 : i32
      %add3A_151 = arith.constant 2 : i32
      %add3A_152 = arith.addi %mul3A_150, %add3A_151 : i32
      %mul3A_153 = arith.constant 16 : i32
      %mul3A_154 = arith.muli %add3A_152, %mul3A_153 : i32
      %get3A_155 = arith.index_cast %mul3A_154 : i32 to index
      %get3A_156 = tpu.vector_load %arg5[%get3A_155] {strides = array<i32>} : memref<32768xf32, #tpu.memory_space<vmem>>, vector<16xf32>,
      %min3A_157 = arith.minimumf %min3A_144, %get3A_156 : vector<16xf32>
      %max3A_158 = arith.maximumf %max3A_145, %get3A_156 : vector<16xf32>
      %add3A_159 = arith.addf %add3A_146, %get3A_156 : vector<16xf32>
      %mul3A_160 = arith.mulf %get3A_156, %get3A_156 : vector<16xf32>
      %add3A_161 = arith.addf %add3A_148, %mul3A_160 : vector<16xf32>
      %mul3A_162 = arith.constant 8 : i32
      %mul3A_163 = arith.muli %scan3A_121, %mul3A_162 : i32
      %add3A_164 = arith.constant 3 : i32
      %add3A_165 = arith.addi %mul3A_163, %add3A_164 : i32
      %mul3A_166 = arith.constant 16 : i32
      %mul3A_167 = arith.muli %add3A_165, %mul3A_166 : i32
      %get3A_168 = arith.index_cast %mul3A_167 : i32 to index
      %get3A_169 = tpu.vector_load %arg5[%get3A_168] {strides = array<i32>} : memref<32768xf32, #tpu.memory_space<vmem>>, vector<16xf32>,
      %min3A_170 = arith.minimumf %min3A_157, %get3A_169 : vector<16xf32>
      %max3A_171 = arith.maximumf %max3A_158, %get3A_169 : vector<16xf32>
      %add3A_172 = arith.addf %add3A_159, %get3A_169 : vector<16xf32>
      %mul3A_173 = arith.mulf %get3A_169, %get3A_169 : vector<16xf32>
      %add3A_174 = arith.addf %add3A_161, %mul3A_173 : vector<16xf32>
      %mul3A_175 = arith.constant 8 : i32
      %mul3A_176 = arith.muli %scan3A_121, %mul3A_175 : i32
      %add3A_177 = arith.constant 4 : i32
      %add3A_178 = arith.addi %mul3A_176, %add3A_177 : i32
      %mul3A_179 = arith.constant 16 : i32
      %mul3A_180 = arith.muli %add3A_178, %mul3A_179 : i32
      %get3A_181 = arith.index_cast %mul3A_180 : i32 to index
      %get3A_182 = tpu.vector_load %arg5[%get3A_181] {strides = array<i32>} : memref<32768xf32, #tpu.memory_space<vmem>>, vector<16xf32>,
      %min3A_183 = arith.minimumf %min3A_170, %get3A_182 : vector<16xf32>
      %max3A_184 = arith.maximumf %max3A_171, %get3A_182 : vector<16xf32>
      %add3A_185 = arith.addf %add3A_172, %get3A_182 : vector<16xf32>
      %mul3A_186 = arith.mulf %get3A_182, %get3A_182 : vector<16xf32>
      %add3A_187 = arith.addf %add3A_174, %mul3A_186 : vector<16xf32>
      %mul3A_188 = arith.constant 8 : i32
      %mul3A_189 = arith.muli %scan3A_121, %mul3A_188 : i32
      %add3A_190 = arith.constant 5 : i32
      %add3A_191 = arith.addi %mul3A_189, %add3A_190 : i32
      %mul3A_192 = arith.constant 16 : i32
      %mul3A_193 = arith.muli %add3A_191, %mul3A_192 : i32
      %get3A_194 = arith.index_cast %mul3A_193 : i32 to index
      %get3A_195 = tpu.vector_load %arg5[%get3A_194] {strides = array<i32>} : memref<32768xf32, #tpu.memory_space<vmem>>, vector<16xf32>,
      %min3A_196 = arith.minimumf %min3A_183, %get3A_195 : vector<16xf32>
      %max3A_197 = arith.maximumf %max3A_184, %get3A_195 : vector<16xf32>
      %add3A_198 = arith.addf %add3A_185, %get3A_195 : vector<16xf32>
      %mul3A_199 = arith.mulf %get3A_195, %get3A_195 : vector<16xf32>
      %add3A_200 = arith.addf %add3A_187, %mul3A_199 : vector<16xf32>
      %mul3A_201 = arith.constant 8 : i32
      %mul3A_202 = arith.muli %scan3A_121, %mul3A_201 : i32
      %add3A_203 = arith.constant 6 : i32
      %add3A_204 = arith.addi %mul3A_202, %add3A_203 : i32
      %mul3A_205 = arith.constant 16 : i32
      %mul3A_206 = arith.muli %add3A_204, %mul3A_205 : i32
      %get3A_207 = arith.index_cast %mul3A_206 : i32 to index
      %get3A_208 = tpu.vector_load %arg5[%get3A_207] {strides = array<i32>} : memref<32768xf32, #tpu.memory_space<vmem>>, vector<16xf32>,
      %min3A_209 = arith.minimumf %min3A_196, %get3A_208 : vector<16xf32>
      %max3A_210 = arith.maximumf %max3A_197, %get3A_208 : vector<16xf32>
      %add3A_211 = arith.addf %add3A_198, %get3A_208 : vector<16xf32>
      %mul3A_212 = arith.mulf %get3A_208, %get3A_208 : vector<16xf32>
      %add3A_213 = arith.addf %add3A_200, %mul3A_212 : vector<16xf32>
      %mul3A_214 = arith.constant 8 : i32
      %mul3A_215 = arith.muli %scan3A_121, %mul3A_214 : i32
      %add3A_216 = arith.constant 7 : i32
      %add3A_217 = arith.addi %mul3A_215, %add3A_216 : i32
      %mul3A_218 = arith.constant 16 : i32
      %mul3A_219 = arith.muli %add3A_217, %mul3A_218 : i32
      %get3A_220 = arith.index_cast %mul3A_219 : i32 to index
      %get3A_221 = tpu.vector_load %arg5[%get3A_220] {strides = array<i32>} : memref<32768xf32, #tpu.memory_space<vmem>>, vector<16xf32>,
      %min3A_222 = arith.minimumf %min3A_209, %get3A_221 : vector<16xf32>
      %max3A_223 = arith.maximumf %max3A_210, %get3A_221 : vector<16xf32>
      %add3A_224 = arith.addf %add3A_211, %get3A_221 : vector<16xf32>
      %mul3A_225 = arith.mulf %get3A_221, %get3A_221 : vector<16xf32>
      %add3A_226 = arith.addf %add3A_213, %mul3A_225 : vector<16xf32>
      scf.yield %min3A_222, %max3A_223, %add3A_224, %add3A_226 : vector<16xf32>, vector<16xf32>, vector<16xf32>, vector<16xf32>
    }
    %scan3A_68 = arith.constant 256 : i32
    %add3A_69 = arith.constant 163840 : i32
    %add3A_70 = arith.addi %add3A_4, %add3A_69 : i32
    %dma_start3A_71 = tpu.memref_slice %arg2[%add3A_70] : memref<16777216xf32, #tpu.memory_space<hbm>> -> memref<32768xf32, #tpu.memory_space<hbm>>
    %dma_start3A_72 = tpu.memref_slice %arg2[%add3A_70] : memref<16777216xf32, #tpu.memory_space<hbm>> -> memref<32768xf32, #tpu.memory_space<hbm>>
    tpu.enqueue_dma source(%dma_start3A_72 : memref<32768xf32, #tpu.memory_space<hbm>>) target(%arg5 : memref<32768xf32, #tpu.memory_space<vmem>>) target_semaphore(%arg8 : memref<!tpu.dma_semaphore, #tpu.memory_space<semaphore_mem>>)
    %add3A_73 = arith.constant 131072 : i32
    %add3A_74 = arith.addi %add3A_4, %add3A_73 : i32
    %dma_wait3A_75 = tpu.memref_slice %arg2[%add3A_74] : memref<16777216xf32, #tpu.memory_space<hbm>> -> memref<32768xf32, #tpu.memory_space<hbm>>
    %dma_wait3A_76 = tpu.memref_slice %arg2[%add3A_74] : memref<16777216xf32, #tpu.memory_space<hbm>> -> memref<32768xf32, #tpu.memory_space<hbm>>
    tpu.wait_dma2 semaphore(%arg7 : memref<!tpu.dma_semaphore, #tpu.memory_space<semaphore_mem>>) src(%dma_wait3A_76 : memref<32768xf32, #tpu.memory_space<hbm>>) dst(%arg4 : memref<32768xf32, #tpu.memory_space<vmem>>)
    %scan3A_77 = arith.constant 0 : i32
    %scan3A_78 = arith.constant 256 : i32
    %scan3A_79 = arith.addi %scan3A_77, %scan3A_78 : i32
    %scan3A_80 = arith.constant 1 : i32
    %scan3A_81:4 = scf.for %scan3A_121 = %scan3A_77 to %scan3A_79 step %scan3A_80 iter_args(%scan3A_122 = %scan3A_67#0, %scan3A_123 = %scan3A_67#1, %scan3A_124 = %scan3A_67#2, %scan3A_125 = %scan3A_67#3) -> (vector<16xf32>, vector<16xf32>, vector<16xf32>, vector<16xf32>)  : i32 {
      %mul3A_126 = arith.constant 8 : i32
      %mul3A_127 = arith.muli %scan3A_121, %mul3A_126 : i32
      %add3A_128 = arith.constant 0 : i32
      %add3A_129 = arith.addi %mul3A_127, %add3A_128 : i32
      %mul3A_130 = arith.constant 16 : i32
      %mul3A_131 = arith.muli %add3A_129, %mul3A_130 : i32
      %get3A = arith.index_cast %mul3A_131 : i32 to index
      %get3A_132 = tpu.vector_load %arg4[%get3A] {strides = array<i32>} : memref<32768xf32, #tpu.memory_space<vmem>>, vector<16xf32>,
      %min3A = arith.minimumf %scan3A_122, %get3A_132 : vector<16xf32>
      %max3A = arith.maximumf %scan3A_123, %get3A_132 : vector<16xf32>
      %add3A_133 = arith.addf %scan3A_124, %get3A_132 : vector<16xf32>
      %mul3A_134 = arith.mulf %get3A_132, %get3A_132 : vector<16xf32>
      %add3A_135 = arith.addf %scan3A_125, %mul3A_134 : vector<16xf32>
      %mul3A_136 = arith.constant 8 : i32
      %mul3A_137 = arith.muli %scan3A_121, %mul3A_136 : i32
      %add3A_138 = arith.constant 1 : i32
      %add3A_139 = arith.addi %mul3A_137, %add3A_138 : i32
      %mul3A_140 = arith.constant 16 : i32
      %mul3A_141 = arith.muli %add3A_139, %mul3A_140 : i32
      %get3A_142 = arith.index_cast %mul3A_141 : i32 to index
      %get3A_143 = tpu.vector_load %arg4[%get3A_142] {strides = array<i32>} : memref<32768xf32, #tpu.memory_space<vmem>>, vector<16xf32>,
      %min3A_144 = arith.minimumf %min3A, %get3A_143 : vector<16xf32>
      %max3A_145 = arith.maximumf %max3A, %get3A_143 : vector<16xf32>
      %add3A_146 = arith.addf %add3A_133, %get3A_143 : vector<16xf32>
      %mul3A_147 = arith.mulf %get3A_143, %get3A_143 : vector<16xf32>
      %add3A_148 = arith.addf %add3A_135, %mul3A_147 : vector<16xf32>
      %mul3A_149 = arith.constant 8 : i32
      %mul3A_150 = arith.muli %scan3A_121, %mul3A_149 : i32
      %add3A_151 = arith.constant 2 : i32
      %add3A_152 = arith.addi %mul3A_150, %add3A_151 : i32
      %mul3A_153 = arith.constant 16 : i32
      %mul3A_154 = arith.muli %add3A_152, %mul3A_153 : i32
      %get3A_155 = arith.index_cast %mul3A_154 : i32 to index
      %get3A_156 = tpu.vector_load %arg4[%get3A_155] {strides = array<i32>} : memref<32768xf32, #tpu.memory_space<vmem>>, vector<16xf32>,
      %min3A_157 = arith.minimumf %min3A_144, %get3A_156 : vector<16xf32>
      %max3A_158 = arith.maximumf %max3A_145, %get3A_156 : vector<16xf32>
      %add3A_159 = arith.addf %add3A_146, %get3A_156 : vector<16xf32>
      %mul3A_160 = arith.mulf %get3A_156, %get3A_156 : vector<16xf32>
      %add3A_161 = arith.addf %add3A_148, %mul3A_160 : vector<16xf32>
      %mul3A_162 = arith.constant 8 : i32
      %mul3A_163 = arith.muli %scan3A_121, %mul3A_162 : i32
      %add3A_164 = arith.constant 3 : i32
      %add3A_165 = arith.addi %mul3A_163, %add3A_164 : i32
      %mul3A_166 = arith.constant 16 : i32
      %mul3A_167 = arith.muli %add3A_165, %mul3A_166 : i32
      %get3A_168 = arith.index_cast %mul3A_167 : i32 to index
      %get3A_169 = tpu.vector_load %arg4[%get3A_168] {strides = array<i32>} : memref<32768xf32, #tpu.memory_space<vmem>>, vector<16xf32>,
      %min3A_170 = arith.minimumf %min3A_157, %get3A_169 : vector<16xf32>
      %max3A_171 = arith.maximumf %max3A_158, %get3A_169 : vector<16xf32>
      %add3A_172 = arith.addf %add3A_159, %get3A_169 : vector<16xf32>
      %mul3A_173 = arith.mulf %get3A_169, %get3A_169 : vector<16xf32>
      %add3A_174 = arith.addf %add3A_161, %mul3A_173 : vector<16xf32>
      %mul3A_175 = arith.constant 8 : i32
      %mul3A_176 = arith.muli %scan3A_121, %mul3A_175 : i32
      %add3A_177 = arith.constant 4 : i32
      %add3A_178 = arith.addi %mul3A_176, %add3A_177 : i32
      %mul3A_179 = arith.constant 16 : i32
      %mul3A_180 = arith.muli %add3A_178, %mul3A_179 : i32
      %get3A_181 = arith.index_cast %mul3A_180 : i32 to index
      %get3A_182 = tpu.vector_load %arg4[%get3A_181] {strides = array<i32>} : memref<32768xf32, #tpu.memory_space<vmem>>, vector<16xf32>,
      %min3A_183 = arith.minimumf %min3A_170, %get3A_182 : vector<16xf32>
      %max3A_184 = arith.maximumf %max3A_171, %get3A_182 : vector<16xf32>
      %add3A_185 = arith.addf %add3A_172, %get3A_182 : vector<16xf32>
      %mul3A_186 = arith.mulf %get3A_182, %get3A_182 : vector<16xf32>
      %add3A_187 = arith.addf %add3A_174, %mul3A_186 : vector<16xf32>
      %mul3A_188 = arith.constant 8 : i32
      %mul3A_189 = arith.muli %scan3A_121, %mul3A_188 : i32
      %add3A_190 = arith.constant 5 : i32
      %add3A_191 = arith.addi %mul3A_189, %add3A_190 : i32
      %mul3A_192 = arith.constant 16 : i32
      %mul3A_193 = arith.muli %add3A_191, %mul3A_192 : i32
      %get3A_194 = arith.index_cast %mul3A_193 : i32 to index
      %get3A_195 = tpu.vector_load %arg4[%get3A_194] {strides = array<i32>} : memref<32768xf32, #tpu.memory_space<vmem>>, vector<16xf32>,
      %min3A_196 = arith.minimumf %min3A_183, %get3A_195 : vector<16xf32>
      %max3A_197 = arith.maximumf %max3A_184, %get3A_195 : vector<16xf32>
      %add3A_198 = arith.addf %add3A_185, %get3A_195 : vector<16xf32>
      %mul3A_199 = arith.mulf %get3A_195, %get3A_195 : vector<16xf32>
      %add3A_200 = arith.addf %add3A_187, %mul3A_199 : vector<16xf32>
      %mul3A_201 = arith.constant 8 : i32
      %mul3A_202 = arith.muli %scan3A_121, %mul3A_201 : i32
      %add3A_203 = arith.constant 6 : i32
      %add3A_204 = arith.addi %mul3A_202, %add3A_203 : i32
      %mul3A_205 = arith.constant 16 : i32
      %mul3A_206 = arith.muli %add3A_204, %mul3A_205 : i32
      %get3A_207 = arith.index_cast %mul3A_206 : i32 to index
      %get3A_208 = tpu.vector_load %arg4[%get3A_207] {strides = array<i32>} : memref<32768xf32, #tpu.memory_space<vmem>>, vector<16xf32>,
      %min3A_209 = arith.minimumf %min3A_196, %get3A_208 : vector<16xf32>
      %max3A_210 = arith.maximumf %max3A_197, %get3A_208 : vector<16xf32>
      %add3A_211 = arith.addf %add3A_198, %get3A_208 : vector<16xf32>
      %mul3A_212 = arith.mulf %get3A_208, %get3A_208 : vector<16xf32>
      %add3A_213 = arith.addf %add3A_200, %mul3A_212 : vector<16xf32>
      %mul3A_214 = arith.constant 8 : i32
      %mul3A_215 = arith.muli %scan3A_121, %mul3A_214 : i32
      %add3A_216 = arith.constant 7 : i32
      %add3A_217 = arith.addi %mul3A_215, %add3A_216 : i32
      %mul3A_218 = arith.constant 16 : i32
      %mul3A_219 = arith.muli %add3A_217, %mul3A_218 : i32
      %get3A_220 = arith.index_cast %mul3A_219 : i32 to index
      %get3A_221 = tpu.vector_load %arg4[%get3A_220] {strides = array<i32>} : memref<32768xf32, #tpu.memory_space<vmem>>, vector<16xf32>,
      %min3A_222 = arith.minimumf %min3A_209, %get3A_221 : vector<16xf32>
      %max3A_223 = arith.maximumf %max3A_210, %get3A_221 : vector<16xf32>
      %add3A_224 = arith.addf %add3A_211, %get3A_221 : vector<16xf32>
      %mul3A_225 = arith.mulf %get3A_221, %get3A_221 : vector<16xf32>
      %add3A_226 = arith.addf %add3A_213, %mul3A_225 : vector<16xf32>
      scf.yield %min3A_222, %max3A_223, %add3A_224, %add3A_226 : vector<16xf32>, vector<16xf32>, vector<16xf32>, vector<16xf32>
    }
    %scan3A_82 = arith.constant 256 : i32
    %add3A_83 = arith.constant 196608 : i32
    %add3A_84 = arith.addi %add3A_4, %add3A_83 : i32
    %dma_start3A_85 = tpu.memref_slice %arg2[%add3A_84] : memref<16777216xf32, #tpu.memory_space<hbm>> -> memref<32768xf32, #tpu.memory_space<hbm>>
    %dma_start3A_86 = tpu.memref_slice %arg2[%add3A_84] : memref<16777216xf32, #tpu.memory_space<hbm>> -> memref<32768xf32, #tpu.memory_space<hbm>>
    tpu.enqueue_dma source(%dma_start3A_86 : memref<32768xf32, #tpu.memory_space<hbm>>) target(%arg4 : memref<32768xf32, #tpu.memory_space<vmem>>) target_semaphore(%arg7 : memref<!tpu.dma_semaphore, #tpu.memory_space<semaphore_mem>>)
    %add3A_87 = arith.constant 163840 : i32
    %add3A_88 = arith.addi %add3A_4, %add3A_87 : i32
    %dma_wait3A_89 = tpu.memref_slice %arg2[%add3A_88] : memref<16777216xf32, #tpu.memory_space<hbm>> -> memref<32768xf32, #tpu.memory_space<hbm>>
    %dma_wait3A_90 = tpu.memref_slice %arg2[%add3A_88] : memref<16777216xf32, #tpu.memory_space<hbm>> -> memref<32768xf32, #tpu.memory_space<hbm>>
    tpu.wait_dma2 semaphore(%arg8 : memref<!tpu.dma_semaphore, #tpu.memory_space<semaphore_mem>>) src(%dma_wait3A_90 : memref<32768xf32, #tpu.memory_space<hbm>>) dst(%arg5 : memref<32768xf32, #tpu.memory_space<vmem>>)
    %scan3A_91 = arith.constant 0 : i32
    %scan3A_92 = arith.constant 256 : i32
    %scan3A_93 = arith.addi %scan3A_91, %scan3A_92 : i32
    %scan3A_94 = arith.constant 1 : i32
    %scan3A_95:4 = scf.for %scan3A_121 = %scan3A_91 to %scan3A_93 step %scan3A_94 iter_args(%scan3A_122 = %scan3A_81#0, %scan3A_123 = %scan3A_81#1, %scan3A_124 = %scan3A_81#2, %scan3A_125 = %scan3A_81#3) -> (vector<16xf32>, vector<16xf32>, vector<16xf32>, vector<16xf32>)  : i32 {
      %mul3A_126 = arith.constant 8 : i32
      %mul3A_127 = arith.muli %scan3A_121, %mul3A_126 : i32
      %add3A_128 = arith.constant 0 : i32
      %add3A_129 = arith.addi %mul3A_127, %add3A_128 : i32
      %mul3A_130 = arith.constant 16 : i32
      %mul3A_131 = arith.muli %add3A_129, %mul3A_130 : i32
      %get3A = arith.index_cast %mul3A_131 : i32 to index
      %get3A_132 = tpu.vector_load %arg5[%get3A] {strides = array<i32>} : memref<32768xf32, #tpu.memory_space<vmem>>, vector<16xf32>,
      %min3A = arith.minimumf %scan3A_122, %get3A_132 : vector<16xf32>
      %max3A = arith.maximumf %scan3A_123, %get3A_132 : vector<16xf32>
      %add3A_133 = arith.addf %scan3A_124, %get3A_132 : vector<16xf32>
      %mul3A_134 = arith.mulf %get3A_132, %get3A_132 : vector<16xf32>
      %add3A_135 = arith.addf %scan3A_125, %mul3A_134 : vector<16xf32>
      %mul3A_136 = arith.constant 8 : i32
      %mul3A_137 = arith.muli %scan3A_121, %mul3A_136 : i32
      %add3A_138 = arith.constant 1 : i32
      %add3A_139 = arith.addi %mul3A_137, %add3A_138 : i32
      %mul3A_140 = arith.constant 16 : i32
      %mul3A_141 = arith.muli %add3A_139, %mul3A_140 : i32
      %get3A_142 = arith.index_cast %mul3A_141 : i32 to index
      %get3A_143 = tpu.vector_load %arg5[%get3A_142] {strides = array<i32>} : memref<32768xf32, #tpu.memory_space<vmem>>, vector<16xf32>,
      %min3A_144 = arith.minimumf %min3A, %get3A_143 : vector<16xf32>
      %max3A_145 = arith.maximumf %max3A, %get3A_143 : vector<16xf32>
      %add3A_146 = arith.addf %add3A_133, %get3A_143 : vector<16xf32>
      %mul3A_147 = arith.mulf %get3A_143, %get3A_143 : vector<16xf32>
      %add3A_148 = arith.addf %add3A_135, %mul3A_147 : vector<16xf32>
      %mul3A_149 = arith.constant 8 : i32
      %mul3A_150 = arith.muli %scan3A_121, %mul3A_149 : i32
      %add3A_151 = arith.constant 2 : i32
      %add3A_152 = arith.addi %mul3A_150, %add3A_151 : i32
      %mul3A_153 = arith.constant 16 : i32
      %mul3A_154 = arith.muli %add3A_152, %mul3A_153 : i32
      %get3A_155 = arith.index_cast %mul3A_154 : i32 to index
      %get3A_156 = tpu.vector_load %arg5[%get3A_155] {strides = array<i32>} : memref<32768xf32, #tpu.memory_space<vmem>>, vector<16xf32>,
      %min3A_157 = arith.minimumf %min3A_144, %get3A_156 : vector<16xf32>
      %max3A_158 = arith.maximumf %max3A_145, %get3A_156 : vector<16xf32>
      %add3A_159 = arith.addf %add3A_146, %get3A_156 : vector<16xf32>
      %mul3A_160 = arith.mulf %get3A_156, %get3A_156 : vector<16xf32>
      %add3A_161 = arith.addf %add3A_148, %mul3A_160 : vector<16xf32>
      %mul3A_162 = arith.constant 8 : i32
      %mul3A_163 = arith.muli %scan3A_121, %mul3A_162 : i32
      %add3A_164 = arith.constant 3 : i32
      %add3A_165 = arith.addi %mul3A_163, %add3A_164 : i32
      %mul3A_166 = arith.constant 16 : i32
      %mul3A_167 = arith.muli %add3A_165, %mul3A_166 : i32
      %get3A_168 = arith.index_cast %mul3A_167 : i32 to index
      %get3A_169 = tpu.vector_load %arg5[%get3A_168] {strides = array<i32>} : memref<32768xf32, #tpu.memory_space<vmem>>, vector<16xf32>,
      %min3A_170 = arith.minimumf %min3A_157, %get3A_169 : vector<16xf32>
      %max3A_171 = arith.maximumf %max3A_158, %get3A_169 : vector<16xf32>
      %add3A_172 = arith.addf %add3A_159, %get3A_169 : vector<16xf32>
      %mul3A_173 = arith.mulf %get3A_169, %get3A_169 : vector<16xf32>
      %add3A_174 = arith.addf %add3A_161, %mul3A_173 : vector<16xf32>
      %mul3A_175 = arith.constant 8 : i32
      %mul3A_176 = arith.muli %scan3A_121, %mul3A_175 : i32
      %add3A_177 = arith.constant 4 : i32
      %add3A_178 = arith.addi %mul3A_176, %add3A_177 : i32
      %mul3A_179 = arith.constant 16 : i32
      %mul3A_180 = arith.muli %add3A_178, %mul3A_179 : i32
      %get3A_181 = arith.index_cast %mul3A_180 : i32 to index
      %get3A_182 = tpu.vector_load %arg5[%get3A_181] {strides = array<i32>} : memref<32768xf32, #tpu.memory_space<vmem>>, vector<16xf32>,
      %min3A_183 = arith.minimumf %min3A_170, %get3A_182 : vector<16xf32>
      %max3A_184 = arith.maximumf %max3A_171, %get3A_182 : vector<16xf32>
      %add3A_185 = arith.addf %add3A_172, %get3A_182 : vector<16xf32>
      %mul3A_186 = arith.mulf %get3A_182, %get3A_182 : vector<16xf32>
      %add3A_187 = arith.addf %add3A_174, %mul3A_186 : vector<16xf32>
      %mul3A_188 = arith.constant 8 : i32
      %mul3A_189 = arith.muli %scan3A_121, %mul3A_188 : i32
      %add3A_190 = arith.constant 5 : i32
      %add3A_191 = arith.addi %mul3A_189, %add3A_190 : i32
      %mul3A_192 = arith.constant 16 : i32
      %mul3A_193 = arith.muli %add3A_191, %mul3A_192 : i32
      %get3A_194 = arith.index_cast %mul3A_193 : i32 to index
      %get3A_195 = tpu.vector_load %arg5[%get3A_194] {strides = array<i32>} : memref<32768xf32, #tpu.memory_space<vmem>>, vector<16xf32>,
      %min3A_196 = arith.minimumf %min3A_183, %get3A_195 : vector<16xf32>
      %max3A_197 = arith.maximumf %max3A_184, %get3A_195 : vector<16xf32>
      %add3A_198 = arith.addf %add3A_185, %get3A_195 : vector<16xf32>
      %mul3A_199 = arith.mulf %get3A_195, %get3A_195 : vector<16xf32>
      %add3A_200 = arith.addf %add3A_187, %mul3A_199 : vector<16xf32>
      %mul3A_201 = arith.constant 8 : i32
      %mul3A_202 = arith.muli %scan3A_121, %mul3A_201 : i32
      %add3A_203 = arith.constant 6 : i32
      %add3A_204 = arith.addi %mul3A_202, %add3A_203 : i32
      %mul3A_205 = arith.constant 16 : i32
      %mul3A_206 = arith.muli %add3A_204, %mul3A_205 : i32
      %get3A_207 = arith.index_cast %mul3A_206 : i32 to index
      %get3A_208 = tpu.vector_load %arg5[%get3A_207] {strides = array<i32>} : memref<32768xf32, #tpu.memory_space<vmem>>, vector<16xf32>,
      %min3A_209 = arith.minimumf %min3A_196, %get3A_208 : vector<16xf32>
      %max3A_210 = arith.maximumf %max3A_197, %get3A_208 : vector<16xf32>
      %add3A_211 = arith.addf %add3A_198, %get3A_208 : vector<16xf32>
      %mul3A_212 = arith.mulf %get3A_208, %get3A_208 : vector<16xf32>
      %add3A_213 = arith.addf %add3A_200, %mul3A_212 : vector<16xf32>
      %mul3A_214 = arith.constant 8 : i32
      %mul3A_215 = arith.muli %scan3A_121, %mul3A_214 : i32
      %add3A_216 = arith.constant 7 : i32
      %add3A_217 = arith.addi %mul3A_215, %add3A_216 : i32
      %mul3A_218 = arith.constant 16 : i32
      %mul3A_219 = arith.muli %add3A_217, %mul3A_218 : i32
      %get3A_220 = arith.index_cast %mul3A_219 : i32 to index
      %get3A_221 = tpu.vector_load %arg5[%get3A_220] {strides = array<i32>} : memref<32768xf32, #tpu.memory_space<vmem>>, vector<16xf32>,
      %min3A_222 = arith.minimumf %min3A_209, %get3A_221 : vector<16xf32>
      %max3A_223 = arith.maximumf %max3A_210, %get3A_221 : vector<16xf32>
      %add3A_224 = arith.addf %add3A_211, %get3A_221 : vector<16xf32>
      %mul3A_225 = arith.mulf %get3A_221, %get3A_221 : vector<16xf32>
      %add3A_226 = arith.addf %add3A_213, %mul3A_225 : vector<16xf32>
      scf.yield %min3A_222, %max3A_223, %add3A_224, %add3A_226 : vector<16xf32>, vector<16xf32>, vector<16xf32>, vector<16xf32>
    }
    %scan3A_96 = arith.constant 256 : i32
    %add3A_97 = arith.constant 196608 : i32
    %add3A_98 = arith.addi %add3A_4, %add3A_97 : i32
    %dma_wait3A_99 = tpu.memref_slice %arg2[%add3A_98] : memref<16777216xf32, #tpu.memory_space<hbm>> -> memref<32768xf32, #tpu.memory_space<hbm>>
    %dma_wait3A_100 = tpu.memref_slice %arg2[%add3A_98] : memref<16777216xf32, #tpu.memory_space<hbm>> -> memref<32768xf32, #tpu.memory_space<hbm>>
    tpu.wait_dma2 semaphore(%arg7 : memref<!tpu.dma_semaphore, #tpu.memory_space<semaphore_mem>>) src(%dma_wait3A_100 : memref<32768xf32, #tpu.memory_space<hbm>>) dst(%arg4 : memref<32768xf32, #tpu.memory_space<vmem>>)
    %scan3A_101 = arith.constant 0 : i32
    %scan3A_102 = arith.constant 256 : i32
    %scan3A_103 = arith.addi %scan3A_101, %scan3A_102 : i32
    %scan3A_104 = arith.constant 1 : i32
    %scan3A_105:4 = scf.for %scan3A_121 = %scan3A_101 to %scan3A_103 step %scan3A_104 iter_args(%scan3A_122 = %scan3A_95#0, %scan3A_123 = %scan3A_95#1, %scan3A_124 = %scan3A_95#2, %scan3A_125 = %scan3A_95#3) -> (vector<16xf32>, vector<16xf32>, vector<16xf32>, vector<16xf32>)  : i32 {
      %mul3A_126 = arith.constant 8 : i32
      %mul3A_127 = arith.muli %scan3A_121, %mul3A_126 : i32
      %add3A_128 = arith.constant 0 : i32
      %add3A_129 = arith.addi %mul3A_127, %add3A_128 : i32
      %mul3A_130 = arith.constant 16 : i32
      %mul3A_131 = arith.muli %add3A_129, %mul3A_130 : i32
      %get3A = arith.index_cast %mul3A_131 : i32 to index
      %get3A_132 = tpu.vector_load %arg4[%get3A] {strides = array<i32>} : memref<32768xf32, #tpu.memory_space<vmem>>, vector<16xf32>,
      %min3A = arith.minimumf %scan3A_122, %get3A_132 : vector<16xf32>
      %max3A = arith.maximumf %scan3A_123, %get3A_132 : vector<16xf32>
      %add3A_133 = arith.addf %scan3A_124, %get3A_132 : vector<16xf32>
      %mul3A_134 = arith.mulf %get3A_132, %get3A_132 : vector<16xf32>
      %add3A_135 = arith.addf %scan3A_125, %mul3A_134 : vector<16xf32>
      %mul3A_136 = arith.constant 8 : i32
      %mul3A_137 = arith.muli %scan3A_121, %mul3A_136 : i32
      %add3A_138 = arith.constant 1 : i32
      %add3A_139 = arith.addi %mul3A_137, %add3A_138 : i32
      %mul3A_140 = arith.constant 16 : i32
      %mul3A_141 = arith.muli %add3A_139, %mul3A_140 : i32
      %get3A_142 = arith.index_cast %mul3A_141 : i32 to index
      %get3A_143 = tpu.vector_load %arg4[%get3A_142] {strides = array<i32>} : memref<32768xf32, #tpu.memory_space<vmem>>, vector<16xf32>,
      %min3A_144 = arith.minimumf %min3A, %get3A_143 : vector<16xf32>
      %max3A_145 = arith.maximumf %max3A, %get3A_143 : vector<16xf32>
      %add3A_146 = arith.addf %add3A_133, %get3A_143 : vector<16xf32>
      %mul3A_147 = arith.mulf %get3A_143, %get3A_143 : vector<16xf32>
      %add3A_148 = arith.addf %add3A_135, %mul3A_147 : vector<16xf32>
      %mul3A_149 = arith.constant 8 : i32
      %mul3A_150 = arith.muli %scan3A_121, %mul3A_149 : i32
      %add3A_151 = arith.constant 2 : i32
      %add3A_152 = arith.addi %mul3A_150, %add3A_151 : i32
      %mul3A_153 = arith.constant 16 : i32
      %mul3A_154 = arith.muli %add3A_152, %mul3A_153 : i32
      %get3A_155 = arith.index_cast %mul3A_154 : i32 to index
      %get3A_156 = tpu.vector_load %arg4[%get3A_155] {strides = array<i32>} : memref<32768xf32, #tpu.memory_space<vmem>>, vector<16xf32>,
      %min3A_157 = arith.minimumf %min3A_144, %get3A_156 : vector<16xf32>
      %max3A_158 = arith.maximumf %max3A_145, %get3A_156 : vector<16xf32>
      %add3A_159 = arith.addf %add3A_146, %get3A_156 : vector<16xf32>
      %mul3A_160 = arith.mulf %get3A_156, %get3A_156 : vector<16xf32>
      %add3A_161 = arith.addf %add3A_148, %mul3A_160 : vector<16xf32>
      %mul3A_162 = arith.constant 8 : i32
      %mul3A_163 = arith.muli %scan3A_121, %mul3A_162 : i32
      %add3A_164 = arith.constant 3 : i32
      %add3A_165 = arith.addi %mul3A_163, %add3A_164 : i32
      %mul3A_166 = arith.constant 16 : i32
      %mul3A_167 = arith.muli %add3A_165, %mul3A_166 : i32
      %get3A_168 = arith.index_cast %mul3A_167 : i32 to index
      %get3A_169 = tpu.vector_load %arg4[%get3A_168] {strides = array<i32>} : memref<32768xf32, #tpu.memory_space<vmem>>, vector<16xf32>,
      %min3A_170 = arith.minimumf %min3A_157, %get3A_169 : vector<16xf32>
      %max3A_171 = arith.maximumf %max3A_158, %get3A_169 : vector<16xf32>
      %add3A_172 = arith.addf %add3A_159, %get3A_169 : vector<16xf32>
      %mul3A_173 = arith.mulf %get3A_169, %get3A_169 : vector<16xf32>
      %add3A_174 = arith.addf %add3A_161, %mul3A_173 : vector<16xf32>
      %mul3A_175 = arith.constant 8 : i32
      %mul3A_176 = arith.muli %scan3A_121, %mul3A_175 : i32
      %add3A_177 = arith.constant 4 : i32
      %add3A_178 = arith.addi %mul3A_176, %add3A_177 : i32
      %mul3A_179 = arith.constant 16 : i32
      %mul3A_180 = arith.muli %add3A_178, %mul3A_179 : i32
      %get3A_181 = arith.index_cast %mul3A_180 : i32 to index
      %get3A_182 = tpu.vector_load %arg4[%get3A_181] {strides = array<i32>} : memref<32768xf32, #tpu.memory_space<vmem>>, vector<16xf32>,
      %min3A_183 = arith.minimumf %min3A_170, %get3A_182 : vector<16xf32>
      %max3A_184 = arith.maximumf %max3A_171, %get3A_182 : vector<16xf32>
      %add3A_185 = arith.addf %add3A_172, %get3A_182 : vector<16xf32>
      %mul3A_186 = arith.mulf %get3A_182, %get3A_182 : vector<16xf32>
      %add3A_187 = arith.addf %add3A_174, %mul3A_186 : vector<16xf32>
      %mul3A_188 = arith.constant 8 : i32
      %mul3A_189 = arith.muli %scan3A_121, %mul3A_188 : i32
      %add3A_190 = arith.constant 5 : i32
      %add3A_191 = arith.addi %mul3A_189, %add3A_190 : i32
      %mul3A_192 = arith.constant 16 : i32
      %mul3A_193 = arith.muli %add3A_191, %mul3A_192 : i32
      %get3A_194 = arith.index_cast %mul3A_193 : i32 to index
      %get3A_195 = tpu.vector_load %arg4[%get3A_194] {strides = array<i32>} : memref<32768xf32, #tpu.memory_space<vmem>>, vector<16xf32>,
      %min3A_196 = arith.minimumf %min3A_183, %get3A_195 : vector<16xf32>
      %max3A_197 = arith.maximumf %max3A_184, %get3A_195 : vector<16xf32>
      %add3A_198 = arith.addf %add3A_185, %get3A_195 : vector<16xf32>
      %mul3A_199 = arith.mulf %get3A_195, %get3A_195 : vector<16xf32>
      %add3A_200 = arith.addf %add3A_187, %mul3A_199 : vector<16xf32>
      %mul3A_201 = arith.constant 8 : i32
      %mul3A_202 = arith.muli %scan3A_121, %mul3A_201 : i32
      %add3A_203 = arith.constant 6 : i32
      %add3A_204 = arith.addi %mul3A_202, %add3A_203 : i32
      %mul3A_205 = arith.constant 16 : i32
      %mul3A_206 = arith.muli %add3A_204, %mul3A_205 : i32
      %get3A_207 = arith.index_cast %mul3A_206 : i32 to index
      %get3A_208 = tpu.vector_load %arg4[%get3A_207] {strides = array<i32>} : memref<32768xf32, #tpu.memory_space<vmem>>, vector<16xf32>,
      %min3A_209 = arith.minimumf %min3A_196, %get3A_208 : vector<16xf32>
      %max3A_210 = arith.maximumf %max3A_197, %get3A_208 : vector<16xf32>
      %add3A_211 = arith.addf %add3A_198, %get3A_208 : vector<16xf32>
      %mul3A_212 = arith.mulf %get3A_208, %get3A_208 : vector<16xf32>
      %add3A_213 = arith.addf %add3A_200, %mul3A_212 : vector<16xf32>
      %mul3A_214 = arith.constant 8 : i32
      %mul3A_215 = arith.muli %scan3A_121, %mul3A_214 : i32
      %add3A_216 = arith.constant 7 : i32
      %add3A_217 = arith.addi %mul3A_215, %add3A_216 : i32
      %mul3A_218 = arith.constant 16 : i32
      %mul3A_219 = arith.muli %add3A_217, %mul3A_218 : i32
      %get3A_220 = arith.index_cast %mul3A_219 : i32 to index
      %get3A_221 = tpu.vector_load %arg4[%get3A_220] {strides = array<i32>} : memref<32768xf32, #tpu.memory_space<vmem>>, vector<16xf32>,
      %min3A_222 = arith.minimumf %min3A_209, %get3A_221 : vector<16xf32>
      %max3A_223 = arith.maximumf %max3A_210, %get3A_221 : vector<16xf32>
      %add3A_224 = arith.addf %add3A_211, %get3A_221 : vector<16xf32>
      %mul3A_225 = arith.mulf %get3A_221, %get3A_221 : vector<16xf32>
      %add3A_226 = arith.addf %add3A_213, %mul3A_225 : vector<16xf32>
      scf.yield %min3A_222, %max3A_223, %add3A_224, %add3A_226 : vector<16xf32>, vector<16xf32>, vector<16xf32>, vector<16xf32>
    }
    %scan3A_106 = arith.constant 256 : i32
    %swap3A = arith.constant 0 : index
    %swap3A_107 = tpu.vector_load %arg6[%swap3A] {strides = array<i32>} : memref<64xf32, #tpu.memory_space<vmem>>, vector<16xf32>,
    tpu.vector_store %arg6[%swap3A], %scan3A_105#0 {strides = array<i32>} : memref<64xf32, #tpu.memory_space<vmem>>, vector<16xf32>,
    %swap3A_108 = arith.constant 16 : index
    %swap3A_109 = tpu.vector_load %arg6[%swap3A_108] {strides = array<i32>} : memref<64xf32, #tpu.memory_space<vmem>>, vector<16xf32>,
    tpu.vector_store %arg6[%swap3A_108], %scan3A_105#1 {strides = array<i32>} : memref<64xf32, #tpu.memory_space<vmem>>, vector<16xf32>,
    %swap3A_110 = arith.constant 32 : index
    %swap3A_111 = tpu.vector_load %arg6[%swap3A_110] {strides = array<i32>} : memref<64xf32, #tpu.memory_space<vmem>>, vector<16xf32>,
    tpu.vector_store %arg6[%swap3A_110], %scan3A_105#2 {strides = array<i32>} : memref<64xf32, #tpu.memory_space<vmem>>, vector<16xf32>,
    %swap3A_112 = arith.constant 48 : index
    %swap3A_113 = tpu.vector_load %arg6[%swap3A_112] {strides = array<i32>} : memref<64xf32, #tpu.memory_space<vmem>>, vector<16xf32>,
    tpu.vector_store %arg6[%swap3A_112], %scan3A_105#3 {strides = array<i32>} : memref<64xf32, #tpu.memory_space<vmem>>, vector<16xf32>,
    %mul3A_114 = arith.constant 16 : i32
    %mul3A_115 = arith.muli %arg0, %mul3A_114 : i32
    %add3A_116 = arith.addi %mul3A_115, %arg1 : i32
    %mul3A_117 = arith.constant 4 : i32
    %mul3A_118 = arith.muli %add3A_116, %mul3A_117 : i32
    %mul3A_119 = arith.constant 16 : i32
    %mul3A_120 = arith.muli %mul3A_118, %mul3A_119 : i32
    "tpu.region"() ({
      %run_scoped3A = tpu.sem_alloc : memref<!tpu.dma_semaphore, #tpu.memory_space<semaphore_mem>>
      %dma_start3A_121 = tpu.memref_slice %arg3[%mul3A_120] : memref<2048xf32, #tpu.memory_space<hbm>> -> memref<64xf32, #tpu.memory_space<hbm>>
      %dma_start3A_122 = tpu.memref_slice %arg3[%mul3A_120] : memref<2048xf32, #tpu.memory_space<hbm>> -> memref<64xf32, #tpu.memory_space<hbm>>
      tpu.enqueue_dma source(%arg6 : memref<64xf32, #tpu.memory_space<vmem>>) target(%dma_start3A_122 : memref<64xf32, #tpu.memory_space<hbm>>) target_semaphore(%run_scoped3A : memref<!tpu.dma_semaphore, #tpu.memory_space<semaphore_mem>>)
      %dma_wait3A_123 = tpu.memref_slice %arg3[%mul3A_120] : memref<2048xf32, #tpu.memory_space<hbm>> -> memref<64xf32, #tpu.memory_space<hbm>>
      %dma_wait3A_124 = tpu.memref_slice %arg3[%mul3A_120] : memref<2048xf32, #tpu.memory_space<hbm>> -> memref<64xf32, #tpu.memory_space<hbm>>
      tpu.wait_dma2 semaphore(%run_scoped3A : memref<!tpu.dma_semaphore, #tpu.memory_space<semaphore_mem>>) src(%arg6 : memref<64xf32, #tpu.memory_space<vmem>>) dst(%dma_wait3A_124 : memref<64xf32, #tpu.memory_space<hbm>>)
      tpu.yield
    }) : () -> ()
    return
  }
}

#map = affine_map<(d0, d1) -> (0)>
module attributes {stable_mosaic.version = 14 : i64} {
  func.func @_hist_body(%arg0: i32, %arg1: i32, %arg2: memref<16777216xf32, #tpu.memory_space<hbm>>, %arg3: memref<32xf32, #tpu.memory_space<hbm>>, %arg4: memref<16384xf32, #tpu.memory_space<hbm>>, %arg5: memref<32768xf32, #tpu.memory_space<vmem>>, %arg6: memref<32768xf32, #tpu.memory_space<vmem>>, %arg7: memref<32xf32, #tpu.memory_space<vmem>>, %arg8: memref<512xf32, #tpu.memory_space<vmem>>, %arg9: memref<512xf32, #tpu.memory_space<vmem>>, %arg10: memref<512xf32, #tpu.memory_space<vmem>>, %arg11: memref<512xf32, #tpu.memory_space<vmem>>, %arg12: memref<512xf32, #tpu.memory_space<vmem>>, %arg13: memref<512xf32, #tpu.memory_space<vmem>>, %arg14: memref<512xf32, #tpu.memory_space<vmem>>, %arg15: memref<512xf32, #tpu.memory_space<vmem>>, %arg16: memref<!tpu.dma_semaphore, #tpu.memory_space<semaphore_mem>>, %arg17: memref<!tpu.dma_semaphore, #tpu.memory_space<semaphore_mem>>) attributes {dimension_semantics = [#tpu.dimension_semantics<core_parallel>, #tpu.dimension_semantics<subcore_parallel>], iteration_bounds = array<i64: 2, 16>, scalar_prefetch = 0 : i64, scratch_operands = 13 : i64, tpu.core_type = #tpu.core_type<sc_vector_subcore>, window_params = [{transform_indices = #map}, {transform_indices = #map}, {transform_indices = #map}]} {
    %mul3A = arith.constant 16 : i32
    %mul3A_0 = arith.muli %arg0, %mul3A : i32
    %add3A = arith.addi %mul3A_0, %arg1 : i32
    %mul3A_1 = arith.constant 163840 : i32
    %mul3A_2 = arith.muli %add3A, %mul3A_1 : i32
    %add3A_3 = arith.constant 11534336 : i32
    %add3A_4 = arith.addi %add3A_3, %mul3A_2 : i32
    %add3A_5 = arith.constant 0 : i32
    %add3A_6 = arith.addi %add3A_4, %add3A_5 : i32
    %dma_start3A = tpu.memref_slice %arg2[%add3A_6] : memref<16777216xf32, #tpu.memory_space<hbm>> -> memref<32768xf32, #tpu.memory_space<hbm>>
    %dma_start3A_7 = tpu.memref_slice %arg2[%add3A_6] : memref<16777216xf32, #tpu.memory_space<hbm>> -> memref<32768xf32, #tpu.memory_space<hbm>>
    tpu.enqueue_dma source(%dma_start3A_7 : memref<32768xf32, #tpu.memory_space<hbm>>) target(%arg5 : memref<32768xf32, #tpu.memory_space<vmem>>) target_semaphore(%arg16 : memref<!tpu.dma_semaphore, #tpu.memory_space<semaphore_mem>>)
    "tpu.region"() ({
      %run_scoped3A = tpu.sem_alloc : memref<!tpu.dma_semaphore, #tpu.memory_space<semaphore_mem>>
      tpu.enqueue_dma source(%arg3 : memref<32xf32, #tpu.memory_space<hbm>>) target(%arg7 : memref<32xf32, #tpu.memory_space<vmem>>) target_semaphore(%run_scoped3A : memref<!tpu.dma_semaphore, #tpu.memory_space<semaphore_mem>>)
      tpu.wait_dma2 semaphore(%run_scoped3A : memref<!tpu.dma_semaphore, #tpu.memory_space<semaphore_mem>>) src(%arg3 : memref<32xf32, #tpu.memory_space<hbm>>) dst(%arg7 : memref<32xf32, #tpu.memory_space<vmem>>)
      tpu.yield
    }) : () -> ()
    %get3A = arith.constant 0 : index
    %get3A_8 = tpu.vector_load %arg7[%get3A] {strides = array<i32>} : memref<32xf32, #tpu.memory_space<vmem>>, vector<16xf32>,
    %get3A_9 = arith.constant 16 : index
    %get3A_10 = tpu.vector_load %arg7[%get3A_9] {strides = array<i32>} : memref<32xf32, #tpu.memory_space<vmem>>, vector<16xf32>,
    %iota3A = tpu.iota {dimensions = array<i32: 0>} : vector<16xi32>
    %broadcast_in_dim3A = arith.constant 1.000000e+00 : f32
    %broadcast_in_dim3A_11 = vector.broadcast %broadcast_in_dim3A : f32 to vector<16xf32>
    %broadcast_in_dim3A_12 = arith.constant 0.000000e+00 : f32
    %broadcast_in_dim3A_13 = vector.broadcast %broadcast_in_dim3A_12 : f32 to vector<16xf32>
    %scan3A = arith.constant 0 : i32
    %scan3A_14 = arith.constant 0 : i32
    %scan3A_15 = arith.constant 32 : i32
    %scan3A_16 = arith.addi %scan3A_14, %scan3A_15 : i32
    %scan3A_17 = arith.constant 1 : i32
    %scan3A_18 = scf.for %scan3A_104 = %scan3A_14 to %scan3A_16 step %scan3A_17 iter_args(%scan3A_105 = %scan3A) -> (i32)  : i32 {
      %mul3A_106 = arith.constant 16 : i32
      %mul3A_107 = arith.muli %scan3A_104, %mul3A_106 : i32
      %swap3A = arith.index_cast %mul3A_107 : i32 to index
      %swap3A_108 = tpu.vector_load %arg8[%swap3A] {strides = array<i32>} : memref<512xf32, #tpu.memory_space<vmem>>, vector<16xf32>,
      tpu.vector_store %arg8[%swap3A], %broadcast_in_dim3A_13 {strides = array<i32>} : memref<512xf32, #tpu.memory_space<vmem>>, vector<16xf32>,
      %mul3A_109 = arith.constant 16 : i32
      %mul3A_110 = arith.muli %scan3A_104, %mul3A_109 : i32
      %swap3A_111 = arith.index_cast %mul3A_110 : i32 to index
      %swap3A_112 = tpu.vector_load %arg9[%swap3A_111] {strides = array<i32>} : memref<512xf32, #tpu.memory_space<vmem>>, vector<16xf32>,
      tpu.vector_store %arg9[%swap3A_111], %broadcast_in_dim3A_13 {strides = array<i32>} : memref<512xf32, #tpu.memory_space<vmem>>, vector<16xf32>,
      %mul3A_113 = arith.constant 16 : i32
      %mul3A_114 = arith.muli %scan3A_104, %mul3A_113 : i32
      %swap3A_115 = arith.index_cast %mul3A_114 : i32 to index
      %swap3A_116 = tpu.vector_load %arg10[%swap3A_115] {strides = array<i32>} : memref<512xf32, #tpu.memory_space<vmem>>, vector<16xf32>,
      tpu.vector_store %arg10[%swap3A_115], %broadcast_in_dim3A_13 {strides = array<i32>} : memref<512xf32, #tpu.memory_space<vmem>>, vector<16xf32>,
      %mul3A_117 = arith.constant 16 : i32
      %mul3A_118 = arith.muli %scan3A_104, %mul3A_117 : i32
      %swap3A_119 = arith.index_cast %mul3A_118 : i32 to index
      %swap3A_120 = tpu.vector_load %arg11[%swap3A_119] {strides = array<i32>} : memref<512xf32, #tpu.memory_space<vmem>>, vector<16xf32>,
      tpu.vector_store %arg11[%swap3A_119], %broadcast_in_dim3A_13 {strides = array<i32>} : memref<512xf32, #tpu.memory_space<vmem>>, vector<16xf32>,
      %mul3A_121 = arith.constant 16 : i32
      %mul3A_122 = arith.muli %scan3A_104, %mul3A_121 : i32
      %swap3A_123 = arith.index_cast %mul3A_122 : i32 to index
      %swap3A_124 = tpu.vector_load %arg12[%swap3A_123] {strides = array<i32>} : memref<512xf32, #tpu.memory_space<vmem>>, vector<16xf32>,
      tpu.vector_store %arg12[%swap3A_123], %broadcast_in_dim3A_13 {strides = array<i32>} : memref<512xf32, #tpu.memory_space<vmem>>, vector<16xf32>,
      %mul3A_125 = arith.constant 16 : i32
      %mul3A_126 = arith.muli %scan3A_104, %mul3A_125 : i32
      %swap3A_127 = arith.index_cast %mul3A_126 : i32 to index
      %swap3A_128 = tpu.vector_load %arg13[%swap3A_127] {strides = array<i32>} : memref<512xf32, #tpu.memory_space<vmem>>, vector<16xf32>,
      tpu.vector_store %arg13[%swap3A_127], %broadcast_in_dim3A_13 {strides = array<i32>} : memref<512xf32, #tpu.memory_space<vmem>>, vector<16xf32>,
      %mul3A_129 = arith.constant 16 : i32
      %mul3A_130 = arith.muli %scan3A_104, %mul3A_129 : i32
      %swap3A_131 = arith.index_cast %mul3A_130 : i32 to index
      %swap3A_132 = tpu.vector_load %arg14[%swap3A_131] {strides = array<i32>} : memref<512xf32, #tpu.memory_space<vmem>>, vector<16xf32>,
      tpu.vector_store %arg14[%swap3A_131], %broadcast_in_dim3A_13 {strides = array<i32>} : memref<512xf32, #tpu.memory_space<vmem>>, vector<16xf32>,
      %mul3A_133 = arith.constant 16 : i32
      %mul3A_134 = arith.muli %scan3A_104, %mul3A_133 : i32
      %swap3A_135 = arith.index_cast %mul3A_134 : i32 to index
      %swap3A_136 = tpu.vector_load %arg15[%swap3A_135] {strides = array<i32>} : memref<512xf32, #tpu.memory_space<vmem>>, vector<16xf32>,
      tpu.vector_store %arg15[%swap3A_135], %broadcast_in_dim3A_13 {strides = array<i32>} : memref<512xf32, #tpu.memory_space<vmem>>, vector<16xf32>,
      %scan3A_137 = arith.constant 0 : i32
      scf.yield %scan3A_137 : i32
    }
    %scan3A_19 = arith.constant 32 : i32
    %add3A_20 = arith.constant 32768 : i32
    %add3A_21 = arith.addi %add3A_4, %add3A_20 : i32
    %dma_start3A_22 = tpu.memref_slice %arg2[%add3A_21] : memref<16777216xf32, #tpu.memory_space<hbm>> -> memref<32768xf32, #tpu.memory_space<hbm>>
    %dma_start3A_23 = tpu.memref_slice %arg2[%add3A_21] : memref<16777216xf32, #tpu.memory_space<hbm>> -> memref<32768xf32, #tpu.memory_space<hbm>>
    tpu.enqueue_dma source(%dma_start3A_23 : memref<32768xf32, #tpu.memory_space<hbm>>) target(%arg6 : memref<32768xf32, #tpu.memory_space<vmem>>) target_semaphore(%arg17 : memref<!tpu.dma_semaphore, #tpu.memory_space<semaphore_mem>>)
    %add3A_24 = arith.constant 0 : i32
    %add3A_25 = arith.addi %add3A_4, %add3A_24 : i32
    %dma_wait3A = tpu.memref_slice %arg2[%add3A_25] : memref<16777216xf32, #tpu.memory_space<hbm>> -> memref<32768xf32, #tpu.memory_space<hbm>>
    %dma_wait3A_26 = tpu.memref_slice %arg2[%add3A_25] : memref<16777216xf32, #tpu.memory_space<hbm>> -> memref<32768xf32, #tpu.memory_space<hbm>>
    tpu.wait_dma2 semaphore(%arg16 : memref<!tpu.dma_semaphore, #tpu.memory_space<semaphore_mem>>) src(%dma_wait3A_26 : memref<32768xf32, #tpu.memory_space<hbm>>) dst(%arg5 : memref<32768xf32, #tpu.memory_space<vmem>>)
    %scan3A_27 = arith.constant 0 : i32
    %scan3A_28 = arith.constant 0 : i32
    %scan3A_29 = arith.constant 256 : i32
    %scan3A_30 = arith.addi %scan3A_28, %scan3A_29 : i32
    %scan3A_31 = arith.constant 1 : i32
    %scan3A_32 = scf.for %scan3A_104 = %scan3A_28 to %scan3A_30 step %scan3A_31 iter_args(%scan3A_105 = %scan3A_27) -> (i32)  : i32 {
      %mul3A_106 = arith.constant 8 : i32
      %mul3A_107 = arith.muli %scan3A_104, %mul3A_106 : i32
      %add3A_108 = arith.constant 0 : i32
      %add3A_109 = arith.addi %mul3A_107, %add3A_108 : i32
      %mul3A_110 = arith.constant 16 : i32
      %mul3A_111 = arith.muli %add3A_109, %mul3A_110 : i32
      %get3A_112 = arith.index_cast %mul3A_111 : i32 to index
      %get3A_113 = tpu.vector_load %arg5[%get3A_112] {strides = array<i32>} : memref<32768xf32, #tpu.memory_space<vmem>>, vector<16xf32>,
      %sub3A = arith.subf %get3A_113, %get3A_8 : vector<16xf32>
      %mul3A_114 = arith.mulf %sub3A, %get3A_10 : vector<16xf32>
      %convert_element_type3A = arith.fptosi %mul3A_114 : vector<16xf32> to vector<16xi32>
      %mul3A_115 = arith.constant 16 : i32
      %mul3A_116 = vector.broadcast %mul3A_115 : i32 to vector<16xi32>
      %mul3A_117 = arith.muli %convert_element_type3A, %mul3A_116 : vector<16xi32>
      %add3A_118 = arith.addi %mul3A_117, %iota3A : vector<16xi32>
      tpu.vector_store_idx %arg8[%add3A_118], %broadcast_in_dim3A_11 {add = true} : memref<512xf32, #tpu.memory_space<vmem>>[vector<16xi32>], vector<16xf32>,
      %mul3A_119 = arith.constant 8 : i32
      %mul3A_120 = arith.muli %scan3A_104, %mul3A_119 : i32
      %add3A_121 = arith.constant 1 : i32
      %add3A_122 = arith.addi %mul3A_120, %add3A_121 : i32
      %mul3A_123 = arith.constant 16 : i32
      %mul3A_124 = arith.muli %add3A_122, %mul3A_123 : i32
      %get3A_125 = arith.index_cast %mul3A_124 : i32 to index
      %get3A_126 = tpu.vector_load %arg5[%get3A_125] {strides = array<i32>} : memref<32768xf32, #tpu.memory_space<vmem>>, vector<16xf32>,
      %sub3A_127 = arith.subf %get3A_126, %get3A_8 : vector<16xf32>
      %mul3A_128 = arith.mulf %sub3A_127, %get3A_10 : vector<16xf32>
      %convert_element_type3A_129 = arith.fptosi %mul3A_128 : vector<16xf32> to vector<16xi32>
      %mul3A_130 = arith.constant 16 : i32
      %mul3A_131 = vector.broadcast %mul3A_130 : i32 to vector<16xi32>
      %mul3A_132 = arith.muli %convert_element_type3A_129, %mul3A_131 : vector<16xi32>
      %add3A_133 = arith.addi %mul3A_132, %iota3A : vector<16xi32>
      tpu.vector_store_idx %arg9[%add3A_133], %broadcast_in_dim3A_11 {add = true} : memref<512xf32, #tpu.memory_space<vmem>>[vector<16xi32>], vector<16xf32>,
      %mul3A_134 = arith.constant 8 : i32
      %mul3A_135 = arith.muli %scan3A_104, %mul3A_134 : i32
      %add3A_136 = arith.constant 2 : i32
      %add3A_137 = arith.addi %mul3A_135, %add3A_136 : i32
      %mul3A_138 = arith.constant 16 : i32
      %mul3A_139 = arith.muli %add3A_137, %mul3A_138 : i32
      %get3A_140 = arith.index_cast %mul3A_139 : i32 to index
      %get3A_141 = tpu.vector_load %arg5[%get3A_140] {strides = array<i32>} : memref<32768xf32, #tpu.memory_space<vmem>>, vector<16xf32>,
      %sub3A_142 = arith.subf %get3A_141, %get3A_8 : vector<16xf32>
      %mul3A_143 = arith.mulf %sub3A_142, %get3A_10 : vector<16xf32>
      %convert_element_type3A_144 = arith.fptosi %mul3A_143 : vector<16xf32> to vector<16xi32>
      %mul3A_145 = arith.constant 16 : i32
      %mul3A_146 = vector.broadcast %mul3A_145 : i32 to vector<16xi32>
      %mul3A_147 = arith.muli %convert_element_type3A_144, %mul3A_146 : vector<16xi32>
      %add3A_148 = arith.addi %mul3A_147, %iota3A : vector<16xi32>
      tpu.vector_store_idx %arg10[%add3A_148], %broadcast_in_dim3A_11 {add = true} : memref<512xf32, #tpu.memory_space<vmem>>[vector<16xi32>], vector<16xf32>,
      %mul3A_149 = arith.constant 8 : i32
      %mul3A_150 = arith.muli %scan3A_104, %mul3A_149 : i32
      %add3A_151 = arith.constant 3 : i32
      %add3A_152 = arith.addi %mul3A_150, %add3A_151 : i32
      %mul3A_153 = arith.constant 16 : i32
      %mul3A_154 = arith.muli %add3A_152, %mul3A_153 : i32
      %get3A_155 = arith.index_cast %mul3A_154 : i32 to index
      %get3A_156 = tpu.vector_load %arg5[%get3A_155] {strides = array<i32>} : memref<32768xf32, #tpu.memory_space<vmem>>, vector<16xf32>,
      %sub3A_157 = arith.subf %get3A_156, %get3A_8 : vector<16xf32>
      %mul3A_158 = arith.mulf %sub3A_157, %get3A_10 : vector<16xf32>
      %convert_element_type3A_159 = arith.fptosi %mul3A_158 : vector<16xf32> to vector<16xi32>
      %mul3A_160 = arith.constant 16 : i32
      %mul3A_161 = vector.broadcast %mul3A_160 : i32 to vector<16xi32>
      %mul3A_162 = arith.muli %convert_element_type3A_159, %mul3A_161 : vector<16xi32>
      %add3A_163 = arith.addi %mul3A_162, %iota3A : vector<16xi32>
      tpu.vector_store_idx %arg11[%add3A_163], %broadcast_in_dim3A_11 {add = true} : memref<512xf32, #tpu.memory_space<vmem>>[vector<16xi32>], vector<16xf32>,
      %mul3A_164 = arith.constant 8 : i32
      %mul3A_165 = arith.muli %scan3A_104, %mul3A_164 : i32
      %add3A_166 = arith.constant 4 : i32
      %add3A_167 = arith.addi %mul3A_165, %add3A_166 : i32
      %mul3A_168 = arith.constant 16 : i32
      %mul3A_169 = arith.muli %add3A_167, %mul3A_168 : i32
      %get3A_170 = arith.index_cast %mul3A_169 : i32 to index
      %get3A_171 = tpu.vector_load %arg5[%get3A_170] {strides = array<i32>} : memref<32768xf32, #tpu.memory_space<vmem>>, vector<16xf32>,
      %sub3A_172 = arith.subf %get3A_171, %get3A_8 : vector<16xf32>
      %mul3A_173 = arith.mulf %sub3A_172, %get3A_10 : vector<16xf32>
      %convert_element_type3A_174 = arith.fptosi %mul3A_173 : vector<16xf32> to vector<16xi32>
      %mul3A_175 = arith.constant 16 : i32
      %mul3A_176 = vector.broadcast %mul3A_175 : i32 to vector<16xi32>
      %mul3A_177 = arith.muli %convert_element_type3A_174, %mul3A_176 : vector<16xi32>
      %add3A_178 = arith.addi %mul3A_177, %iota3A : vector<16xi32>
      tpu.vector_store_idx %arg12[%add3A_178], %broadcast_in_dim3A_11 {add = true} : memref<512xf32, #tpu.memory_space<vmem>>[vector<16xi32>], vector<16xf32>,
      %mul3A_179 = arith.constant 8 : i32
      %mul3A_180 = arith.muli %scan3A_104, %mul3A_179 : i32
      %add3A_181 = arith.constant 5 : i32
      %add3A_182 = arith.addi %mul3A_180, %add3A_181 : i32
      %mul3A_183 = arith.constant 16 : i32
      %mul3A_184 = arith.muli %add3A_182, %mul3A_183 : i32
      %get3A_185 = arith.index_cast %mul3A_184 : i32 to index
      %get3A_186 = tpu.vector_load %arg5[%get3A_185] {strides = array<i32>} : memref<32768xf32, #tpu.memory_space<vmem>>, vector<16xf32>,
      %sub3A_187 = arith.subf %get3A_186, %get3A_8 : vector<16xf32>
      %mul3A_188 = arith.mulf %sub3A_187, %get3A_10 : vector<16xf32>
      %convert_element_type3A_189 = arith.fptosi %mul3A_188 : vector<16xf32> to vector<16xi32>
      %mul3A_190 = arith.constant 16 : i32
      %mul3A_191 = vector.broadcast %mul3A_190 : i32 to vector<16xi32>
      %mul3A_192 = arith.muli %convert_element_type3A_189, %mul3A_191 : vector<16xi32>
      %add3A_193 = arith.addi %mul3A_192, %iota3A : vector<16xi32>
      tpu.vector_store_idx %arg13[%add3A_193], %broadcast_in_dim3A_11 {add = true} : memref<512xf32, #tpu.memory_space<vmem>>[vector<16xi32>], vector<16xf32>,
      %mul3A_194 = arith.constant 8 : i32
      %mul3A_195 = arith.muli %scan3A_104, %mul3A_194 : i32
      %add3A_196 = arith.constant 6 : i32
      %add3A_197 = arith.addi %mul3A_195, %add3A_196 : i32
      %mul3A_198 = arith.constant 16 : i32
      %mul3A_199 = arith.muli %add3A_197, %mul3A_198 : i32
      %get3A_200 = arith.index_cast %mul3A_199 : i32 to index
      %get3A_201 = tpu.vector_load %arg5[%get3A_200] {strides = array<i32>} : memref<32768xf32, #tpu.memory_space<vmem>>, vector<16xf32>,
      %sub3A_202 = arith.subf %get3A_201, %get3A_8 : vector<16xf32>
      %mul3A_203 = arith.mulf %sub3A_202, %get3A_10 : vector<16xf32>
      %convert_element_type3A_204 = arith.fptosi %mul3A_203 : vector<16xf32> to vector<16xi32>
      %mul3A_205 = arith.constant 16 : i32
      %mul3A_206 = vector.broadcast %mul3A_205 : i32 to vector<16xi32>
      %mul3A_207 = arith.muli %convert_element_type3A_204, %mul3A_206 : vector<16xi32>
      %add3A_208 = arith.addi %mul3A_207, %iota3A : vector<16xi32>
      tpu.vector_store_idx %arg14[%add3A_208], %broadcast_in_dim3A_11 {add = true} : memref<512xf32, #tpu.memory_space<vmem>>[vector<16xi32>], vector<16xf32>,
      %mul3A_209 = arith.constant 8 : i32
      %mul3A_210 = arith.muli %scan3A_104, %mul3A_209 : i32
      %add3A_211 = arith.constant 7 : i32
      %add3A_212 = arith.addi %mul3A_210, %add3A_211 : i32
      %mul3A_213 = arith.constant 16 : i32
      %mul3A_214 = arith.muli %add3A_212, %mul3A_213 : i32
      %get3A_215 = arith.index_cast %mul3A_214 : i32 to index
      %get3A_216 = tpu.vector_load %arg5[%get3A_215] {strides = array<i32>} : memref<32768xf32, #tpu.memory_space<vmem>>, vector<16xf32>,
      %sub3A_217 = arith.subf %get3A_216, %get3A_8 : vector<16xf32>
      %mul3A_218 = arith.mulf %sub3A_217, %get3A_10 : vector<16xf32>
      %convert_element_type3A_219 = arith.fptosi %mul3A_218 : vector<16xf32> to vector<16xi32>
      %mul3A_220 = arith.constant 16 : i32
      %mul3A_221 = vector.broadcast %mul3A_220 : i32 to vector<16xi32>
      %mul3A_222 = arith.muli %convert_element_type3A_219, %mul3A_221 : vector<16xi32>
      %add3A_223 = arith.addi %mul3A_222, %iota3A : vector<16xi32>
      tpu.vector_store_idx %arg15[%add3A_223], %broadcast_in_dim3A_11 {add = true} : memref<512xf32, #tpu.memory_space<vmem>>[vector<16xi32>], vector<16xf32>,
      %scan3A_224 = arith.constant 0 : i32
      scf.yield %scan3A_224 : i32
    }
    %scan3A_33 = arith.constant 256 : i32
    %add3A_34 = arith.constant 65536 : i32
    %add3A_35 = arith.addi %add3A_4, %add3A_34 : i32
    %dma_start3A_36 = tpu.memref_slice %arg2[%add3A_35] : memref<16777216xf32, #tpu.memory_space<hbm>> -> memref<32768xf32, #tpu.memory_space<hbm>>
    %dma_start3A_37 = tpu.memref_slice %arg2[%add3A_35] : memref<16777216xf32, #tpu.memory_space<hbm>> -> memref<32768xf32, #tpu.memory_space<hbm>>
    tpu.enqueue_dma source(%dma_start3A_37 : memref<32768xf32, #tpu.memory_space<hbm>>) target(%arg5 : memref<32768xf32, #tpu.memory_space<vmem>>) target_semaphore(%arg16 : memref<!tpu.dma_semaphore, #tpu.memory_space<semaphore_mem>>)
    %add3A_38 = arith.constant 32768 : i32
    %add3A_39 = arith.addi %add3A_4, %add3A_38 : i32
    %dma_wait3A_40 = tpu.memref_slice %arg2[%add3A_39] : memref<16777216xf32, #tpu.memory_space<hbm>> -> memref<32768xf32, #tpu.memory_space<hbm>>
    %dma_wait3A_41 = tpu.memref_slice %arg2[%add3A_39] : memref<16777216xf32, #tpu.memory_space<hbm>> -> memref<32768xf32, #tpu.memory_space<hbm>>
    tpu.wait_dma2 semaphore(%arg17 : memref<!tpu.dma_semaphore, #tpu.memory_space<semaphore_mem>>) src(%dma_wait3A_41 : memref<32768xf32, #tpu.memory_space<hbm>>) dst(%arg6 : memref<32768xf32, #tpu.memory_space<vmem>>)
    %scan3A_42 = arith.constant 0 : i32
    %scan3A_43 = arith.constant 0 : i32
    %scan3A_44 = arith.constant 256 : i32
    %scan3A_45 = arith.addi %scan3A_43, %scan3A_44 : i32
    %scan3A_46 = arith.constant 1 : i32
    %scan3A_47 = scf.for %scan3A_104 = %scan3A_43 to %scan3A_45 step %scan3A_46 iter_args(%scan3A_105 = %scan3A_42) -> (i32)  : i32 {
      %mul3A_106 = arith.constant 8 : i32
      %mul3A_107 = arith.muli %scan3A_104, %mul3A_106 : i32
      %add3A_108 = arith.constant 0 : i32
      %add3A_109 = arith.addi %mul3A_107, %add3A_108 : i32
      %mul3A_110 = arith.constant 16 : i32
      %mul3A_111 = arith.muli %add3A_109, %mul3A_110 : i32
      %get3A_112 = arith.index_cast %mul3A_111 : i32 to index
      %get3A_113 = tpu.vector_load %arg6[%get3A_112] {strides = array<i32>} : memref<32768xf32, #tpu.memory_space<vmem>>, vector<16xf32>,
      %sub3A = arith.subf %get3A_113, %get3A_8 : vector<16xf32>
      %mul3A_114 = arith.mulf %sub3A, %get3A_10 : vector<16xf32>
      %convert_element_type3A = arith.fptosi %mul3A_114 : vector<16xf32> to vector<16xi32>
      %mul3A_115 = arith.constant 16 : i32
      %mul3A_116 = vector.broadcast %mul3A_115 : i32 to vector<16xi32>
      %mul3A_117 = arith.muli %convert_element_type3A, %mul3A_116 : vector<16xi32>
      %add3A_118 = arith.addi %mul3A_117, %iota3A : vector<16xi32>
      tpu.vector_store_idx %arg8[%add3A_118], %broadcast_in_dim3A_11 {add = true} : memref<512xf32, #tpu.memory_space<vmem>>[vector<16xi32>], vector<16xf32>,
      %mul3A_119 = arith.constant 8 : i32
      %mul3A_120 = arith.muli %scan3A_104, %mul3A_119 : i32
      %add3A_121 = arith.constant 1 : i32
      %add3A_122 = arith.addi %mul3A_120, %add3A_121 : i32
      %mul3A_123 = arith.constant 16 : i32
      %mul3A_124 = arith.muli %add3A_122, %mul3A_123 : i32
      %get3A_125 = arith.index_cast %mul3A_124 : i32 to index
      %get3A_126 = tpu.vector_load %arg6[%get3A_125] {strides = array<i32>} : memref<32768xf32, #tpu.memory_space<vmem>>, vector<16xf32>,
      %sub3A_127 = arith.subf %get3A_126, %get3A_8 : vector<16xf32>
      %mul3A_128 = arith.mulf %sub3A_127, %get3A_10 : vector<16xf32>
      %convert_element_type3A_129 = arith.fptosi %mul3A_128 : vector<16xf32> to vector<16xi32>
      %mul3A_130 = arith.constant 16 : i32
      %mul3A_131 = vector.broadcast %mul3A_130 : i32 to vector<16xi32>
      %mul3A_132 = arith.muli %convert_element_type3A_129, %mul3A_131 : vector<16xi32>
      %add3A_133 = arith.addi %mul3A_132, %iota3A : vector<16xi32>
      tpu.vector_store_idx %arg9[%add3A_133], %broadcast_in_dim3A_11 {add = true} : memref<512xf32, #tpu.memory_space<vmem>>[vector<16xi32>], vector<16xf32>,
      %mul3A_134 = arith.constant 8 : i32
      %mul3A_135 = arith.muli %scan3A_104, %mul3A_134 : i32
      %add3A_136 = arith.constant 2 : i32
      %add3A_137 = arith.addi %mul3A_135, %add3A_136 : i32
      %mul3A_138 = arith.constant 16 : i32
      %mul3A_139 = arith.muli %add3A_137, %mul3A_138 : i32
      %get3A_140 = arith.index_cast %mul3A_139 : i32 to index
      %get3A_141 = tpu.vector_load %arg6[%get3A_140] {strides = array<i32>} : memref<32768xf32, #tpu.memory_space<vmem>>, vector<16xf32>,
      %sub3A_142 = arith.subf %get3A_141, %get3A_8 : vector<16xf32>
      %mul3A_143 = arith.mulf %sub3A_142, %get3A_10 : vector<16xf32>
      %convert_element_type3A_144 = arith.fptosi %mul3A_143 : vector<16xf32> to vector<16xi32>
      %mul3A_145 = arith.constant 16 : i32
      %mul3A_146 = vector.broadcast %mul3A_145 : i32 to vector<16xi32>
      %mul3A_147 = arith.muli %convert_element_type3A_144, %mul3A_146 : vector<16xi32>
      %add3A_148 = arith.addi %mul3A_147, %iota3A : vector<16xi32>
      tpu.vector_store_idx %arg10[%add3A_148], %broadcast_in_dim3A_11 {add = true} : memref<512xf32, #tpu.memory_space<vmem>>[vector<16xi32>], vector<16xf32>,
      %mul3A_149 = arith.constant 8 : i32
      %mul3A_150 = arith.muli %scan3A_104, %mul3A_149 : i32
      %add3A_151 = arith.constant 3 : i32
      %add3A_152 = arith.addi %mul3A_150, %add3A_151 : i32
      %mul3A_153 = arith.constant 16 : i32
      %mul3A_154 = arith.muli %add3A_152, %mul3A_153 : i32
      %get3A_155 = arith.index_cast %mul3A_154 : i32 to index
      %get3A_156 = tpu.vector_load %arg6[%get3A_155] {strides = array<i32>} : memref<32768xf32, #tpu.memory_space<vmem>>, vector<16xf32>,
      %sub3A_157 = arith.subf %get3A_156, %get3A_8 : vector<16xf32>
      %mul3A_158 = arith.mulf %sub3A_157, %get3A_10 : vector<16xf32>
      %convert_element_type3A_159 = arith.fptosi %mul3A_158 : vector<16xf32> to vector<16xi32>
      %mul3A_160 = arith.constant 16 : i32
      %mul3A_161 = vector.broadcast %mul3A_160 : i32 to vector<16xi32>
      %mul3A_162 = arith.muli %convert_element_type3A_159, %mul3A_161 : vector<16xi32>
      %add3A_163 = arith.addi %mul3A_162, %iota3A : vector<16xi32>
      tpu.vector_store_idx %arg11[%add3A_163], %broadcast_in_dim3A_11 {add = true} : memref<512xf32, #tpu.memory_space<vmem>>[vector<16xi32>], vector<16xf32>,
      %mul3A_164 = arith.constant 8 : i32
      %mul3A_165 = arith.muli %scan3A_104, %mul3A_164 : i32
      %add3A_166 = arith.constant 4 : i32
      %add3A_167 = arith.addi %mul3A_165, %add3A_166 : i32
      %mul3A_168 = arith.constant 16 : i32
      %mul3A_169 = arith.muli %add3A_167, %mul3A_168 : i32
      %get3A_170 = arith.index_cast %mul3A_169 : i32 to index
      %get3A_171 = tpu.vector_load %arg6[%get3A_170] {strides = array<i32>} : memref<32768xf32, #tpu.memory_space<vmem>>, vector<16xf32>,
      %sub3A_172 = arith.subf %get3A_171, %get3A_8 : vector<16xf32>
      %mul3A_173 = arith.mulf %sub3A_172, %get3A_10 : vector<16xf32>
      %convert_element_type3A_174 = arith.fptosi %mul3A_173 : vector<16xf32> to vector<16xi32>
      %mul3A_175 = arith.constant 16 : i32
      %mul3A_176 = vector.broadcast %mul3A_175 : i32 to vector<16xi32>
      %mul3A_177 = arith.muli %convert_element_type3A_174, %mul3A_176 : vector<16xi32>
      %add3A_178 = arith.addi %mul3A_177, %iota3A : vector<16xi32>
      tpu.vector_store_idx %arg12[%add3A_178], %broadcast_in_dim3A_11 {add = true} : memref<512xf32, #tpu.memory_space<vmem>>[vector<16xi32>], vector<16xf32>,
      %mul3A_179 = arith.constant 8 : i32
      %mul3A_180 = arith.muli %scan3A_104, %mul3A_179 : i32
      %add3A_181 = arith.constant 5 : i32
      %add3A_182 = arith.addi %mul3A_180, %add3A_181 : i32
      %mul3A_183 = arith.constant 16 : i32
      %mul3A_184 = arith.muli %add3A_182, %mul3A_183 : i32
      %get3A_185 = arith.index_cast %mul3A_184 : i32 to index
      %get3A_186 = tpu.vector_load %arg6[%get3A_185] {strides = array<i32>} : memref<32768xf32, #tpu.memory_space<vmem>>, vector<16xf32>,
      %sub3A_187 = arith.subf %get3A_186, %get3A_8 : vector<16xf32>
      %mul3A_188 = arith.mulf %sub3A_187, %get3A_10 : vector<16xf32>
      %convert_element_type3A_189 = arith.fptosi %mul3A_188 : vector<16xf32> to vector<16xi32>
      %mul3A_190 = arith.constant 16 : i32
      %mul3A_191 = vector.broadcast %mul3A_190 : i32 to vector<16xi32>
      %mul3A_192 = arith.muli %convert_element_type3A_189, %mul3A_191 : vector<16xi32>
      %add3A_193 = arith.addi %mul3A_192, %iota3A : vector<16xi32>
      tpu.vector_store_idx %arg13[%add3A_193], %broadcast_in_dim3A_11 {add = true} : memref<512xf32, #tpu.memory_space<vmem>>[vector<16xi32>], vector<16xf32>,
      %mul3A_194 = arith.constant 8 : i32
      %mul3A_195 = arith.muli %scan3A_104, %mul3A_194 : i32
      %add3A_196 = arith.constant 6 : i32
      %add3A_197 = arith.addi %mul3A_195, %add3A_196 : i32
      %mul3A_198 = arith.constant 16 : i32
      %mul3A_199 = arith.muli %add3A_197, %mul3A_198 : i32
      %get3A_200 = arith.index_cast %mul3A_199 : i32 to index
      %get3A_201 = tpu.vector_load %arg6[%get3A_200] {strides = array<i32>} : memref<32768xf32, #tpu.memory_space<vmem>>, vector<16xf32>,
      %sub3A_202 = arith.subf %get3A_201, %get3A_8 : vector<16xf32>
      %mul3A_203 = arith.mulf %sub3A_202, %get3A_10 : vector<16xf32>
      %convert_element_type3A_204 = arith.fptosi %mul3A_203 : vector<16xf32> to vector<16xi32>
      %mul3A_205 = arith.constant 16 : i32
      %mul3A_206 = vector.broadcast %mul3A_205 : i32 to vector<16xi32>
      %mul3A_207 = arith.muli %convert_element_type3A_204, %mul3A_206 : vector<16xi32>
      %add3A_208 = arith.addi %mul3A_207, %iota3A : vector<16xi32>
      tpu.vector_store_idx %arg14[%add3A_208], %broadcast_in_dim3A_11 {add = true} : memref<512xf32, #tpu.memory_space<vmem>>[vector<16xi32>], vector<16xf32>,
      %mul3A_209 = arith.constant 8 : i32
      %mul3A_210 = arith.muli %scan3A_104, %mul3A_209 : i32
      %add3A_211 = arith.constant 7 : i32
      %add3A_212 = arith.addi %mul3A_210, %add3A_211 : i32
      %mul3A_213 = arith.constant 16 : i32
      %mul3A_214 = arith.muli %add3A_212, %mul3A_213 : i32
      %get3A_215 = arith.index_cast %mul3A_214 : i32 to index
      %get3A_216 = tpu.vector_load %arg6[%get3A_215] {strides = array<i32>} : memref<32768xf32, #tpu.memory_space<vmem>>, vector<16xf32>,
      %sub3A_217 = arith.subf %get3A_216, %get3A_8 : vector<16xf32>
      %mul3A_218 = arith.mulf %sub3A_217, %get3A_10 : vector<16xf32>
      %convert_element_type3A_219 = arith.fptosi %mul3A_218 : vector<16xf32> to vector<16xi32>
      %mul3A_220 = arith.constant 16 : i32
      %mul3A_221 = vector.broadcast %mul3A_220 : i32 to vector<16xi32>
      %mul3A_222 = arith.muli %convert_element_type3A_219, %mul3A_221 : vector<16xi32>
      %add3A_223 = arith.addi %mul3A_222, %iota3A : vector<16xi32>
      tpu.vector_store_idx %arg15[%add3A_223], %broadcast_in_dim3A_11 {add = true} : memref<512xf32, #tpu.memory_space<vmem>>[vector<16xi32>], vector<16xf32>,
      %scan3A_224 = arith.constant 0 : i32
      scf.yield %scan3A_224 : i32
    }
    %scan3A_48 = arith.constant 256 : i32
    %add3A_49 = arith.constant 98304 : i32
    %add3A_50 = arith.addi %add3A_4, %add3A_49 : i32
    %dma_start3A_51 = tpu.memref_slice %arg2[%add3A_50] : memref<16777216xf32, #tpu.memory_space<hbm>> -> memref<32768xf32, #tpu.memory_space<hbm>>
    %dma_start3A_52 = tpu.memref_slice %arg2[%add3A_50] : memref<16777216xf32, #tpu.memory_space<hbm>> -> memref<32768xf32, #tpu.memory_space<hbm>>
    tpu.enqueue_dma source(%dma_start3A_52 : memref<32768xf32, #tpu.memory_space<hbm>>) target(%arg6 : memref<32768xf32, #tpu.memory_space<vmem>>) target_semaphore(%arg17 : memref<!tpu.dma_semaphore, #tpu.memory_space<semaphore_mem>>)
    %add3A_53 = arith.constant 65536 : i32
    %add3A_54 = arith.addi %add3A_4, %add3A_53 : i32
    %dma_wait3A_55 = tpu.memref_slice %arg2[%add3A_54] : memref<16777216xf32, #tpu.memory_space<hbm>> -> memref<32768xf32, #tpu.memory_space<hbm>>
    %dma_wait3A_56 = tpu.memref_slice %arg2[%add3A_54] : memref<16777216xf32, #tpu.memory_space<hbm>> -> memref<32768xf32, #tpu.memory_space<hbm>>
    tpu.wait_dma2 semaphore(%arg16 : memref<!tpu.dma_semaphore, #tpu.memory_space<semaphore_mem>>) src(%dma_wait3A_56 : memref<32768xf32, #tpu.memory_space<hbm>>) dst(%arg5 : memref<32768xf32, #tpu.memory_space<vmem>>)
    %scan3A_57 = arith.constant 0 : i32
    %scan3A_58 = arith.constant 0 : i32
    %scan3A_59 = arith.constant 256 : i32
    %scan3A_60 = arith.addi %scan3A_58, %scan3A_59 : i32
    %scan3A_61 = arith.constant 1 : i32
    %scan3A_62 = scf.for %scan3A_104 = %scan3A_58 to %scan3A_60 step %scan3A_61 iter_args(%scan3A_105 = %scan3A_57) -> (i32)  : i32 {
      %mul3A_106 = arith.constant 8 : i32
      %mul3A_107 = arith.muli %scan3A_104, %mul3A_106 : i32
      %add3A_108 = arith.constant 0 : i32
      %add3A_109 = arith.addi %mul3A_107, %add3A_108 : i32
      %mul3A_110 = arith.constant 16 : i32
      %mul3A_111 = arith.muli %add3A_109, %mul3A_110 : i32
      %get3A_112 = arith.index_cast %mul3A_111 : i32 to index
      %get3A_113 = tpu.vector_load %arg5[%get3A_112] {strides = array<i32>} : memref<32768xf32, #tpu.memory_space<vmem>>, vector<16xf32>,
      %sub3A = arith.subf %get3A_113, %get3A_8 : vector<16xf32>
      %mul3A_114 = arith.mulf %sub3A, %get3A_10 : vector<16xf32>
      %convert_element_type3A = arith.fptosi %mul3A_114 : vector<16xf32> to vector<16xi32>
      %mul3A_115 = arith.constant 16 : i32
      %mul3A_116 = vector.broadcast %mul3A_115 : i32 to vector<16xi32>
      %mul3A_117 = arith.muli %convert_element_type3A, %mul3A_116 : vector<16xi32>
      %add3A_118 = arith.addi %mul3A_117, %iota3A : vector<16xi32>
      tpu.vector_store_idx %arg8[%add3A_118], %broadcast_in_dim3A_11 {add = true} : memref<512xf32, #tpu.memory_space<vmem>>[vector<16xi32>], vector<16xf32>,
      %mul3A_119 = arith.constant 8 : i32
      %mul3A_120 = arith.muli %scan3A_104, %mul3A_119 : i32
      %add3A_121 = arith.constant 1 : i32
      %add3A_122 = arith.addi %mul3A_120, %add3A_121 : i32
      %mul3A_123 = arith.constant 16 : i32
      %mul3A_124 = arith.muli %add3A_122, %mul3A_123 : i32
      %get3A_125 = arith.index_cast %mul3A_124 : i32 to index
      %get3A_126 = tpu.vector_load %arg5[%get3A_125] {strides = array<i32>} : memref<32768xf32, #tpu.memory_space<vmem>>, vector<16xf32>,
      %sub3A_127 = arith.subf %get3A_126, %get3A_8 : vector<16xf32>
      %mul3A_128 = arith.mulf %sub3A_127, %get3A_10 : vector<16xf32>
      %convert_element_type3A_129 = arith.fptosi %mul3A_128 : vector<16xf32> to vector<16xi32>
      %mul3A_130 = arith.constant 16 : i32
      %mul3A_131 = vector.broadcast %mul3A_130 : i32 to vector<16xi32>
      %mul3A_132 = arith.muli %convert_element_type3A_129, %mul3A_131 : vector<16xi32>
      %add3A_133 = arith.addi %mul3A_132, %iota3A : vector<16xi32>
      tpu.vector_store_idx %arg9[%add3A_133], %broadcast_in_dim3A_11 {add = true} : memref<512xf32, #tpu.memory_space<vmem>>[vector<16xi32>], vector<16xf32>,
      %mul3A_134 = arith.constant 8 : i32
      %mul3A_135 = arith.muli %scan3A_104, %mul3A_134 : i32
      %add3A_136 = arith.constant 2 : i32
      %add3A_137 = arith.addi %mul3A_135, %add3A_136 : i32
      %mul3A_138 = arith.constant 16 : i32
      %mul3A_139 = arith.muli %add3A_137, %mul3A_138 : i32
      %get3A_140 = arith.index_cast %mul3A_139 : i32 to index
      %get3A_141 = tpu.vector_load %arg5[%get3A_140] {strides = array<i32>} : memref<32768xf32, #tpu.memory_space<vmem>>, vector<16xf32>,
      %sub3A_142 = arith.subf %get3A_141, %get3A_8 : vector<16xf32>
      %mul3A_143 = arith.mulf %sub3A_142, %get3A_10 : vector<16xf32>
      %convert_element_type3A_144 = arith.fptosi %mul3A_143 : vector<16xf32> to vector<16xi32>
      %mul3A_145 = arith.constant 16 : i32
      %mul3A_146 = vector.broadcast %mul3A_145 : i32 to vector<16xi32>
      %mul3A_147 = arith.muli %convert_element_type3A_144, %mul3A_146 : vector<16xi32>
      %add3A_148 = arith.addi %mul3A_147, %iota3A : vector<16xi32>
      tpu.vector_store_idx %arg10[%add3A_148], %broadcast_in_dim3A_11 {add = true} : memref<512xf32, #tpu.memory_space<vmem>>[vector<16xi32>], vector<16xf32>,
      %mul3A_149 = arith.constant 8 : i32
      %mul3A_150 = arith.muli %scan3A_104, %mul3A_149 : i32
      %add3A_151 = arith.constant 3 : i32
      %add3A_152 = arith.addi %mul3A_150, %add3A_151 : i32
      %mul3A_153 = arith.constant 16 : i32
      %mul3A_154 = arith.muli %add3A_152, %mul3A_153 : i32
      %get3A_155 = arith.index_cast %mul3A_154 : i32 to index
      %get3A_156 = tpu.vector_load %arg5[%get3A_155] {strides = array<i32>} : memref<32768xf32, #tpu.memory_space<vmem>>, vector<16xf32>,
      %sub3A_157 = arith.subf %get3A_156, %get3A_8 : vector<16xf32>
      %mul3A_158 = arith.mulf %sub3A_157, %get3A_10 : vector<16xf32>
      %convert_element_type3A_159 = arith.fptosi %mul3A_158 : vector<16xf32> to vector<16xi32>
      %mul3A_160 = arith.constant 16 : i32
      %mul3A_161 = vector.broadcast %mul3A_160 : i32 to vector<16xi32>
      %mul3A_162 = arith.muli %convert_element_type3A_159, %mul3A_161 : vector<16xi32>
      %add3A_163 = arith.addi %mul3A_162, %iota3A : vector<16xi32>
      tpu.vector_store_idx %arg11[%add3A_163], %broadcast_in_dim3A_11 {add = true} : memref<512xf32, #tpu.memory_space<vmem>>[vector<16xi32>], vector<16xf32>,
      %mul3A_164 = arith.constant 8 : i32
      %mul3A_165 = arith.muli %scan3A_104, %mul3A_164 : i32
      %add3A_166 = arith.constant 4 : i32
      %add3A_167 = arith.addi %mul3A_165, %add3A_166 : i32
      %mul3A_168 = arith.constant 16 : i32
      %mul3A_169 = arith.muli %add3A_167, %mul3A_168 : i32
      %get3A_170 = arith.index_cast %mul3A_169 : i32 to index
      %get3A_171 = tpu.vector_load %arg5[%get3A_170] {strides = array<i32>} : memref<32768xf32, #tpu.memory_space<vmem>>, vector<16xf32>,
      %sub3A_172 = arith.subf %get3A_171, %get3A_8 : vector<16xf32>
      %mul3A_173 = arith.mulf %sub3A_172, %get3A_10 : vector<16xf32>
      %convert_element_type3A_174 = arith.fptosi %mul3A_173 : vector<16xf32> to vector<16xi32>
      %mul3A_175 = arith.constant 16 : i32
      %mul3A_176 = vector.broadcast %mul3A_175 : i32 to vector<16xi32>
      %mul3A_177 = arith.muli %convert_element_type3A_174, %mul3A_176 : vector<16xi32>
      %add3A_178 = arith.addi %mul3A_177, %iota3A : vector<16xi32>
      tpu.vector_store_idx %arg12[%add3A_178], %broadcast_in_dim3A_11 {add = true} : memref<512xf32, #tpu.memory_space<vmem>>[vector<16xi32>], vector<16xf32>,
      %mul3A_179 = arith.constant 8 : i32
      %mul3A_180 = arith.muli %scan3A_104, %mul3A_179 : i32
      %add3A_181 = arith.constant 5 : i32
      %add3A_182 = arith.addi %mul3A_180, %add3A_181 : i32
      %mul3A_183 = arith.constant 16 : i32
      %mul3A_184 = arith.muli %add3A_182, %mul3A_183 : i32
      %get3A_185 = arith.index_cast %mul3A_184 : i32 to index
      %get3A_186 = tpu.vector_load %arg5[%get3A_185] {strides = array<i32>} : memref<32768xf32, #tpu.memory_space<vmem>>, vector<16xf32>,
      %sub3A_187 = arith.subf %get3A_186, %get3A_8 : vector<16xf32>
      %mul3A_188 = arith.mulf %sub3A_187, %get3A_10 : vector<16xf32>
      %convert_element_type3A_189 = arith.fptosi %mul3A_188 : vector<16xf32> to vector<16xi32>
      %mul3A_190 = arith.constant 16 : i32
      %mul3A_191 = vector.broadcast %mul3A_190 : i32 to vector<16xi32>
      %mul3A_192 = arith.muli %convert_element_type3A_189, %mul3A_191 : vector<16xi32>
      %add3A_193 = arith.addi %mul3A_192, %iota3A : vector<16xi32>
      tpu.vector_store_idx %arg13[%add3A_193], %broadcast_in_dim3A_11 {add = true} : memref<512xf32, #tpu.memory_space<vmem>>[vector<16xi32>], vector<16xf32>,
      %mul3A_194 = arith.constant 8 : i32
      %mul3A_195 = arith.muli %scan3A_104, %mul3A_194 : i32
      %add3A_196 = arith.constant 6 : i32
      %add3A_197 = arith.addi %mul3A_195, %add3A_196 : i32
      %mul3A_198 = arith.constant 16 : i32
      %mul3A_199 = arith.muli %add3A_197, %mul3A_198 : i32
      %get3A_200 = arith.index_cast %mul3A_199 : i32 to index
      %get3A_201 = tpu.vector_load %arg5[%get3A_200] {strides = array<i32>} : memref<32768xf32, #tpu.memory_space<vmem>>, vector<16xf32>,
      %sub3A_202 = arith.subf %get3A_201, %get3A_8 : vector<16xf32>
      %mul3A_203 = arith.mulf %sub3A_202, %get3A_10 : vector<16xf32>
      %convert_element_type3A_204 = arith.fptosi %mul3A_203 : vector<16xf32> to vector<16xi32>
      %mul3A_205 = arith.constant 16 : i32
      %mul3A_206 = vector.broadcast %mul3A_205 : i32 to vector<16xi32>
      %mul3A_207 = arith.muli %convert_element_type3A_204, %mul3A_206 : vector<16xi32>
      %add3A_208 = arith.addi %mul3A_207, %iota3A : vector<16xi32>
      tpu.vector_store_idx %arg14[%add3A_208], %broadcast_in_dim3A_11 {add = true} : memref<512xf32, #tpu.memory_space<vmem>>[vector<16xi32>], vector<16xf32>,
      %mul3A_209 = arith.constant 8 : i32
      %mul3A_210 = arith.muli %scan3A_104, %mul3A_209 : i32
      %add3A_211 = arith.constant 7 : i32
      %add3A_212 = arith.addi %mul3A_210, %add3A_211 : i32
      %mul3A_213 = arith.constant 16 : i32
      %mul3A_214 = arith.muli %add3A_212, %mul3A_213 : i32
      %get3A_215 = arith.index_cast %mul3A_214 : i32 to index
      %get3A_216 = tpu.vector_load %arg5[%get3A_215] {strides = array<i32>} : memref<32768xf32, #tpu.memory_space<vmem>>, vector<16xf32>,
      %sub3A_217 = arith.subf %get3A_216, %get3A_8 : vector<16xf32>
      %mul3A_218 = arith.mulf %sub3A_217, %get3A_10 : vector<16xf32>
      %convert_element_type3A_219 = arith.fptosi %mul3A_218 : vector<16xf32> to vector<16xi32>
      %mul3A_220 = arith.constant 16 : i32
      %mul3A_221 = vector.broadcast %mul3A_220 : i32 to vector<16xi32>
      %mul3A_222 = arith.muli %convert_element_type3A_219, %mul3A_221 : vector<16xi32>
      %add3A_223 = arith.addi %mul3A_222, %iota3A : vector<16xi32>
      tpu.vector_store_idx %arg15[%add3A_223], %broadcast_in_dim3A_11 {add = true} : memref<512xf32, #tpu.memory_space<vmem>>[vector<16xi32>], vector<16xf32>,
      %scan3A_224 = arith.constant 0 : i32
      scf.yield %scan3A_224 : i32
    }
    %scan3A_63 = arith.constant 256 : i32
    %add3A_64 = arith.constant 131072 : i32
    %add3A_65 = arith.addi %add3A_4, %add3A_64 : i32
    %dma_start3A_66 = tpu.memref_slice %arg2[%add3A_65] : memref<16777216xf32, #tpu.memory_space<hbm>> -> memref<32768xf32, #tpu.memory_space<hbm>>
    %dma_start3A_67 = tpu.memref_slice %arg2[%add3A_65] : memref<16777216xf32, #tpu.memory_space<hbm>> -> memref<32768xf32, #tpu.memory_space<hbm>>
    tpu.enqueue_dma source(%dma_start3A_67 : memref<32768xf32, #tpu.memory_space<hbm>>) target(%arg5 : memref<32768xf32, #tpu.memory_space<vmem>>) target_semaphore(%arg16 : memref<!tpu.dma_semaphore, #tpu.memory_space<semaphore_mem>>)
    %add3A_68 = arith.constant 98304 : i32
    %add3A_69 = arith.addi %add3A_4, %add3A_68 : i32
    %dma_wait3A_70 = tpu.memref_slice %arg2[%add3A_69] : memref<16777216xf32, #tpu.memory_space<hbm>> -> memref<32768xf32, #tpu.memory_space<hbm>>
    %dma_wait3A_71 = tpu.memref_slice %arg2[%add3A_69] : memref<16777216xf32, #tpu.memory_space<hbm>> -> memref<32768xf32, #tpu.memory_space<hbm>>
    tpu.wait_dma2 semaphore(%arg17 : memref<!tpu.dma_semaphore, #tpu.memory_space<semaphore_mem>>) src(%dma_wait3A_71 : memref<32768xf32, #tpu.memory_space<hbm>>) dst(%arg6 : memref<32768xf32, #tpu.memory_space<vmem>>)
    %scan3A_72 = arith.constant 0 : i32
    %scan3A_73 = arith.constant 0 : i32
    %scan3A_74 = arith.constant 256 : i32
    %scan3A_75 = arith.addi %scan3A_73, %scan3A_74 : i32
    %scan3A_76 = arith.constant 1 : i32
    %scan3A_77 = scf.for %scan3A_104 = %scan3A_73 to %scan3A_75 step %scan3A_76 iter_args(%scan3A_105 = %scan3A_72) -> (i32)  : i32 {
      %mul3A_106 = arith.constant 8 : i32
      %mul3A_107 = arith.muli %scan3A_104, %mul3A_106 : i32
      %add3A_108 = arith.constant 0 : i32
      %add3A_109 = arith.addi %mul3A_107, %add3A_108 : i32
      %mul3A_110 = arith.constant 16 : i32
      %mul3A_111 = arith.muli %add3A_109, %mul3A_110 : i32
      %get3A_112 = arith.index_cast %mul3A_111 : i32 to index
      %get3A_113 = tpu.vector_load %arg6[%get3A_112] {strides = array<i32>} : memref<32768xf32, #tpu.memory_space<vmem>>, vector<16xf32>,
      %sub3A = arith.subf %get3A_113, %get3A_8 : vector<16xf32>
      %mul3A_114 = arith.mulf %sub3A, %get3A_10 : vector<16xf32>
      %convert_element_type3A = arith.fptosi %mul3A_114 : vector<16xf32> to vector<16xi32>
      %mul3A_115 = arith.constant 16 : i32
      %mul3A_116 = vector.broadcast %mul3A_115 : i32 to vector<16xi32>
      %mul3A_117 = arith.muli %convert_element_type3A, %mul3A_116 : vector<16xi32>
      %add3A_118 = arith.addi %mul3A_117, %iota3A : vector<16xi32>
      tpu.vector_store_idx %arg8[%add3A_118], %broadcast_in_dim3A_11 {add = true} : memref<512xf32, #tpu.memory_space<vmem>>[vector<16xi32>], vector<16xf32>,
      %mul3A_119 = arith.constant 8 : i32
      %mul3A_120 = arith.muli %scan3A_104, %mul3A_119 : i32
      %add3A_121 = arith.constant 1 : i32
      %add3A_122 = arith.addi %mul3A_120, %add3A_121 : i32
      %mul3A_123 = arith.constant 16 : i32
      %mul3A_124 = arith.muli %add3A_122, %mul3A_123 : i32
      %get3A_125 = arith.index_cast %mul3A_124 : i32 to index
      %get3A_126 = tpu.vector_load %arg6[%get3A_125] {strides = array<i32>} : memref<32768xf32, #tpu.memory_space<vmem>>, vector<16xf32>,
      %sub3A_127 = arith.subf %get3A_126, %get3A_8 : vector<16xf32>
      %mul3A_128 = arith.mulf %sub3A_127, %get3A_10 : vector<16xf32>
      %convert_element_type3A_129 = arith.fptosi %mul3A_128 : vector<16xf32> to vector<16xi32>
      %mul3A_130 = arith.constant 16 : i32
      %mul3A_131 = vector.broadcast %mul3A_130 : i32 to vector<16xi32>
      %mul3A_132 = arith.muli %convert_element_type3A_129, %mul3A_131 : vector<16xi32>
      %add3A_133 = arith.addi %mul3A_132, %iota3A : vector<16xi32>
      tpu.vector_store_idx %arg9[%add3A_133], %broadcast_in_dim3A_11 {add = true} : memref<512xf32, #tpu.memory_space<vmem>>[vector<16xi32>], vector<16xf32>,
      %mul3A_134 = arith.constant 8 : i32
      %mul3A_135 = arith.muli %scan3A_104, %mul3A_134 : i32
      %add3A_136 = arith.constant 2 : i32
      %add3A_137 = arith.addi %mul3A_135, %add3A_136 : i32
      %mul3A_138 = arith.constant 16 : i32
      %mul3A_139 = arith.muli %add3A_137, %mul3A_138 : i32
      %get3A_140 = arith.index_cast %mul3A_139 : i32 to index
      %get3A_141 = tpu.vector_load %arg6[%get3A_140] {strides = array<i32>} : memref<32768xf32, #tpu.memory_space<vmem>>, vector<16xf32>,
      %sub3A_142 = arith.subf %get3A_141, %get3A_8 : vector<16xf32>
      %mul3A_143 = arith.mulf %sub3A_142, %get3A_10 : vector<16xf32>
      %convert_element_type3A_144 = arith.fptosi %mul3A_143 : vector<16xf32> to vector<16xi32>
      %mul3A_145 = arith.constant 16 : i32
      %mul3A_146 = vector.broadcast %mul3A_145 : i32 to vector<16xi32>
      %mul3A_147 = arith.muli %convert_element_type3A_144, %mul3A_146 : vector<16xi32>
      %add3A_148 = arith.addi %mul3A_147, %iota3A : vector<16xi32>
      tpu.vector_store_idx %arg10[%add3A_148], %broadcast_in_dim3A_11 {add = true} : memref<512xf32, #tpu.memory_space<vmem>>[vector<16xi32>], vector<16xf32>,
      %mul3A_149 = arith.constant 8 : i32
      %mul3A_150 = arith.muli %scan3A_104, %mul3A_149 : i32
      %add3A_151 = arith.constant 3 : i32
      %add3A_152 = arith.addi %mul3A_150, %add3A_151 : i32
      %mul3A_153 = arith.constant 16 : i32
      %mul3A_154 = arith.muli %add3A_152, %mul3A_153 : i32
      %get3A_155 = arith.index_cast %mul3A_154 : i32 to index
      %get3A_156 = tpu.vector_load %arg6[%get3A_155] {strides = array<i32>} : memref<32768xf32, #tpu.memory_space<vmem>>, vector<16xf32>,
      %sub3A_157 = arith.subf %get3A_156, %get3A_8 : vector<16xf32>
      %mul3A_158 = arith.mulf %sub3A_157, %get3A_10 : vector<16xf32>
      %convert_element_type3A_159 = arith.fptosi %mul3A_158 : vector<16xf32> to vector<16xi32>
      %mul3A_160 = arith.constant 16 : i32
      %mul3A_161 = vector.broadcast %mul3A_160 : i32 to vector<16xi32>
      %mul3A_162 = arith.muli %convert_element_type3A_159, %mul3A_161 : vector<16xi32>
      %add3A_163 = arith.addi %mul3A_162, %iota3A : vector<16xi32>
      tpu.vector_store_idx %arg11[%add3A_163], %broadcast_in_dim3A_11 {add = true} : memref<512xf32, #tpu.memory_space<vmem>>[vector<16xi32>], vector<16xf32>,
      %mul3A_164 = arith.constant 8 : i32
      %mul3A_165 = arith.muli %scan3A_104, %mul3A_164 : i32
      %add3A_166 = arith.constant 4 : i32
      %add3A_167 = arith.addi %mul3A_165, %add3A_166 : i32
      %mul3A_168 = arith.constant 16 : i32
      %mul3A_169 = arith.muli %add3A_167, %mul3A_168 : i32
      %get3A_170 = arith.index_cast %mul3A_169 : i32 to index
      %get3A_171 = tpu.vector_load %arg6[%get3A_170] {strides = array<i32>} : memref<32768xf32, #tpu.memory_space<vmem>>, vector<16xf32>,
      %sub3A_172 = arith.subf %get3A_171, %get3A_8 : vector<16xf32>
      %mul3A_173 = arith.mulf %sub3A_172, %get3A_10 : vector<16xf32>
      %convert_element_type3A_174 = arith.fptosi %mul3A_173 : vector<16xf32> to vector<16xi32>
      %mul3A_175 = arith.constant 16 : i32
      %mul3A_176 = vector.broadcast %mul3A_175 : i32 to vector<16xi32>
      %mul3A_177 = arith.muli %convert_element_type3A_174, %mul3A_176 : vector<16xi32>
      %add3A_178 = arith.addi %mul3A_177, %iota3A : vector<16xi32>
      tpu.vector_store_idx %arg12[%add3A_178], %broadcast_in_dim3A_11 {add = true} : memref<512xf32, #tpu.memory_space<vmem>>[vector<16xi32>], vector<16xf32>,
      %mul3A_179 = arith.constant 8 : i32
      %mul3A_180 = arith.muli %scan3A_104, %mul3A_179 : i32
      %add3A_181 = arith.constant 5 : i32
      %add3A_182 = arith.addi %mul3A_180, %add3A_181 : i32
      %mul3A_183 = arith.constant 16 : i32
      %mul3A_184 = arith.muli %add3A_182, %mul3A_183 : i32
      %get3A_185 = arith.index_cast %mul3A_184 : i32 to index
      %get3A_186 = tpu.vector_load %arg6[%get3A_185] {strides = array<i32>} : memref<32768xf32, #tpu.memory_space<vmem>>, vector<16xf32>,
      %sub3A_187 = arith.subf %get3A_186, %get3A_8 : vector<16xf32>
      %mul3A_188 = arith.mulf %sub3A_187, %get3A_10 : vector<16xf32>
      %convert_element_type3A_189 = arith.fptosi %mul3A_188 : vector<16xf32> to vector<16xi32>
      %mul3A_190 = arith.constant 16 : i32
      %mul3A_191 = vector.broadcast %mul3A_190 : i32 to vector<16xi32>
      %mul3A_192 = arith.muli %convert_element_type3A_189, %mul3A_191 : vector<16xi32>
      %add3A_193 = arith.addi %mul3A_192, %iota3A : vector<16xi32>
      tpu.vector_store_idx %arg13[%add3A_193], %broadcast_in_dim3A_11 {add = true} : memref<512xf32, #tpu.memory_space<vmem>>[vector<16xi32>], vector<16xf32>,
      %mul3A_194 = arith.constant 8 : i32
      %mul3A_195 = arith.muli %scan3A_104, %mul3A_194 : i32
      %add3A_196 = arith.constant 6 : i32
      %add3A_197 = arith.addi %mul3A_195, %add3A_196 : i32
      %mul3A_198 = arith.constant 16 : i32
      %mul3A_199 = arith.muli %add3A_197, %mul3A_198 : i32
      %get3A_200 = arith.index_cast %mul3A_199 : i32 to index
      %get3A_201 = tpu.vector_load %arg6[%get3A_200] {strides = array<i32>} : memref<32768xf32, #tpu.memory_space<vmem>>, vector<16xf32>,
      %sub3A_202 = arith.subf %get3A_201, %get3A_8 : vector<16xf32>
      %mul3A_203 = arith.mulf %sub3A_202, %get3A_10 : vector<16xf32>
      %convert_element_type3A_204 = arith.fptosi %mul3A_203 : vector<16xf32> to vector<16xi32>
      %mul3A_205 = arith.constant 16 : i32
      %mul3A_206 = vector.broadcast %mul3A_205 : i32 to vector<16xi32>
      %mul3A_207 = arith.muli %convert_element_type3A_204, %mul3A_206 : vector<16xi32>
      %add3A_208 = arith.addi %mul3A_207, %iota3A : vector<16xi32>
      tpu.vector_store_idx %arg14[%add3A_208], %broadcast_in_dim3A_11 {add = true} : memref<512xf32, #tpu.memory_space<vmem>>[vector<16xi32>], vector<16xf32>,
      %mul3A_209 = arith.constant 8 : i32
      %mul3A_210 = arith.muli %scan3A_104, %mul3A_209 : i32
      %add3A_211 = arith.constant 7 : i32
      %add3A_212 = arith.addi %mul3A_210, %add3A_211 : i32
      %mul3A_213 = arith.constant 16 : i32
      %mul3A_214 = arith.muli %add3A_212, %mul3A_213 : i32
      %get3A_215 = arith.index_cast %mul3A_214 : i32 to index
      %get3A_216 = tpu.vector_load %arg6[%get3A_215] {strides = array<i32>} : memref<32768xf32, #tpu.memory_space<vmem>>, vector<16xf32>,
      %sub3A_217 = arith.subf %get3A_216, %get3A_8 : vector<16xf32>
      %mul3A_218 = arith.mulf %sub3A_217, %get3A_10 : vector<16xf32>
      %convert_element_type3A_219 = arith.fptosi %mul3A_218 : vector<16xf32> to vector<16xi32>
      %mul3A_220 = arith.constant 16 : i32
      %mul3A_221 = vector.broadcast %mul3A_220 : i32 to vector<16xi32>
      %mul3A_222 = arith.muli %convert_element_type3A_219, %mul3A_221 : vector<16xi32>
      %add3A_223 = arith.addi %mul3A_222, %iota3A : vector<16xi32>
      tpu.vector_store_idx %arg15[%add3A_223], %broadcast_in_dim3A_11 {add = true} : memref<512xf32, #tpu.memory_space<vmem>>[vector<16xi32>], vector<16xf32>,
      %scan3A_224 = arith.constant 0 : i32
      scf.yield %scan3A_224 : i32
    }
    %scan3A_78 = arith.constant 256 : i32
    %add3A_79 = arith.constant 131072 : i32
    %add3A_80 = arith.addi %add3A_4, %add3A_79 : i32
    %dma_wait3A_81 = tpu.memref_slice %arg2[%add3A_80] : memref<16777216xf32, #tpu.memory_space<hbm>> -> memref<32768xf32, #tpu.memory_space<hbm>>
    %dma_wait3A_82 = tpu.memref_slice %arg2[%add3A_80] : memref<16777216xf32, #tpu.memory_space<hbm>> -> memref<32768xf32, #tpu.memory_space<hbm>>
    tpu.wait_dma2 semaphore(%arg16 : memref<!tpu.dma_semaphore, #tpu.memory_space<semaphore_mem>>) src(%dma_wait3A_82 : memref<32768xf32, #tpu.memory_space<hbm>>) dst(%arg5 : memref<32768xf32, #tpu.memory_space<vmem>>)
    %scan3A_83 = arith.constant 0 : i32
    %scan3A_84 = arith.constant 0 : i32
    %scan3A_85 = arith.constant 256 : i32
    %scan3A_86 = arith.addi %scan3A_84, %scan3A_85 : i32
    %scan3A_87 = arith.constant 1 : i32
    %scan3A_88 = scf.for %scan3A_104 = %scan3A_84 to %scan3A_86 step %scan3A_87 iter_args(%scan3A_105 = %scan3A_83) -> (i32)  : i32 {
      %mul3A_106 = arith.constant 8 : i32
      %mul3A_107 = arith.muli %scan3A_104, %mul3A_106 : i32
      %add3A_108 = arith.constant 0 : i32
      %add3A_109 = arith.addi %mul3A_107, %add3A_108 : i32
      %mul3A_110 = arith.constant 16 : i32
      %mul3A_111 = arith.muli %add3A_109, %mul3A_110 : i32
      %get3A_112 = arith.index_cast %mul3A_111 : i32 to index
      %get3A_113 = tpu.vector_load %arg5[%get3A_112] {strides = array<i32>} : memref<32768xf32, #tpu.memory_space<vmem>>, vector<16xf32>,
      %sub3A = arith.subf %get3A_113, %get3A_8 : vector<16xf32>
      %mul3A_114 = arith.mulf %sub3A, %get3A_10 : vector<16xf32>
      %convert_element_type3A = arith.fptosi %mul3A_114 : vector<16xf32> to vector<16xi32>
      %mul3A_115 = arith.constant 16 : i32
      %mul3A_116 = vector.broadcast %mul3A_115 : i32 to vector<16xi32>
      %mul3A_117 = arith.muli %convert_element_type3A, %mul3A_116 : vector<16xi32>
      %add3A_118 = arith.addi %mul3A_117, %iota3A : vector<16xi32>
      tpu.vector_store_idx %arg8[%add3A_118], %broadcast_in_dim3A_11 {add = true} : memref<512xf32, #tpu.memory_space<vmem>>[vector<16xi32>], vector<16xf32>,
      %mul3A_119 = arith.constant 8 : i32
      %mul3A_120 = arith.muli %scan3A_104, %mul3A_119 : i32
      %add3A_121 = arith.constant 1 : i32
      %add3A_122 = arith.addi %mul3A_120, %add3A_121 : i32
      %mul3A_123 = arith.constant 16 : i32
      %mul3A_124 = arith.muli %add3A_122, %mul3A_123 : i32
      %get3A_125 = arith.index_cast %mul3A_124 : i32 to index
      %get3A_126 = tpu.vector_load %arg5[%get3A_125] {strides = array<i32>} : memref<32768xf32, #tpu.memory_space<vmem>>, vector<16xf32>,
      %sub3A_127 = arith.subf %get3A_126, %get3A_8 : vector<16xf32>
      %mul3A_128 = arith.mulf %sub3A_127, %get3A_10 : vector<16xf32>
      %convert_element_type3A_129 = arith.fptosi %mul3A_128 : vector<16xf32> to vector<16xi32>
      %mul3A_130 = arith.constant 16 : i32
      %mul3A_131 = vector.broadcast %mul3A_130 : i32 to vector<16xi32>
      %mul3A_132 = arith.muli %convert_element_type3A_129, %mul3A_131 : vector<16xi32>
      %add3A_133 = arith.addi %mul3A_132, %iota3A : vector<16xi32>
      tpu.vector_store_idx %arg9[%add3A_133], %broadcast_in_dim3A_11 {add = true} : memref<512xf32, #tpu.memory_space<vmem>>[vector<16xi32>], vector<16xf32>,
      %mul3A_134 = arith.constant 8 : i32
      %mul3A_135 = arith.muli %scan3A_104, %mul3A_134 : i32
      %add3A_136 = arith.constant 2 : i32
      %add3A_137 = arith.addi %mul3A_135, %add3A_136 : i32
      %mul3A_138 = arith.constant 16 : i32
      %mul3A_139 = arith.muli %add3A_137, %mul3A_138 : i32
      %get3A_140 = arith.index_cast %mul3A_139 : i32 to index
      %get3A_141 = tpu.vector_load %arg5[%get3A_140] {strides = array<i32>} : memref<32768xf32, #tpu.memory_space<vmem>>, vector<16xf32>,
      %sub3A_142 = arith.subf %get3A_141, %get3A_8 : vector<16xf32>
      %mul3A_143 = arith.mulf %sub3A_142, %get3A_10 : vector<16xf32>
      %convert_element_type3A_144 = arith.fptosi %mul3A_143 : vector<16xf32> to vector<16xi32>
      %mul3A_145 = arith.constant 16 : i32
      %mul3A_146 = vector.broadcast %mul3A_145 : i32 to vector<16xi32>
      %mul3A_147 = arith.muli %convert_element_type3A_144, %mul3A_146 : vector<16xi32>
      %add3A_148 = arith.addi %mul3A_147, %iota3A : vector<16xi32>
      tpu.vector_store_idx %arg10[%add3A_148], %broadcast_in_dim3A_11 {add = true} : memref<512xf32, #tpu.memory_space<vmem>>[vector<16xi32>], vector<16xf32>,
      %mul3A_149 = arith.constant 8 : i32
      %mul3A_150 = arith.muli %scan3A_104, %mul3A_149 : i32
      %add3A_151 = arith.constant 3 : i32
      %add3A_152 = arith.addi %mul3A_150, %add3A_151 : i32
      %mul3A_153 = arith.constant 16 : i32
      %mul3A_154 = arith.muli %add3A_152, %mul3A_153 : i32
      %get3A_155 = arith.index_cast %mul3A_154 : i32 to index
      %get3A_156 = tpu.vector_load %arg5[%get3A_155] {strides = array<i32>} : memref<32768xf32, #tpu.memory_space<vmem>>, vector<16xf32>,
      %sub3A_157 = arith.subf %get3A_156, %get3A_8 : vector<16xf32>
      %mul3A_158 = arith.mulf %sub3A_157, %get3A_10 : vector<16xf32>
      %convert_element_type3A_159 = arith.fptosi %mul3A_158 : vector<16xf32> to vector<16xi32>
      %mul3A_160 = arith.constant 16 : i32
      %mul3A_161 = vector.broadcast %mul3A_160 : i32 to vector<16xi32>
      %mul3A_162 = arith.muli %convert_element_type3A_159, %mul3A_161 : vector<16xi32>
      %add3A_163 = arith.addi %mul3A_162, %iota3A : vector<16xi32>
      tpu.vector_store_idx %arg11[%add3A_163], %broadcast_in_dim3A_11 {add = true} : memref<512xf32, #tpu.memory_space<vmem>>[vector<16xi32>], vector<16xf32>,
      %mul3A_164 = arith.constant 8 : i32
      %mul3A_165 = arith.muli %scan3A_104, %mul3A_164 : i32
      %add3A_166 = arith.constant 4 : i32
      %add3A_167 = arith.addi %mul3A_165, %add3A_166 : i32
      %mul3A_168 = arith.constant 16 : i32
      %mul3A_169 = arith.muli %add3A_167, %mul3A_168 : i32
      %get3A_170 = arith.index_cast %mul3A_169 : i32 to index
      %get3A_171 = tpu.vector_load %arg5[%get3A_170] {strides = array<i32>} : memref<32768xf32, #tpu.memory_space<vmem>>, vector<16xf32>,
      %sub3A_172 = arith.subf %get3A_171, %get3A_8 : vector<16xf32>
      %mul3A_173 = arith.mulf %sub3A_172, %get3A_10 : vector<16xf32>
      %convert_element_type3A_174 = arith.fptosi %mul3A_173 : vector<16xf32> to vector<16xi32>
      %mul3A_175 = arith.constant 16 : i32
      %mul3A_176 = vector.broadcast %mul3A_175 : i32 to vector<16xi32>
      %mul3A_177 = arith.muli %convert_element_type3A_174, %mul3A_176 : vector<16xi32>
      %add3A_178 = arith.addi %mul3A_177, %iota3A : vector<16xi32>
      tpu.vector_store_idx %arg12[%add3A_178], %broadcast_in_dim3A_11 {add = true} : memref<512xf32, #tpu.memory_space<vmem>>[vector<16xi32>], vector<16xf32>,
      %mul3A_179 = arith.constant 8 : i32
      %mul3A_180 = arith.muli %scan3A_104, %mul3A_179 : i32
      %add3A_181 = arith.constant 5 : i32
      %add3A_182 = arith.addi %mul3A_180, %add3A_181 : i32
      %mul3A_183 = arith.constant 16 : i32
      %mul3A_184 = arith.muli %add3A_182, %mul3A_183 : i32
      %get3A_185 = arith.index_cast %mul3A_184 : i32 to index
      %get3A_186 = tpu.vector_load %arg5[%get3A_185] {strides = array<i32>} : memref<32768xf32, #tpu.memory_space<vmem>>, vector<16xf32>,
      %sub3A_187 = arith.subf %get3A_186, %get3A_8 : vector<16xf32>
      %mul3A_188 = arith.mulf %sub3A_187, %get3A_10 : vector<16xf32>
      %convert_element_type3A_189 = arith.fptosi %mul3A_188 : vector<16xf32> to vector<16xi32>
      %mul3A_190 = arith.constant 16 : i32
      %mul3A_191 = vector.broadcast %mul3A_190 : i32 to vector<16xi32>
      %mul3A_192 = arith.muli %convert_element_type3A_189, %mul3A_191 : vector<16xi32>
      %add3A_193 = arith.addi %mul3A_192, %iota3A : vector<16xi32>
      tpu.vector_store_idx %arg13[%add3A_193], %broadcast_in_dim3A_11 {add = true} : memref<512xf32, #tpu.memory_space<vmem>>[vector<16xi32>], vector<16xf32>,
      %mul3A_194 = arith.constant 8 : i32
      %mul3A_195 = arith.muli %scan3A_104, %mul3A_194 : i32
      %add3A_196 = arith.constant 6 : i32
      %add3A_197 = arith.addi %mul3A_195, %add3A_196 : i32
      %mul3A_198 = arith.constant 16 : i32
      %mul3A_199 = arith.muli %add3A_197, %mul3A_198 : i32
      %get3A_200 = arith.index_cast %mul3A_199 : i32 to index
      %get3A_201 = tpu.vector_load %arg5[%get3A_200] {strides = array<i32>} : memref<32768xf32, #tpu.memory_space<vmem>>, vector<16xf32>,
      %sub3A_202 = arith.subf %get3A_201, %get3A_8 : vector<16xf32>
      %mul3A_203 = arith.mulf %sub3A_202, %get3A_10 : vector<16xf32>
      %convert_element_type3A_204 = arith.fptosi %mul3A_203 : vector<16xf32> to vector<16xi32>
      %mul3A_205 = arith.constant 16 : i32
      %mul3A_206 = vector.broadcast %mul3A_205 : i32 to vector<16xi32>
      %mul3A_207 = arith.muli %convert_element_type3A_204, %mul3A_206 : vector<16xi32>
      %add3A_208 = arith.addi %mul3A_207, %iota3A : vector<16xi32>
      tpu.vector_store_idx %arg14[%add3A_208], %broadcast_in_dim3A_11 {add = true} : memref<512xf32, #tpu.memory_space<vmem>>[vector<16xi32>], vector<16xf32>,
      %mul3A_209 = arith.constant 8 : i32
      %mul3A_210 = arith.muli %scan3A_104, %mul3A_209 : i32
      %add3A_211 = arith.constant 7 : i32
      %add3A_212 = arith.addi %mul3A_210, %add3A_211 : i32
      %mul3A_213 = arith.constant 16 : i32
      %mul3A_214 = arith.muli %add3A_212, %mul3A_213 : i32
      %get3A_215 = arith.index_cast %mul3A_214 : i32 to index
      %get3A_216 = tpu.vector_load %arg5[%get3A_215] {strides = array<i32>} : memref<32768xf32, #tpu.memory_space<vmem>>, vector<16xf32>,
      %sub3A_217 = arith.subf %get3A_216, %get3A_8 : vector<16xf32>
      %mul3A_218 = arith.mulf %sub3A_217, %get3A_10 : vector<16xf32>
      %convert_element_type3A_219 = arith.fptosi %mul3A_218 : vector<16xf32> to vector<16xi32>
      %mul3A_220 = arith.constant 16 : i32
      %mul3A_221 = vector.broadcast %mul3A_220 : i32 to vector<16xi32>
      %mul3A_222 = arith.muli %convert_element_type3A_219, %mul3A_221 : vector<16xi32>
      %add3A_223 = arith.addi %mul3A_222, %iota3A : vector<16xi32>
      tpu.vector_store_idx %arg15[%add3A_223], %broadcast_in_dim3A_11 {add = true} : memref<512xf32, #tpu.memory_space<vmem>>[vector<16xi32>], vector<16xf32>,
      %scan3A_224 = arith.constant 0 : i32
      scf.yield %scan3A_224 : i32
    }
    %scan3A_89 = arith.constant 256 : i32
    %scan3A_90 = arith.constant 0 : i32
    %scan3A_91 = arith.constant 0 : i32
    %scan3A_92 = arith.constant 32 : i32
    %scan3A_93 = arith.addi %scan3A_91, %scan3A_92 : i32
    %scan3A_94 = arith.constant 1 : i32
    %scan3A_95 = scf.for %scan3A_104 = %scan3A_91 to %scan3A_93 step %scan3A_94 iter_args(%scan3A_105 = %scan3A_90) -> (i32)  : i32 {
      %mul3A_106 = arith.constant 16 : i32
      %mul3A_107 = arith.muli %scan3A_104, %mul3A_106 : i32
      %get3A_108 = arith.index_cast %mul3A_107 : i32 to index
      %get3A_109 = tpu.vector_load %arg8[%get3A_108] {strides = array<i32>} : memref<512xf32, #tpu.memory_space<vmem>>, vector<16xf32>,
      %mul3A_110 = arith.constant 16 : i32
      %mul3A_111 = arith.muli %scan3A_104, %mul3A_110 : i32
      %get3A_112 = arith.index_cast %mul3A_111 : i32 to index
      %get3A_113 = tpu.vector_load %arg9[%get3A_112] {strides = array<i32>} : memref<512xf32, #tpu.memory_space<vmem>>, vector<16xf32>,
      %add3A_114 = arith.addf %get3A_109, %get3A_113 : vector<16xf32>
      %mul3A_115 = arith.constant 16 : i32
      %mul3A_116 = arith.muli %scan3A_104, %mul3A_115 : i32
      %get3A_117 = arith.index_cast %mul3A_116 : i32 to index
      %get3A_118 = tpu.vector_load %arg10[%get3A_117] {strides = array<i32>} : memref<512xf32, #tpu.memory_space<vmem>>, vector<16xf32>,
      %add3A_119 = arith.addf %add3A_114, %get3A_118 : vector<16xf32>
      %mul3A_120 = arith.constant 16 : i32
      %mul3A_121 = arith.muli %scan3A_104, %mul3A_120 : i32
      %get3A_122 = arith.index_cast %mul3A_121 : i32 to index
      %get3A_123 = tpu.vector_load %arg11[%get3A_122] {strides = array<i32>} : memref<512xf32, #tpu.memory_space<vmem>>, vector<16xf32>,
      %add3A_124 = arith.addf %add3A_119, %get3A_123 : vector<16xf32>
      %mul3A_125 = arith.constant 16 : i32
      %mul3A_126 = arith.muli %scan3A_104, %mul3A_125 : i32
      %get3A_127 = arith.index_cast %mul3A_126 : i32 to index
      %get3A_128 = tpu.vector_load %arg12[%get3A_127] {strides = array<i32>} : memref<512xf32, #tpu.memory_space<vmem>>, vector<16xf32>,
      %add3A_129 = arith.addf %add3A_124, %get3A_128 : vector<16xf32>
      %mul3A_130 = arith.constant 16 : i32
      %mul3A_131 = arith.muli %scan3A_104, %mul3A_130 : i32
      %get3A_132 = arith.index_cast %mul3A_131 : i32 to index
      %get3A_133 = tpu.vector_load %arg13[%get3A_132] {strides = array<i32>} : memref<512xf32, #tpu.memory_space<vmem>>, vector<16xf32>,
      %add3A_134 = arith.addf %add3A_129, %get3A_133 : vector<16xf32>
      %mul3A_135 = arith.constant 16 : i32
      %mul3A_136 = arith.muli %scan3A_104, %mul3A_135 : i32
      %get3A_137 = arith.index_cast %mul3A_136 : i32 to index
      %get3A_138 = tpu.vector_load %arg14[%get3A_137] {strides = array<i32>} : memref<512xf32, #tpu.memory_space<vmem>>, vector<16xf32>,
      %add3A_139 = arith.addf %add3A_134, %get3A_138 : vector<16xf32>
      %mul3A_140 = arith.constant 16 : i32
      %mul3A_141 = arith.muli %scan3A_104, %mul3A_140 : i32
      %get3A_142 = arith.index_cast %mul3A_141 : i32 to index
      %get3A_143 = tpu.vector_load %arg15[%get3A_142] {strides = array<i32>} : memref<512xf32, #tpu.memory_space<vmem>>, vector<16xf32>,
      %add3A_144 = arith.addf %add3A_139, %get3A_143 : vector<16xf32>
      %mul3A_145 = arith.constant 16 : i32
      %mul3A_146 = arith.muli %scan3A_104, %mul3A_145 : i32
      %swap3A = arith.index_cast %mul3A_146 : i32 to index
      %swap3A_147 = tpu.vector_load %arg8[%swap3A] {strides = array<i32>} : memref<512xf32, #tpu.memory_space<vmem>>, vector<16xf32>,
      tpu.vector_store %arg8[%swap3A], %add3A_144 {strides = array<i32>} : memref<512xf32, #tpu.memory_space<vmem>>, vector<16xf32>,
      %scan3A_148 = arith.constant 0 : i32
      scf.yield %scan3A_148 : i32
    }
    %scan3A_96 = arith.constant 32 : i32
    %mul3A_97 = arith.constant 16 : i32
    %mul3A_98 = arith.muli %arg0, %mul3A_97 : i32
    %add3A_99 = arith.addi %mul3A_98, %arg1 : i32
    %mul3A_100 = arith.constant 32 : i32
    %mul3A_101 = arith.muli %add3A_99, %mul3A_100 : i32
    %mul3A_102 = arith.constant 16 : i32
    %mul3A_103 = arith.muli %mul3A_101, %mul3A_102 : i32
    "tpu.region"() ({
      %run_scoped3A = tpu.sem_alloc : memref<!tpu.dma_semaphore, #tpu.memory_space<semaphore_mem>>
      %dma_start3A_104 = tpu.memref_slice %arg4[%mul3A_103] : memref<16384xf32, #tpu.memory_space<hbm>> -> memref<512xf32, #tpu.memory_space<hbm>>
      %dma_start3A_105 = tpu.memref_slice %arg4[%mul3A_103] : memref<16384xf32, #tpu.memory_space<hbm>> -> memref<512xf32, #tpu.memory_space<hbm>>
      tpu.enqueue_dma source(%arg8 : memref<512xf32, #tpu.memory_space<vmem>>) target(%dma_start3A_105 : memref<512xf32, #tpu.memory_space<hbm>>) target_semaphore(%run_scoped3A : memref<!tpu.dma_semaphore, #tpu.memory_space<semaphore_mem>>)
      %dma_wait3A_106 = tpu.memref_slice %arg4[%mul3A_103] : memref<16384xf32, #tpu.memory_space<hbm>> -> memref<512xf32, #tpu.memory_space<hbm>>
      %dma_wait3A_107 = tpu.memref_slice %arg4[%mul3A_103] : memref<16384xf32, #tpu.memory_space<hbm>> -> memref<512xf32, #tpu.memory_space<hbm>>
      tpu.wait_dma2 semaphore(%run_scoped3A : memref<!tpu.dma_semaphore, #tpu.memory_space<semaphore_mem>>) src(%arg8 : memref<512xf32, #tpu.memory_space<vmem>>) dst(%dma_wait3A_107 : memref<512xf32, #tpu.memory_space<hbm>>)
      tpu.yield
    }) : () -> ()
    return
  }
}

module attributes {stable_mosaic.version = 14 : i64} {
  func.func @_tc_stats_kernel(%arg0: i32, %arg1: memref<8192x128xf32, #tpu.memory_space<vmem>>, %arg2: memref<4xf32, #tpu.memory_space<smem>>) attributes {dimension_semantics = [#tpu.dimension_semantics<arbitrary>], iteration_bounds = array<i64: 9>, scalar_prefetch = 0 : i64, scratch_operands = 0 : i64, tpu.core_type = #tpu.core_type<tc>, window_params = [{transform_indices = @transform_0, window_bounds = array<i64: 8192, 128>}, {transform_indices = @transform_1, window_bounds = array<i64: 4>}]} {
    %get3A = arith.constant 0 : index
    %get3A_0 = arith.constant 0 : index
    %get3A_1 = vector.load %arg1[%get3A, %get3A_0] : memref<8192x128xf32, #tpu.memory_space<vmem>>, vector<8192x128xf32>
    %reduce_min3A = vector.shape_cast %get3A_1 : vector<8192x128xf32> to vector<1x8192x128xf32>
    %reduce_min3A_2 = arith.constant dense<0x7F800000> : vector<1xf32>
    %reduce_min3A_3 = vector.multi_reduction <minimumf>, %reduce_min3A, %reduce_min3A_2 [1, 2] : vector<1x8192x128xf32> to vector<1xf32>
    %reduce_min3A_4 = vector.shape_cast %reduce_min3A_3 : vector<1xf32> to vector<1x1x1xf32>
    %reduce_min3A_5 = vector.extract %reduce_min3A_4[0, 0, 0] : f32 from vector<1x1x1xf32>
    %reduce_max3A = vector.shape_cast %get3A_1 : vector<8192x128xf32> to vector<1x8192x128xf32>
    %reduce_max3A_6 = arith.constant dense<0xFF800000> : vector<1xf32>
    %reduce_max3A_7 = vector.multi_reduction <maximumf>, %reduce_max3A, %reduce_max3A_6 [1, 2] : vector<1x8192x128xf32> to vector<1xf32>
    %reduce_max3A_8 = vector.shape_cast %reduce_max3A_7 : vector<1xf32> to vector<1x1x1xf32>
    %reduce_max3A_9 = vector.extract %reduce_max3A_8[0, 0, 0] : f32 from vector<1x1x1xf32>
    %reduce_sum3A = vector.shape_cast %get3A_1 : vector<8192x128xf32> to vector<1x8192x128xf32>
    %reduce_sum3A_10 = arith.constant dense<0.000000e+00> : vector<1xf32>
    %reduce_sum3A_11 = vector.multi_reduction <add>, %reduce_sum3A, %reduce_sum3A_10 [1, 2] : vector<1x8192x128xf32> to vector<1xf32>
    %reduce_sum3A_12 = vector.shape_cast %reduce_sum3A_11 : vector<1xf32> to vector<1x1x1xf32>
    %reduce_sum3A_13 = vector.extract %reduce_sum3A_12[0, 0, 0] : f32 from vector<1x1x1xf32>
    %mul3A = arith.mulf %get3A_1, %get3A_1 : vector<8192x128xf32>
    %reduce_sum3A_14 = vector.shape_cast %mul3A : vector<8192x128xf32> to vector<1x8192x128xf32>
    %reduce_sum3A_15 = arith.constant dense<0.000000e+00> : vector<1xf32>
    %reduce_sum3A_16 = vector.multi_reduction <add>, %reduce_sum3A_14, %reduce_sum3A_15 [1, 2] : vector<1x8192x128xf32> to vector<1xf32>
    %reduce_sum3A_17 = vector.shape_cast %reduce_sum3A_16 : vector<1xf32> to vector<1x1x1xf32>
    %reduce_sum3A_18 = vector.extract %reduce_sum3A_17[0, 0, 0] : f32 from vector<1x1x1xf32>
    %eq3A = arith.constant 0 : i32
    %eq3A_19 = arith.cmpi eq, %arg0, %eq3A : i32
    %convert_element_type3A = arith.extui %eq3A_19 : i1 to i32
    %cond3A = arith.constant 0 : i32
    %cond3A_20 = arith.cmpi ne, %convert_element_type3A, %cond3A : i32
    scf.if %cond3A_20 {
      %swap3A = arith.constant 0 : index
      %swap3A_25 = memref.load %arg2[%swap3A] : memref<4xf32, #tpu.memory_space<smem>>
      memref.store %reduce_min3A_5, %arg2[%swap3A] : memref<4xf32, #tpu.memory_space<smem>>
      %swap3A_26 = arith.constant 1 : index
      %swap3A_27 = memref.load %arg2[%swap3A_26] : memref<4xf32, #tpu.memory_space<smem>>
      memref.store %reduce_max3A_9, %arg2[%swap3A_26] : memref<4xf32, #tpu.memory_space<smem>>
      %swap3A_28 = arith.constant 2 : index
      %swap3A_29 = memref.load %arg2[%swap3A_28] : memref<4xf32, #tpu.memory_space<smem>>
      memref.store %reduce_sum3A_13, %arg2[%swap3A_28] : memref<4xf32, #tpu.memory_space<smem>>
      %swap3A_30 = arith.constant 3 : index
      %swap3A_31 = memref.load %arg2[%swap3A_30] : memref<4xf32, #tpu.memory_space<smem>>
      memref.store %reduce_sum3A_18, %arg2[%swap3A_30] : memref<4xf32, #tpu.memory_space<smem>>
    } else {
    }
    %ne3A = arith.constant 0 : i32
    %ne3A_21 = arith.cmpi ne, %arg0, %ne3A : i32
    %convert_element_type3A_22 = arith.extui %ne3A_21 : i1 to i32
    %cond3A_23 = arith.constant 0 : i32
    %cond3A_24 = arith.cmpi ne, %convert_element_type3A_22, %cond3A_23 : i32
    scf.if %cond3A_24 {
      %get3A_25 = arith.constant 0 : index
      %get3A_26 = memref.load %arg2[%get3A_25] : memref<4xf32, #tpu.memory_space<smem>>
      %min3A = arith.minimumf %get3A_26, %reduce_min3A_5 : f32
      %swap3A = arith.constant 0 : index
      %swap3A_27 = memref.load %arg2[%swap3A] : memref<4xf32, #tpu.memory_space<smem>>
      memref.store %min3A, %arg2[%swap3A] : memref<4xf32, #tpu.memory_space<smem>>
      %get3A_28 = arith.constant 1 : index
      %get3A_29 = memref.load %arg2[%get3A_28] : memref<4xf32, #tpu.memory_space<smem>>
      %max3A = arith.maximumf %get3A_29, %reduce_max3A_9 : f32
      %swap3A_30 = arith.constant 1 : index
      %swap3A_31 = memref.load %arg2[%swap3A_30] : memref<4xf32, #tpu.memory_space<smem>>
      memref.store %max3A, %arg2[%swap3A_30] : memref<4xf32, #tpu.memory_space<smem>>
      %get3A_32 = arith.constant 2 : index
      %get3A_33 = memref.load %arg2[%get3A_32] : memref<4xf32, #tpu.memory_space<smem>>
      %add3A = arith.addf %get3A_33, %reduce_sum3A_13 : f32
      %swap3A_34 = arith.constant 2 : index
      %swap3A_35 = memref.load %arg2[%swap3A_34] : memref<4xf32, #tpu.memory_space<smem>>
      memref.store %add3A, %arg2[%swap3A_34] : memref<4xf32, #tpu.memory_space<smem>>
      %get3A_36 = arith.constant 3 : index
      %get3A_37 = memref.load %arg2[%get3A_36] : memref<4xf32, #tpu.memory_space<smem>>
      %add3A_38 = arith.addf %get3A_37, %reduce_sum3A_18 : f32
      %swap3A_39 = arith.constant 3 : index
      %swap3A_40 = memref.load %arg2[%swap3A_39] : memref<4xf32, #tpu.memory_space<smem>>
      memref.store %add3A_38, %arg2[%swap3A_39] : memref<4xf32, #tpu.memory_space<smem>>
    } else {
    }
    return
  }
  func.func @transform_0(%arg0: i32) -> (i32, i32) {
    %c0_i32 = arith.constant 0 : i32
    %c0_i32_0 = arith.constant 0 : i32
    return %arg0, %c0_i32 : i32, i32
  }
  func.func @transform_1(%arg0: i32) -> i32 {
    %c0_i32 = arith.constant 0 : i32
    %c0_i32_0 = arith.constant 0 : i32
    return %c0_i32 : i32
  }
}

module attributes {stable_mosaic.version = 14 : i64} {
  func.func @_tc_count_kernel(%arg0: i32, %arg1: memref<32xf32, #tpu.memory_space<smem>>, %arg2: memref<8192x128xf32, #tpu.memory_space<vmem>>, %arg3: memref<32xf32, #tpu.memory_space<smem>>) attributes {dimension_semantics = [#tpu.dimension_semantics<arbitrary>], iteration_bounds = array<i64: 11>, scalar_prefetch = 0 : i64, scratch_operands = 0 : i64, tpu.core_type = #tpu.core_type<tc>, window_params = [{transform_indices = @transform_0, window_bounds = array<i64: 32>}, {transform_indices = @transform_1, window_bounds = array<i64: 8192, 128>}, {transform_indices = @transform_2, window_bounds = array<i64: 32>}]} {
    %get3A = arith.constant 0 : index
    %get3A_0 = arith.constant 0 : index
    %get3A_1 = vector.load %arg2[%get3A, %get3A_0] : memref<8192x128xf32, #tpu.memory_space<vmem>>, vector<8192x128xf32>
    %eq3A = arith.constant 0 : i32
    %eq3A_2 = arith.cmpi eq, %arg0, %eq3A : i32
    %convert_element_type3A = arith.extui %eq3A_2 : i1 to i32
    %cond3A = arith.constant 0 : i32
    %cond3A_3 = arith.cmpi ne, %convert_element_type3A, %cond3A : i32
    scf.if %cond3A_3 {
      %swap3A_480 = arith.constant 0.000000e+00 : f32
      %swap3A_481 = arith.constant 0 : index
      %swap3A_482 = memref.load %arg3[%swap3A_481] : memref<32xf32, #tpu.memory_space<smem>>
      memref.store %swap3A_480, %arg3[%swap3A_481] : memref<32xf32, #tpu.memory_space<smem>>
      %swap3A_483 = arith.constant 0.000000e+00 : f32
      %swap3A_484 = arith.constant 1 : index
      %swap3A_485 = memref.load %arg3[%swap3A_484] : memref<32xf32, #tpu.memory_space<smem>>
      memref.store %swap3A_483, %arg3[%swap3A_484] : memref<32xf32, #tpu.memory_space<smem>>
      %swap3A_486 = arith.constant 0.000000e+00 : f32
      %swap3A_487 = arith.constant 2 : index
      %swap3A_488 = memref.load %arg3[%swap3A_487] : memref<32xf32, #tpu.memory_space<smem>>
      memref.store %swap3A_486, %arg3[%swap3A_487] : memref<32xf32, #tpu.memory_space<smem>>
      %swap3A_489 = arith.constant 0.000000e+00 : f32
      %swap3A_490 = arith.constant 3 : index
      %swap3A_491 = memref.load %arg3[%swap3A_490] : memref<32xf32, #tpu.memory_space<smem>>
      memref.store %swap3A_489, %arg3[%swap3A_490] : memref<32xf32, #tpu.memory_space<smem>>
      %swap3A_492 = arith.constant 0.000000e+00 : f32
      %swap3A_493 = arith.constant 4 : index
      %swap3A_494 = memref.load %arg3[%swap3A_493] : memref<32xf32, #tpu.memory_space<smem>>
      memref.store %swap3A_492, %arg3[%swap3A_493] : memref<32xf32, #tpu.memory_space<smem>>
      %swap3A_495 = arith.constant 0.000000e+00 : f32
      %swap3A_496 = arith.constant 5 : index
      %swap3A_497 = memref.load %arg3[%swap3A_496] : memref<32xf32, #tpu.memory_space<smem>>
      memref.store %swap3A_495, %arg3[%swap3A_496] : memref<32xf32, #tpu.memory_space<smem>>
      %swap3A_498 = arith.constant 0.000000e+00 : f32
      %swap3A_499 = arith.constant 6 : index
      %swap3A_500 = memref.load %arg3[%swap3A_499] : memref<32xf32, #tpu.memory_space<smem>>
      memref.store %swap3A_498, %arg3[%swap3A_499] : memref<32xf32, #tpu.memory_space<smem>>
      %swap3A_501 = arith.constant 0.000000e+00 : f32
      %swap3A_502 = arith.constant 7 : index
      %swap3A_503 = memref.load %arg3[%swap3A_502] : memref<32xf32, #tpu.memory_space<smem>>
      memref.store %swap3A_501, %arg3[%swap3A_502] : memref<32xf32, #tpu.memory_space<smem>>
      %swap3A_504 = arith.constant 0.000000e+00 : f32
      %swap3A_505 = arith.constant 8 : index
      %swap3A_506 = memref.load %arg3[%swap3A_505] : memref<32xf32, #tpu.memory_space<smem>>
      memref.store %swap3A_504, %arg3[%swap3A_505] : memref<32xf32, #tpu.memory_space<smem>>
      %swap3A_507 = arith.constant 0.000000e+00 : f32
      %swap3A_508 = arith.constant 9 : index
      %swap3A_509 = memref.load %arg3[%swap3A_508] : memref<32xf32, #tpu.memory_space<smem>>
      memref.store %swap3A_507, %arg3[%swap3A_508] : memref<32xf32, #tpu.memory_space<smem>>
      %swap3A_510 = arith.constant 0.000000e+00 : f32
      %swap3A_511 = arith.constant 10 : index
      %swap3A_512 = memref.load %arg3[%swap3A_511] : memref<32xf32, #tpu.memory_space<smem>>
      memref.store %swap3A_510, %arg3[%swap3A_511] : memref<32xf32, #tpu.memory_space<smem>>
      %swap3A_513 = arith.constant 0.000000e+00 : f32
      %swap3A_514 = arith.constant 11 : index
      %swap3A_515 = memref.load %arg3[%swap3A_514] : memref<32xf32, #tpu.memory_space<smem>>
      memref.store %swap3A_513, %arg3[%swap3A_514] : memref<32xf32, #tpu.memory_space<smem>>
      %swap3A_516 = arith.constant 0.000000e+00 : f32
      %swap3A_517 = arith.constant 12 : index
      %swap3A_518 = memref.load %arg3[%swap3A_517] : memref<32xf32, #tpu.memory_space<smem>>
      memref.store %swap3A_516, %arg3[%swap3A_517] : memref<32xf32, #tpu.memory_space<smem>>
      %swap3A_519 = arith.constant 0.000000e+00 : f32
      %swap3A_520 = arith.constant 13 : index
      %swap3A_521 = memref.load %arg3[%swap3A_520] : memref<32xf32, #tpu.memory_space<smem>>
      memref.store %swap3A_519, %arg3[%swap3A_520] : memref<32xf32, #tpu.memory_space<smem>>
      %swap3A_522 = arith.constant 0.000000e+00 : f32
      %swap3A_523 = arith.constant 14 : index
      %swap3A_524 = memref.load %arg3[%swap3A_523] : memref<32xf32, #tpu.memory_space<smem>>
      memref.store %swap3A_522, %arg3[%swap3A_523] : memref<32xf32, #tpu.memory_space<smem>>
      %swap3A_525 = arith.constant 0.000000e+00 : f32
      %swap3A_526 = arith.constant 15 : index
      %swap3A_527 = memref.load %arg3[%swap3A_526] : memref<32xf32, #tpu.memory_space<smem>>
      memref.store %swap3A_525, %arg3[%swap3A_526] : memref<32xf32, #tpu.memory_space<smem>>
      %swap3A_528 = arith.constant 0.000000e+00 : f32
      %swap3A_529 = arith.constant 16 : index
      %swap3A_530 = memref.load %arg3[%swap3A_529] : memref<32xf32, #tpu.memory_space<smem>>
      memref.store %swap3A_528, %arg3[%swap3A_529] : memref<32xf32, #tpu.memory_space<smem>>
      %swap3A_531 = arith.constant 0.000000e+00 : f32
      %swap3A_532 = arith.constant 17 : index
      %swap3A_533 = memref.load %arg3[%swap3A_532] : memref<32xf32, #tpu.memory_space<smem>>
      memref.store %swap3A_531, %arg3[%swap3A_532] : memref<32xf32, #tpu.memory_space<smem>>
      %swap3A_534 = arith.constant 0.000000e+00 : f32
      %swap3A_535 = arith.constant 18 : index
      %swap3A_536 = memref.load %arg3[%swap3A_535] : memref<32xf32, #tpu.memory_space<smem>>
      memref.store %swap3A_534, %arg3[%swap3A_535] : memref<32xf32, #tpu.memory_space<smem>>
      %swap3A_537 = arith.constant 0.000000e+00 : f32
      %swap3A_538 = arith.constant 19 : index
      %swap3A_539 = memref.load %arg3[%swap3A_538] : memref<32xf32, #tpu.memory_space<smem>>
      memref.store %swap3A_537, %arg3[%swap3A_538] : memref<32xf32, #tpu.memory_space<smem>>
      %swap3A_540 = arith.constant 0.000000e+00 : f32
      %swap3A_541 = arith.constant 20 : index
      %swap3A_542 = memref.load %arg3[%swap3A_541] : memref<32xf32, #tpu.memory_space<smem>>
      memref.store %swap3A_540, %arg3[%swap3A_541] : memref<32xf32, #tpu.memory_space<smem>>
      %swap3A_543 = arith.constant 0.000000e+00 : f32
      %swap3A_544 = arith.constant 21 : index
      %swap3A_545 = memref.load %arg3[%swap3A_544] : memref<32xf32, #tpu.memory_space<smem>>
      memref.store %swap3A_543, %arg3[%swap3A_544] : memref<32xf32, #tpu.memory_space<smem>>
      %swap3A_546 = arith.constant 0.000000e+00 : f32
      %swap3A_547 = arith.constant 22 : index
      %swap3A_548 = memref.load %arg3[%swap3A_547] : memref<32xf32, #tpu.memory_space<smem>>
      memref.store %swap3A_546, %arg3[%swap3A_547] : memref<32xf32, #tpu.memory_space<smem>>
      %swap3A_549 = arith.constant 0.000000e+00 : f32
      %swap3A_550 = arith.constant 23 : index
      %swap3A_551 = memref.load %arg3[%swap3A_550] : memref<32xf32, #tpu.memory_space<smem>>
      memref.store %swap3A_549, %arg3[%swap3A_550] : memref<32xf32, #tpu.memory_space<smem>>
      %swap3A_552 = arith.constant 0.000000e+00 : f32
      %swap3A_553 = arith.constant 24 : index
      %swap3A_554 = memref.load %arg3[%swap3A_553] : memref<32xf32, #tpu.memory_space<smem>>
      memref.store %swap3A_552, %arg3[%swap3A_553] : memref<32xf32, #tpu.memory_space<smem>>
      %swap3A_555 = arith.constant 0.000000e+00 : f32
      %swap3A_556 = arith.constant 25 : index
      %swap3A_557 = memref.load %arg3[%swap3A_556] : memref<32xf32, #tpu.memory_space<smem>>
      memref.store %swap3A_555, %arg3[%swap3A_556] : memref<32xf32, #tpu.memory_space<smem>>
      %swap3A_558 = arith.constant 0.000000e+00 : f32
      %swap3A_559 = arith.constant 26 : index
      %swap3A_560 = memref.load %arg3[%swap3A_559] : memref<32xf32, #tpu.memory_space<smem>>
      memref.store %swap3A_558, %arg3[%swap3A_559] : memref<32xf32, #tpu.memory_space<smem>>
      %swap3A_561 = arith.constant 0.000000e+00 : f32
      %swap3A_562 = arith.constant 27 : index
      %swap3A_563 = memref.load %arg3[%swap3A_562] : memref<32xf32, #tpu.memory_space<smem>>
      memref.store %swap3A_561, %arg3[%swap3A_562] : memref<32xf32, #tpu.memory_space<smem>>
      %swap3A_564 = arith.constant 0.000000e+00 : f32
      %swap3A_565 = arith.constant 28 : index
      %swap3A_566 = memref.load %arg3[%swap3A_565] : memref<32xf32, #tpu.memory_space<smem>>
      memref.store %swap3A_564, %arg3[%swap3A_565] : memref<32xf32, #tpu.memory_space<smem>>
      %swap3A_567 = arith.constant 0.000000e+00 : f32
      %swap3A_568 = arith.constant 29 : index
      %swap3A_569 = memref.load %arg3[%swap3A_568] : memref<32xf32, #tpu.memory_space<smem>>
      memref.store %swap3A_567, %arg3[%swap3A_568] : memref<32xf32, #tpu.memory_space<smem>>
      %swap3A_570 = arith.constant 0.000000e+00 : f32
      %swap3A_571 = arith.constant 30 : index
      %swap3A_572 = memref.load %arg3[%swap3A_571] : memref<32xf32, #tpu.memory_space<smem>>
      memref.store %swap3A_570, %arg3[%swap3A_571] : memref<32xf32, #tpu.memory_space<smem>>
      %swap3A_573 = arith.constant 0.000000e+00 : f32
      %swap3A_574 = arith.constant 31 : index
      %swap3A_575 = memref.load %arg3[%swap3A_574] : memref<32xf32, #tpu.memory_space<smem>>
      memref.store %swap3A_573, %arg3[%swap3A_574] : memref<32xf32, #tpu.memory_space<smem>>
    } else {
    }
    %get3A_4 = arith.constant 1 : index
    %get3A_5 = memref.load %arg1[%get3A_4] : memref<32xf32, #tpu.memory_space<smem>>
    %ge3A = vector.broadcast %get3A_5 : f32 to vector<8192x128xf32>
    %ge3A_6 = arith.cmpf oge, %get3A_1, %ge3A : vector<8192x128xf32>
    %convert_element_type3A_7 = arith.extui %ge3A_6 : vector<8192x128xi1> to vector<8192x128xi32>
    %convert_element_type3A_8 = arith.sitofp %convert_element_type3A_7 : vector<8192x128xi32> to vector<8192x128xf32>
    %reduce_sum3A = vector.shape_cast %convert_element_type3A_8 : vector<8192x128xf32> to vector<1x8192x128xf32>
    %reduce_sum3A_9 = arith.constant dense<0.000000e+00> : vector<1xf32>
    %reduce_sum3A_10 = vector.multi_reduction <add>, %reduce_sum3A, %reduce_sum3A_9 [1, 2] : vector<1x8192x128xf32> to vector<1xf32>
    %reduce_sum3A_11 = vector.shape_cast %reduce_sum3A_10 : vector<1xf32> to vector<1x1x1xf32>
    %reduce_sum3A_12 = vector.extract %reduce_sum3A_11[0, 0, 0] : f32 from vector<1x1x1xf32>
    %get3A_13 = arith.constant 1 : index
    %get3A_14 = memref.load %arg3[%get3A_13] : memref<32xf32, #tpu.memory_space<smem>>
    %add3A = arith.addf %get3A_14, %reduce_sum3A_12 : f32
    %swap3A = arith.constant 1 : index
    %swap3A_15 = memref.load %arg3[%swap3A] : memref<32xf32, #tpu.memory_space<smem>>
    memref.store %add3A, %arg3[%swap3A] : memref<32xf32, #tpu.memory_space<smem>>
    %get3A_16 = arith.constant 2 : index
    %get3A_17 = memref.load %arg1[%get3A_16] : memref<32xf32, #tpu.memory_space<smem>>
    %ge3A_18 = vector.broadcast %get3A_17 : f32 to vector<8192x128xf32>
    %ge3A_19 = arith.cmpf oge, %get3A_1, %ge3A_18 : vector<8192x128xf32>
    %convert_element_type3A_20 = arith.extui %ge3A_19 : vector<8192x128xi1> to vector<8192x128xi32>
    %convert_element_type3A_21 = arith.sitofp %convert_element_type3A_20 : vector<8192x128xi32> to vector<8192x128xf32>
    %reduce_sum3A_22 = vector.shape_cast %convert_element_type3A_21 : vector<8192x128xf32> to vector<1x8192x128xf32>
    %reduce_sum3A_23 = arith.constant dense<0.000000e+00> : vector<1xf32>
    %reduce_sum3A_24 = vector.multi_reduction <add>, %reduce_sum3A_22, %reduce_sum3A_23 [1, 2] : vector<1x8192x128xf32> to vector<1xf32>
    %reduce_sum3A_25 = vector.shape_cast %reduce_sum3A_24 : vector<1xf32> to vector<1x1x1xf32>
    %reduce_sum3A_26 = vector.extract %reduce_sum3A_25[0, 0, 0] : f32 from vector<1x1x1xf32>
    %get3A_27 = arith.constant 2 : index
    %get3A_28 = memref.load %arg3[%get3A_27] : memref<32xf32, #tpu.memory_space<smem>>
    %add3A_29 = arith.addf %get3A_28, %reduce_sum3A_26 : f32
    %swap3A_30 = arith.constant 2 : index
    %swap3A_31 = memref.load %arg3[%swap3A_30] : memref<32xf32, #tpu.memory_space<smem>>
    memref.store %add3A_29, %arg3[%swap3A_30] : memref<32xf32, #tpu.memory_space<smem>>
    %get3A_32 = arith.constant 3 : index
    %get3A_33 = memref.load %arg1[%get3A_32] : memref<32xf32, #tpu.memory_space<smem>>
    %ge3A_34 = vector.broadcast %get3A_33 : f32 to vector<8192x128xf32>
    %ge3A_35 = arith.cmpf oge, %get3A_1, %ge3A_34 : vector<8192x128xf32>
    %convert_element_type3A_36 = arith.extui %ge3A_35 : vector<8192x128xi1> to vector<8192x128xi32>
    %convert_element_type3A_37 = arith.sitofp %convert_element_type3A_36 : vector<8192x128xi32> to vector<8192x128xf32>
    %reduce_sum3A_38 = vector.shape_cast %convert_element_type3A_37 : vector<8192x128xf32> to vector<1x8192x128xf32>
    %reduce_sum3A_39 = arith.constant dense<0.000000e+00> : vector<1xf32>
    %reduce_sum3A_40 = vector.multi_reduction <add>, %reduce_sum3A_38, %reduce_sum3A_39 [1, 2] : vector<1x8192x128xf32> to vector<1xf32>
    %reduce_sum3A_41 = vector.shape_cast %reduce_sum3A_40 : vector<1xf32> to vector<1x1x1xf32>
    %reduce_sum3A_42 = vector.extract %reduce_sum3A_41[0, 0, 0] : f32 from vector<1x1x1xf32>
    %get3A_43 = arith.constant 3 : index
    %get3A_44 = memref.load %arg3[%get3A_43] : memref<32xf32, #tpu.memory_space<smem>>
    %add3A_45 = arith.addf %get3A_44, %reduce_sum3A_42 : f32
    %swap3A_46 = arith.constant 3 : index
    %swap3A_47 = memref.load %arg3[%swap3A_46] : memref<32xf32, #tpu.memory_space<smem>>
    memref.store %add3A_45, %arg3[%swap3A_46] : memref<32xf32, #tpu.memory_space<smem>>
    %get3A_48 = arith.constant 4 : index
    %get3A_49 = memref.load %arg1[%get3A_48] : memref<32xf32, #tpu.memory_space<smem>>
    %ge3A_50 = vector.broadcast %get3A_49 : f32 to vector<8192x128xf32>
    %ge3A_51 = arith.cmpf oge, %get3A_1, %ge3A_50 : vector<8192x128xf32>
    %convert_element_type3A_52 = arith.extui %ge3A_51 : vector<8192x128xi1> to vector<8192x128xi32>
    %convert_element_type3A_53 = arith.sitofp %convert_element_type3A_52 : vector<8192x128xi32> to vector<8192x128xf32>
    %reduce_sum3A_54 = vector.shape_cast %convert_element_type3A_53 : vector<8192x128xf32> to vector<1x8192x128xf32>
    %reduce_sum3A_55 = arith.constant dense<0.000000e+00> : vector<1xf32>
    %reduce_sum3A_56 = vector.multi_reduction <add>, %reduce_sum3A_54, %reduce_sum3A_55 [1, 2] : vector<1x8192x128xf32> to vector<1xf32>
    %reduce_sum3A_57 = vector.shape_cast %reduce_sum3A_56 : vector<1xf32> to vector<1x1x1xf32>
    %reduce_sum3A_58 = vector.extract %reduce_sum3A_57[0, 0, 0] : f32 from vector<1x1x1xf32>
    %get3A_59 = arith.constant 4 : index
    %get3A_60 = memref.load %arg3[%get3A_59] : memref<32xf32, #tpu.memory_space<smem>>
    %add3A_61 = arith.addf %get3A_60, %reduce_sum3A_58 : f32
    %swap3A_62 = arith.constant 4 : index
    %swap3A_63 = memref.load %arg3[%swap3A_62] : memref<32xf32, #tpu.memory_space<smem>>
    memref.store %add3A_61, %arg3[%swap3A_62] : memref<32xf32, #tpu.memory_space<smem>>
    %get3A_64 = arith.constant 5 : index
    %get3A_65 = memref.load %arg1[%get3A_64] : memref<32xf32, #tpu.memory_space<smem>>
    %ge3A_66 = vector.broadcast %get3A_65 : f32 to vector<8192x128xf32>
    %ge3A_67 = arith.cmpf oge, %get3A_1, %ge3A_66 : vector<8192x128xf32>
    %convert_element_type3A_68 = arith.extui %ge3A_67 : vector<8192x128xi1> to vector<8192x128xi32>
    %convert_element_type3A_69 = arith.sitofp %convert_element_type3A_68 : vector<8192x128xi32> to vector<8192x128xf32>
    %reduce_sum3A_70 = vector.shape_cast %convert_element_type3A_69 : vector<8192x128xf32> to vector<1x8192x128xf32>
    %reduce_sum3A_71 = arith.constant dense<0.000000e+00> : vector<1xf32>
    %reduce_sum3A_72 = vector.multi_reduction <add>, %reduce_sum3A_70, %reduce_sum3A_71 [1, 2] : vector<1x8192x128xf32> to vector<1xf32>
    %reduce_sum3A_73 = vector.shape_cast %reduce_sum3A_72 : vector<1xf32> to vector<1x1x1xf32>
    %reduce_sum3A_74 = vector.extract %reduce_sum3A_73[0, 0, 0] : f32 from vector<1x1x1xf32>
    %get3A_75 = arith.constant 5 : index
    %get3A_76 = memref.load %arg3[%get3A_75] : memref<32xf32, #tpu.memory_space<smem>>
    %add3A_77 = arith.addf %get3A_76, %reduce_sum3A_74 : f32
    %swap3A_78 = arith.constant 5 : index
    %swap3A_79 = memref.load %arg3[%swap3A_78] : memref<32xf32, #tpu.memory_space<smem>>
    memref.store %add3A_77, %arg3[%swap3A_78] : memref<32xf32, #tpu.memory_space<smem>>
    %get3A_80 = arith.constant 6 : index
    %get3A_81 = memref.load %arg1[%get3A_80] : memref<32xf32, #tpu.memory_space<smem>>
    %ge3A_82 = vector.broadcast %get3A_81 : f32 to vector<8192x128xf32>
    %ge3A_83 = arith.cmpf oge, %get3A_1, %ge3A_82 : vector<8192x128xf32>
    %convert_element_type3A_84 = arith.extui %ge3A_83 : vector<8192x128xi1> to vector<8192x128xi32>
    %convert_element_type3A_85 = arith.sitofp %convert_element_type3A_84 : vector<8192x128xi32> to vector<8192x128xf32>
    %reduce_sum3A_86 = vector.shape_cast %convert_element_type3A_85 : vector<8192x128xf32> to vector<1x8192x128xf32>
    %reduce_sum3A_87 = arith.constant dense<0.000000e+00> : vector<1xf32>
    %reduce_sum3A_88 = vector.multi_reduction <add>, %reduce_sum3A_86, %reduce_sum3A_87 [1, 2] : vector<1x8192x128xf32> to vector<1xf32>
    %reduce_sum3A_89 = vector.shape_cast %reduce_sum3A_88 : vector<1xf32> to vector<1x1x1xf32>
    %reduce_sum3A_90 = vector.extract %reduce_sum3A_89[0, 0, 0] : f32 from vector<1x1x1xf32>
    %get3A_91 = arith.constant 6 : index
    %get3A_92 = memref.load %arg3[%get3A_91] : memref<32xf32, #tpu.memory_space<smem>>
    %add3A_93 = arith.addf %get3A_92, %reduce_sum3A_90 : f32
    %swap3A_94 = arith.constant 6 : index
    %swap3A_95 = memref.load %arg3[%swap3A_94] : memref<32xf32, #tpu.memory_space<smem>>
    memref.store %add3A_93, %arg3[%swap3A_94] : memref<32xf32, #tpu.memory_space<smem>>
    %get3A_96 = arith.constant 7 : index
    %get3A_97 = memref.load %arg1[%get3A_96] : memref<32xf32, #tpu.memory_space<smem>>
    %ge3A_98 = vector.broadcast %get3A_97 : f32 to vector<8192x128xf32>
    %ge3A_99 = arith.cmpf oge, %get3A_1, %ge3A_98 : vector<8192x128xf32>
    %convert_element_type3A_100 = arith.extui %ge3A_99 : vector<8192x128xi1> to vector<8192x128xi32>
    %convert_element_type3A_101 = arith.sitofp %convert_element_type3A_100 : vector<8192x128xi32> to vector<8192x128xf32>
    %reduce_sum3A_102 = vector.shape_cast %convert_element_type3A_101 : vector<8192x128xf32> to vector<1x8192x128xf32>
    %reduce_sum3A_103 = arith.constant dense<0.000000e+00> : vector<1xf32>
    %reduce_sum3A_104 = vector.multi_reduction <add>, %reduce_sum3A_102, %reduce_sum3A_103 [1, 2] : vector<1x8192x128xf32> to vector<1xf32>
    %reduce_sum3A_105 = vector.shape_cast %reduce_sum3A_104 : vector<1xf32> to vector<1x1x1xf32>
    %reduce_sum3A_106 = vector.extract %reduce_sum3A_105[0, 0, 0] : f32 from vector<1x1x1xf32>
    %get3A_107 = arith.constant 7 : index
    %get3A_108 = memref.load %arg3[%get3A_107] : memref<32xf32, #tpu.memory_space<smem>>
    %add3A_109 = arith.addf %get3A_108, %reduce_sum3A_106 : f32
    %swap3A_110 = arith.constant 7 : index
    %swap3A_111 = memref.load %arg3[%swap3A_110] : memref<32xf32, #tpu.memory_space<smem>>
    memref.store %add3A_109, %arg3[%swap3A_110] : memref<32xf32, #tpu.memory_space<smem>>
    %get3A_112 = arith.constant 8 : index
    %get3A_113 = memref.load %arg1[%get3A_112] : memref<32xf32, #tpu.memory_space<smem>>
    %ge3A_114 = vector.broadcast %get3A_113 : f32 to vector<8192x128xf32>
    %ge3A_115 = arith.cmpf oge, %get3A_1, %ge3A_114 : vector<8192x128xf32>
    %convert_element_type3A_116 = arith.extui %ge3A_115 : vector<8192x128xi1> to vector<8192x128xi32>
    %convert_element_type3A_117 = arith.sitofp %convert_element_type3A_116 : vector<8192x128xi32> to vector<8192x128xf32>
    %reduce_sum3A_118 = vector.shape_cast %convert_element_type3A_117 : vector<8192x128xf32> to vector<1x8192x128xf32>
    %reduce_sum3A_119 = arith.constant dense<0.000000e+00> : vector<1xf32>
    %reduce_sum3A_120 = vector.multi_reduction <add>, %reduce_sum3A_118, %reduce_sum3A_119 [1, 2] : vector<1x8192x128xf32> to vector<1xf32>
    %reduce_sum3A_121 = vector.shape_cast %reduce_sum3A_120 : vector<1xf32> to vector<1x1x1xf32>
    %reduce_sum3A_122 = vector.extract %reduce_sum3A_121[0, 0, 0] : f32 from vector<1x1x1xf32>
    %get3A_123 = arith.constant 8 : index
    %get3A_124 = memref.load %arg3[%get3A_123] : memref<32xf32, #tpu.memory_space<smem>>
    %add3A_125 = arith.addf %get3A_124, %reduce_sum3A_122 : f32
    %swap3A_126 = arith.constant 8 : index
    %swap3A_127 = memref.load %arg3[%swap3A_126] : memref<32xf32, #tpu.memory_space<smem>>
    memref.store %add3A_125, %arg3[%swap3A_126] : memref<32xf32, #tpu.memory_space<smem>>
    %get3A_128 = arith.constant 9 : index
    %get3A_129 = memref.load %arg1[%get3A_128] : memref<32xf32, #tpu.memory_space<smem>>
    %ge3A_130 = vector.broadcast %get3A_129 : f32 to vector<8192x128xf32>
    %ge3A_131 = arith.cmpf oge, %get3A_1, %ge3A_130 : vector<8192x128xf32>
    %convert_element_type3A_132 = arith.extui %ge3A_131 : vector<8192x128xi1> to vector<8192x128xi32>
    %convert_element_type3A_133 = arith.sitofp %convert_element_type3A_132 : vector<8192x128xi32> to vector<8192x128xf32>
    %reduce_sum3A_134 = vector.shape_cast %convert_element_type3A_133 : vector<8192x128xf32> to vector<1x8192x128xf32>
    %reduce_sum3A_135 = arith.constant dense<0.000000e+00> : vector<1xf32>
    %reduce_sum3A_136 = vector.multi_reduction <add>, %reduce_sum3A_134, %reduce_sum3A_135 [1, 2] : vector<1x8192x128xf32> to vector<1xf32>
    %reduce_sum3A_137 = vector.shape_cast %reduce_sum3A_136 : vector<1xf32> to vector<1x1x1xf32>
    %reduce_sum3A_138 = vector.extract %reduce_sum3A_137[0, 0, 0] : f32 from vector<1x1x1xf32>
    %get3A_139 = arith.constant 9 : index
    %get3A_140 = memref.load %arg3[%get3A_139] : memref<32xf32, #tpu.memory_space<smem>>
    %add3A_141 = arith.addf %get3A_140, %reduce_sum3A_138 : f32
    %swap3A_142 = arith.constant 9 : index
    %swap3A_143 = memref.load %arg3[%swap3A_142] : memref<32xf32, #tpu.memory_space<smem>>
    memref.store %add3A_141, %arg3[%swap3A_142] : memref<32xf32, #tpu.memory_space<smem>>
    %get3A_144 = arith.constant 10 : index
    %get3A_145 = memref.load %arg1[%get3A_144] : memref<32xf32, #tpu.memory_space<smem>>
    %ge3A_146 = vector.broadcast %get3A_145 : f32 to vector<8192x128xf32>
    %ge3A_147 = arith.cmpf oge, %get3A_1, %ge3A_146 : vector<8192x128xf32>
    %convert_element_type3A_148 = arith.extui %ge3A_147 : vector<8192x128xi1> to vector<8192x128xi32>
    %convert_element_type3A_149 = arith.sitofp %convert_element_type3A_148 : vector<8192x128xi32> to vector<8192x128xf32>
    %reduce_sum3A_150 = vector.shape_cast %convert_element_type3A_149 : vector<8192x128xf32> to vector<1x8192x128xf32>
    %reduce_sum3A_151 = arith.constant dense<0.000000e+00> : vector<1xf32>
    %reduce_sum3A_152 = vector.multi_reduction <add>, %reduce_sum3A_150, %reduce_sum3A_151 [1, 2] : vector<1x8192x128xf32> to vector<1xf32>
    %reduce_sum3A_153 = vector.shape_cast %reduce_sum3A_152 : vector<1xf32> to vector<1x1x1xf32>
    %reduce_sum3A_154 = vector.extract %reduce_sum3A_153[0, 0, 0] : f32 from vector<1x1x1xf32>
    %get3A_155 = arith.constant 10 : index
    %get3A_156 = memref.load %arg3[%get3A_155] : memref<32xf32, #tpu.memory_space<smem>>
    %add3A_157 = arith.addf %get3A_156, %reduce_sum3A_154 : f32
    %swap3A_158 = arith.constant 10 : index
    %swap3A_159 = memref.load %arg3[%swap3A_158] : memref<32xf32, #tpu.memory_space<smem>>
    memref.store %add3A_157, %arg3[%swap3A_158] : memref<32xf32, #tpu.memory_space<smem>>
    %get3A_160 = arith.constant 11 : index
    %get3A_161 = memref.load %arg1[%get3A_160] : memref<32xf32, #tpu.memory_space<smem>>
    %ge3A_162 = vector.broadcast %get3A_161 : f32 to vector<8192x128xf32>
    %ge3A_163 = arith.cmpf oge, %get3A_1, %ge3A_162 : vector<8192x128xf32>
    %convert_element_type3A_164 = arith.extui %ge3A_163 : vector<8192x128xi1> to vector<8192x128xi32>
    %convert_element_type3A_165 = arith.sitofp %convert_element_type3A_164 : vector<8192x128xi32> to vector<8192x128xf32>
    %reduce_sum3A_166 = vector.shape_cast %convert_element_type3A_165 : vector<8192x128xf32> to vector<1x8192x128xf32>
    %reduce_sum3A_167 = arith.constant dense<0.000000e+00> : vector<1xf32>
    %reduce_sum3A_168 = vector.multi_reduction <add>, %reduce_sum3A_166, %reduce_sum3A_167 [1, 2] : vector<1x8192x128xf32> to vector<1xf32>
    %reduce_sum3A_169 = vector.shape_cast %reduce_sum3A_168 : vector<1xf32> to vector<1x1x1xf32>
    %reduce_sum3A_170 = vector.extract %reduce_sum3A_169[0, 0, 0] : f32 from vector<1x1x1xf32>
    %get3A_171 = arith.constant 11 : index
    %get3A_172 = memref.load %arg3[%get3A_171] : memref<32xf32, #tpu.memory_space<smem>>
    %add3A_173 = arith.addf %get3A_172, %reduce_sum3A_170 : f32
    %swap3A_174 = arith.constant 11 : index
    %swap3A_175 = memref.load %arg3[%swap3A_174] : memref<32xf32, #tpu.memory_space<smem>>
    memref.store %add3A_173, %arg3[%swap3A_174] : memref<32xf32, #tpu.memory_space<smem>>
    %get3A_176 = arith.constant 12 : index
    %get3A_177 = memref.load %arg1[%get3A_176] : memref<32xf32, #tpu.memory_space<smem>>
    %ge3A_178 = vector.broadcast %get3A_177 : f32 to vector<8192x128xf32>
    %ge3A_179 = arith.cmpf oge, %get3A_1, %ge3A_178 : vector<8192x128xf32>
    %convert_element_type3A_180 = arith.extui %ge3A_179 : vector<8192x128xi1> to vector<8192x128xi32>
    %convert_element_type3A_181 = arith.sitofp %convert_element_type3A_180 : vector<8192x128xi32> to vector<8192x128xf32>
    %reduce_sum3A_182 = vector.shape_cast %convert_element_type3A_181 : vector<8192x128xf32> to vector<1x8192x128xf32>
    %reduce_sum3A_183 = arith.constant dense<0.000000e+00> : vector<1xf32>
    %reduce_sum3A_184 = vector.multi_reduction <add>, %reduce_sum3A_182, %reduce_sum3A_183 [1, 2] : vector<1x8192x128xf32> to vector<1xf32>
    %reduce_sum3A_185 = vector.shape_cast %reduce_sum3A_184 : vector<1xf32> to vector<1x1x1xf32>
    %reduce_sum3A_186 = vector.extract %reduce_sum3A_185[0, 0, 0] : f32 from vector<1x1x1xf32>
    %get3A_187 = arith.constant 12 : index
    %get3A_188 = memref.load %arg3[%get3A_187] : memref<32xf32, #tpu.memory_space<smem>>
    %add3A_189 = arith.addf %get3A_188, %reduce_sum3A_186 : f32
    %swap3A_190 = arith.constant 12 : index
    %swap3A_191 = memref.load %arg3[%swap3A_190] : memref<32xf32, #tpu.memory_space<smem>>
    memref.store %add3A_189, %arg3[%swap3A_190] : memref<32xf32, #tpu.memory_space<smem>>
    %get3A_192 = arith.constant 13 : index
    %get3A_193 = memref.load %arg1[%get3A_192] : memref<32xf32, #tpu.memory_space<smem>>
    %ge3A_194 = vector.broadcast %get3A_193 : f32 to vector<8192x128xf32>
    %ge3A_195 = arith.cmpf oge, %get3A_1, %ge3A_194 : vector<8192x128xf32>
    %convert_element_type3A_196 = arith.extui %ge3A_195 : vector<8192x128xi1> to vector<8192x128xi32>
    %convert_element_type3A_197 = arith.sitofp %convert_element_type3A_196 : vector<8192x128xi32> to vector<8192x128xf32>
    %reduce_sum3A_198 = vector.shape_cast %convert_element_type3A_197 : vector<8192x128xf32> to vector<1x8192x128xf32>
    %reduce_sum3A_199 = arith.constant dense<0.000000e+00> : vector<1xf32>
    %reduce_sum3A_200 = vector.multi_reduction <add>, %reduce_sum3A_198, %reduce_sum3A_199 [1, 2] : vector<1x8192x128xf32> to vector<1xf32>
    %reduce_sum3A_201 = vector.shape_cast %reduce_sum3A_200 : vector<1xf32> to vector<1x1x1xf32>
    %reduce_sum3A_202 = vector.extract %reduce_sum3A_201[0, 0, 0] : f32 from vector<1x1x1xf32>
    %get3A_203 = arith.constant 13 : index
    %get3A_204 = memref.load %arg3[%get3A_203] : memref<32xf32, #tpu.memory_space<smem>>
    %add3A_205 = arith.addf %get3A_204, %reduce_sum3A_202 : f32
    %swap3A_206 = arith.constant 13 : index
    %swap3A_207 = memref.load %arg3[%swap3A_206] : memref<32xf32, #tpu.memory_space<smem>>
    memref.store %add3A_205, %arg3[%swap3A_206] : memref<32xf32, #tpu.memory_space<smem>>
    %get3A_208 = arith.constant 14 : index
    %get3A_209 = memref.load %arg1[%get3A_208] : memref<32xf32, #tpu.memory_space<smem>>
    %ge3A_210 = vector.broadcast %get3A_209 : f32 to vector<8192x128xf32>
    %ge3A_211 = arith.cmpf oge, %get3A_1, %ge3A_210 : vector<8192x128xf32>
    %convert_element_type3A_212 = arith.extui %ge3A_211 : vector<8192x128xi1> to vector<8192x128xi32>
    %convert_element_type3A_213 = arith.sitofp %convert_element_type3A_212 : vector<8192x128xi32> to vector<8192x128xf32>
    %reduce_sum3A_214 = vector.shape_cast %convert_element_type3A_213 : vector<8192x128xf32> to vector<1x8192x128xf32>
    %reduce_sum3A_215 = arith.constant dense<0.000000e+00> : vector<1xf32>
    %reduce_sum3A_216 = vector.multi_reduction <add>, %reduce_sum3A_214, %reduce_sum3A_215 [1, 2] : vector<1x8192x128xf32> to vector<1xf32>
    %reduce_sum3A_217 = vector.shape_cast %reduce_sum3A_216 : vector<1xf32> to vector<1x1x1xf32>
    %reduce_sum3A_218 = vector.extract %reduce_sum3A_217[0, 0, 0] : f32 from vector<1x1x1xf32>
    %get3A_219 = arith.constant 14 : index
    %get3A_220 = memref.load %arg3[%get3A_219] : memref<32xf32, #tpu.memory_space<smem>>
    %add3A_221 = arith.addf %get3A_220, %reduce_sum3A_218 : f32
    %swap3A_222 = arith.constant 14 : index
    %swap3A_223 = memref.load %arg3[%swap3A_222] : memref<32xf32, #tpu.memory_space<smem>>
    memref.store %add3A_221, %arg3[%swap3A_222] : memref<32xf32, #tpu.memory_space<smem>>
    %get3A_224 = arith.constant 15 : index
    %get3A_225 = memref.load %arg1[%get3A_224] : memref<32xf32, #tpu.memory_space<smem>>
    %ge3A_226 = vector.broadcast %get3A_225 : f32 to vector<8192x128xf32>
    %ge3A_227 = arith.cmpf oge, %get3A_1, %ge3A_226 : vector<8192x128xf32>
    %convert_element_type3A_228 = arith.extui %ge3A_227 : vector<8192x128xi1> to vector<8192x128xi32>
    %convert_element_type3A_229 = arith.sitofp %convert_element_type3A_228 : vector<8192x128xi32> to vector<8192x128xf32>
    %reduce_sum3A_230 = vector.shape_cast %convert_element_type3A_229 : vector<8192x128xf32> to vector<1x8192x128xf32>
    %reduce_sum3A_231 = arith.constant dense<0.000000e+00> : vector<1xf32>
    %reduce_sum3A_232 = vector.multi_reduction <add>, %reduce_sum3A_230, %reduce_sum3A_231 [1, 2] : vector<1x8192x128xf32> to vector<1xf32>
    %reduce_sum3A_233 = vector.shape_cast %reduce_sum3A_232 : vector<1xf32> to vector<1x1x1xf32>
    %reduce_sum3A_234 = vector.extract %reduce_sum3A_233[0, 0, 0] : f32 from vector<1x1x1xf32>
    %get3A_235 = arith.constant 15 : index
    %get3A_236 = memref.load %arg3[%get3A_235] : memref<32xf32, #tpu.memory_space<smem>>
    %add3A_237 = arith.addf %get3A_236, %reduce_sum3A_234 : f32
    %swap3A_238 = arith.constant 15 : index
    %swap3A_239 = memref.load %arg3[%swap3A_238] : memref<32xf32, #tpu.memory_space<smem>>
    memref.store %add3A_237, %arg3[%swap3A_238] : memref<32xf32, #tpu.memory_space<smem>>
    %get3A_240 = arith.constant 16 : index
    %get3A_241 = memref.load %arg1[%get3A_240] : memref<32xf32, #tpu.memory_space<smem>>
    %ge3A_242 = vector.broadcast %get3A_241 : f32 to vector<8192x128xf32>
    %ge3A_243 = arith.cmpf oge, %get3A_1, %ge3A_242 : vector<8192x128xf32>
    %convert_element_type3A_244 = arith.extui %ge3A_243 : vector<8192x128xi1> to vector<8192x128xi32>
    %convert_element_type3A_245 = arith.sitofp %convert_element_type3A_244 : vector<8192x128xi32> to vector<8192x128xf32>
    %reduce_sum3A_246 = vector.shape_cast %convert_element_type3A_245 : vector<8192x128xf32> to vector<1x8192x128xf32>
    %reduce_sum3A_247 = arith.constant dense<0.000000e+00> : vector<1xf32>
    %reduce_sum3A_248 = vector.multi_reduction <add>, %reduce_sum3A_246, %reduce_sum3A_247 [1, 2] : vector<1x8192x128xf32> to vector<1xf32>
    %reduce_sum3A_249 = vector.shape_cast %reduce_sum3A_248 : vector<1xf32> to vector<1x1x1xf32>
    %reduce_sum3A_250 = vector.extract %reduce_sum3A_249[0, 0, 0] : f32 from vector<1x1x1xf32>
    %get3A_251 = arith.constant 16 : index
    %get3A_252 = memref.load %arg3[%get3A_251] : memref<32xf32, #tpu.memory_space<smem>>
    %add3A_253 = arith.addf %get3A_252, %reduce_sum3A_250 : f32
    %swap3A_254 = arith.constant 16 : index
    %swap3A_255 = memref.load %arg3[%swap3A_254] : memref<32xf32, #tpu.memory_space<smem>>
    memref.store %add3A_253, %arg3[%swap3A_254] : memref<32xf32, #tpu.memory_space<smem>>
    %get3A_256 = arith.constant 17 : index
    %get3A_257 = memref.load %arg1[%get3A_256] : memref<32xf32, #tpu.memory_space<smem>>
    %ge3A_258 = vector.broadcast %get3A_257 : f32 to vector<8192x128xf32>
    %ge3A_259 = arith.cmpf oge, %get3A_1, %ge3A_258 : vector<8192x128xf32>
    %convert_element_type3A_260 = arith.extui %ge3A_259 : vector<8192x128xi1> to vector<8192x128xi32>
    %convert_element_type3A_261 = arith.sitofp %convert_element_type3A_260 : vector<8192x128xi32> to vector<8192x128xf32>
    %reduce_sum3A_262 = vector.shape_cast %convert_element_type3A_261 : vector<8192x128xf32> to vector<1x8192x128xf32>
    %reduce_sum3A_263 = arith.constant dense<0.000000e+00> : vector<1xf32>
    %reduce_sum3A_264 = vector.multi_reduction <add>, %reduce_sum3A_262, %reduce_sum3A_263 [1, 2] : vector<1x8192x128xf32> to vector<1xf32>
    %reduce_sum3A_265 = vector.shape_cast %reduce_sum3A_264 : vector<1xf32> to vector<1x1x1xf32>
    %reduce_sum3A_266 = vector.extract %reduce_sum3A_265[0, 0, 0] : f32 from vector<1x1x1xf32>
    %get3A_267 = arith.constant 17 : index
    %get3A_268 = memref.load %arg3[%get3A_267] : memref<32xf32, #tpu.memory_space<smem>>
    %add3A_269 = arith.addf %get3A_268, %reduce_sum3A_266 : f32
    %swap3A_270 = arith.constant 17 : index
    %swap3A_271 = memref.load %arg3[%swap3A_270] : memref<32xf32, #tpu.memory_space<smem>>
    memref.store %add3A_269, %arg3[%swap3A_270] : memref<32xf32, #tpu.memory_space<smem>>
    %get3A_272 = arith.constant 18 : index
    %get3A_273 = memref.load %arg1[%get3A_272] : memref<32xf32, #tpu.memory_space<smem>>
    %ge3A_274 = vector.broadcast %get3A_273 : f32 to vector<8192x128xf32>
    %ge3A_275 = arith.cmpf oge, %get3A_1, %ge3A_274 : vector<8192x128xf32>
    %convert_element_type3A_276 = arith.extui %ge3A_275 : vector<8192x128xi1> to vector<8192x128xi32>
    %convert_element_type3A_277 = arith.sitofp %convert_element_type3A_276 : vector<8192x128xi32> to vector<8192x128xf32>
    %reduce_sum3A_278 = vector.shape_cast %convert_element_type3A_277 : vector<8192x128xf32> to vector<1x8192x128xf32>
    %reduce_sum3A_279 = arith.constant dense<0.000000e+00> : vector<1xf32>
    %reduce_sum3A_280 = vector.multi_reduction <add>, %reduce_sum3A_278, %reduce_sum3A_279 [1, 2] : vector<1x8192x128xf32> to vector<1xf32>
    %reduce_sum3A_281 = vector.shape_cast %reduce_sum3A_280 : vector<1xf32> to vector<1x1x1xf32>
    %reduce_sum3A_282 = vector.extract %reduce_sum3A_281[0, 0, 0] : f32 from vector<1x1x1xf32>
    %get3A_283 = arith.constant 18 : index
    %get3A_284 = memref.load %arg3[%get3A_283] : memref<32xf32, #tpu.memory_space<smem>>
    %add3A_285 = arith.addf %get3A_284, %reduce_sum3A_282 : f32
    %swap3A_286 = arith.constant 18 : index
    %swap3A_287 = memref.load %arg3[%swap3A_286] : memref<32xf32, #tpu.memory_space<smem>>
    memref.store %add3A_285, %arg3[%swap3A_286] : memref<32xf32, #tpu.memory_space<smem>>
    %get3A_288 = arith.constant 19 : index
    %get3A_289 = memref.load %arg1[%get3A_288] : memref<32xf32, #tpu.memory_space<smem>>
    %ge3A_290 = vector.broadcast %get3A_289 : f32 to vector<8192x128xf32>
    %ge3A_291 = arith.cmpf oge, %get3A_1, %ge3A_290 : vector<8192x128xf32>
    %convert_element_type3A_292 = arith.extui %ge3A_291 : vector<8192x128xi1> to vector<8192x128xi32>
    %convert_element_type3A_293 = arith.sitofp %convert_element_type3A_292 : vector<8192x128xi32> to vector<8192x128xf32>
    %reduce_sum3A_294 = vector.shape_cast %convert_element_type3A_293 : vector<8192x128xf32> to vector<1x8192x128xf32>
    %reduce_sum3A_295 = arith.constant dense<0.000000e+00> : vector<1xf32>
    %reduce_sum3A_296 = vector.multi_reduction <add>, %reduce_sum3A_294, %reduce_sum3A_295 [1, 2] : vector<1x8192x128xf32> to vector<1xf32>
    %reduce_sum3A_297 = vector.shape_cast %reduce_sum3A_296 : vector<1xf32> to vector<1x1x1xf32>
    %reduce_sum3A_298 = vector.extract %reduce_sum3A_297[0, 0, 0] : f32 from vector<1x1x1xf32>
    %get3A_299 = arith.constant 19 : index
    %get3A_300 = memref.load %arg3[%get3A_299] : memref<32xf32, #tpu.memory_space<smem>>
    %add3A_301 = arith.addf %get3A_300, %reduce_sum3A_298 : f32
    %swap3A_302 = arith.constant 19 : index
    %swap3A_303 = memref.load %arg3[%swap3A_302] : memref<32xf32, #tpu.memory_space<smem>>
    memref.store %add3A_301, %arg3[%swap3A_302] : memref<32xf32, #tpu.memory_space<smem>>
    %get3A_304 = arith.constant 20 : index
    %get3A_305 = memref.load %arg1[%get3A_304] : memref<32xf32, #tpu.memory_space<smem>>
    %ge3A_306 = vector.broadcast %get3A_305 : f32 to vector<8192x128xf32>
    %ge3A_307 = arith.cmpf oge, %get3A_1, %ge3A_306 : vector<8192x128xf32>
    %convert_element_type3A_308 = arith.extui %ge3A_307 : vector<8192x128xi1> to vector<8192x128xi32>
    %convert_element_type3A_309 = arith.sitofp %convert_element_type3A_308 : vector<8192x128xi32> to vector<8192x128xf32>
    %reduce_sum3A_310 = vector.shape_cast %convert_element_type3A_309 : vector<8192x128xf32> to vector<1x8192x128xf32>
    %reduce_sum3A_311 = arith.constant dense<0.000000e+00> : vector<1xf32>
    %reduce_sum3A_312 = vector.multi_reduction <add>, %reduce_sum3A_310, %reduce_sum3A_311 [1, 2] : vector<1x8192x128xf32> to vector<1xf32>
    %reduce_sum3A_313 = vector.shape_cast %reduce_sum3A_312 : vector<1xf32> to vector<1x1x1xf32>
    %reduce_sum3A_314 = vector.extract %reduce_sum3A_313[0, 0, 0] : f32 from vector<1x1x1xf32>
    %get3A_315 = arith.constant 20 : index
    %get3A_316 = memref.load %arg3[%get3A_315] : memref<32xf32, #tpu.memory_space<smem>>
    %add3A_317 = arith.addf %get3A_316, %reduce_sum3A_314 : f32
    %swap3A_318 = arith.constant 20 : index
    %swap3A_319 = memref.load %arg3[%swap3A_318] : memref<32xf32, #tpu.memory_space<smem>>
    memref.store %add3A_317, %arg3[%swap3A_318] : memref<32xf32, #tpu.memory_space<smem>>
    %get3A_320 = arith.constant 21 : index
    %get3A_321 = memref.load %arg1[%get3A_320] : memref<32xf32, #tpu.memory_space<smem>>
    %ge3A_322 = vector.broadcast %get3A_321 : f32 to vector<8192x128xf32>
    %ge3A_323 = arith.cmpf oge, %get3A_1, %ge3A_322 : vector<8192x128xf32>
    %convert_element_type3A_324 = arith.extui %ge3A_323 : vector<8192x128xi1> to vector<8192x128xi32>
    %convert_element_type3A_325 = arith.sitofp %convert_element_type3A_324 : vector<8192x128xi32> to vector<8192x128xf32>
    %reduce_sum3A_326 = vector.shape_cast %convert_element_type3A_325 : vector<8192x128xf32> to vector<1x8192x128xf32>
    %reduce_sum3A_327 = arith.constant dense<0.000000e+00> : vector<1xf32>
    %reduce_sum3A_328 = vector.multi_reduction <add>, %reduce_sum3A_326, %reduce_sum3A_327 [1, 2] : vector<1x8192x128xf32> to vector<1xf32>
    %reduce_sum3A_329 = vector.shape_cast %reduce_sum3A_328 : vector<1xf32> to vector<1x1x1xf32>
    %reduce_sum3A_330 = vector.extract %reduce_sum3A_329[0, 0, 0] : f32 from vector<1x1x1xf32>
    %get3A_331 = arith.constant 21 : index
    %get3A_332 = memref.load %arg3[%get3A_331] : memref<32xf32, #tpu.memory_space<smem>>
    %add3A_333 = arith.addf %get3A_332, %reduce_sum3A_330 : f32
    %swap3A_334 = arith.constant 21 : index
    %swap3A_335 = memref.load %arg3[%swap3A_334] : memref<32xf32, #tpu.memory_space<smem>>
    memref.store %add3A_333, %arg3[%swap3A_334] : memref<32xf32, #tpu.memory_space<smem>>
    %get3A_336 = arith.constant 22 : index
    %get3A_337 = memref.load %arg1[%get3A_336] : memref<32xf32, #tpu.memory_space<smem>>
    %ge3A_338 = vector.broadcast %get3A_337 : f32 to vector<8192x128xf32>
    %ge3A_339 = arith.cmpf oge, %get3A_1, %ge3A_338 : vector<8192x128xf32>
    %convert_element_type3A_340 = arith.extui %ge3A_339 : vector<8192x128xi1> to vector<8192x128xi32>
    %convert_element_type3A_341 = arith.sitofp %convert_element_type3A_340 : vector<8192x128xi32> to vector<8192x128xf32>
    %reduce_sum3A_342 = vector.shape_cast %convert_element_type3A_341 : vector<8192x128xf32> to vector<1x8192x128xf32>
    %reduce_sum3A_343 = arith.constant dense<0.000000e+00> : vector<1xf32>
    %reduce_sum3A_344 = vector.multi_reduction <add>, %reduce_sum3A_342, %reduce_sum3A_343 [1, 2] : vector<1x8192x128xf32> to vector<1xf32>
    %reduce_sum3A_345 = vector.shape_cast %reduce_sum3A_344 : vector<1xf32> to vector<1x1x1xf32>
    %reduce_sum3A_346 = vector.extract %reduce_sum3A_345[0, 0, 0] : f32 from vector<1x1x1xf32>
    %get3A_347 = arith.constant 22 : index
    %get3A_348 = memref.load %arg3[%get3A_347] : memref<32xf32, #tpu.memory_space<smem>>
    %add3A_349 = arith.addf %get3A_348, %reduce_sum3A_346 : f32
    %swap3A_350 = arith.constant 22 : index
    %swap3A_351 = memref.load %arg3[%swap3A_350] : memref<32xf32, #tpu.memory_space<smem>>
    memref.store %add3A_349, %arg3[%swap3A_350] : memref<32xf32, #tpu.memory_space<smem>>
    %get3A_352 = arith.constant 23 : index
    %get3A_353 = memref.load %arg1[%get3A_352] : memref<32xf32, #tpu.memory_space<smem>>
    %ge3A_354 = vector.broadcast %get3A_353 : f32 to vector<8192x128xf32>
    %ge3A_355 = arith.cmpf oge, %get3A_1, %ge3A_354 : vector<8192x128xf32>
    %convert_element_type3A_356 = arith.extui %ge3A_355 : vector<8192x128xi1> to vector<8192x128xi32>
    %convert_element_type3A_357 = arith.sitofp %convert_element_type3A_356 : vector<8192x128xi32> to vector<8192x128xf32>
    %reduce_sum3A_358 = vector.shape_cast %convert_element_type3A_357 : vector<8192x128xf32> to vector<1x8192x128xf32>
    %reduce_sum3A_359 = arith.constant dense<0.000000e+00> : vector<1xf32>
    %reduce_sum3A_360 = vector.multi_reduction <add>, %reduce_sum3A_358, %reduce_sum3A_359 [1, 2] : vector<1x8192x128xf32> to vector<1xf32>
    %reduce_sum3A_361 = vector.shape_cast %reduce_sum3A_360 : vector<1xf32> to vector<1x1x1xf32>
    %reduce_sum3A_362 = vector.extract %reduce_sum3A_361[0, 0, 0] : f32 from vector<1x1x1xf32>
    %get3A_363 = arith.constant 23 : index
    %get3A_364 = memref.load %arg3[%get3A_363] : memref<32xf32, #tpu.memory_space<smem>>
    %add3A_365 = arith.addf %get3A_364, %reduce_sum3A_362 : f32
    %swap3A_366 = arith.constant 23 : index
    %swap3A_367 = memref.load %arg3[%swap3A_366] : memref<32xf32, #tpu.memory_space<smem>>
    memref.store %add3A_365, %arg3[%swap3A_366] : memref<32xf32, #tpu.memory_space<smem>>
    %get3A_368 = arith.constant 24 : index
    %get3A_369 = memref.load %arg1[%get3A_368] : memref<32xf32, #tpu.memory_space<smem>>
    %ge3A_370 = vector.broadcast %get3A_369 : f32 to vector<8192x128xf32>
    %ge3A_371 = arith.cmpf oge, %get3A_1, %ge3A_370 : vector<8192x128xf32>
    %convert_element_type3A_372 = arith.extui %ge3A_371 : vector<8192x128xi1> to vector<8192x128xi32>
    %convert_element_type3A_373 = arith.sitofp %convert_element_type3A_372 : vector<8192x128xi32> to vector<8192x128xf32>
    %reduce_sum3A_374 = vector.shape_cast %convert_element_type3A_373 : vector<8192x128xf32> to vector<1x8192x128xf32>
    %reduce_sum3A_375 = arith.constant dense<0.000000e+00> : vector<1xf32>
    %reduce_sum3A_376 = vector.multi_reduction <add>, %reduce_sum3A_374, %reduce_sum3A_375 [1, 2] : vector<1x8192x128xf32> to vector<1xf32>
    %reduce_sum3A_377 = vector.shape_cast %reduce_sum3A_376 : vector<1xf32> to vector<1x1x1xf32>
    %reduce_sum3A_378 = vector.extract %reduce_sum3A_377[0, 0, 0] : f32 from vector<1x1x1xf32>
    %get3A_379 = arith.constant 24 : index
    %get3A_380 = memref.load %arg3[%get3A_379] : memref<32xf32, #tpu.memory_space<smem>>
    %add3A_381 = arith.addf %get3A_380, %reduce_sum3A_378 : f32
    %swap3A_382 = arith.constant 24 : index
    %swap3A_383 = memref.load %arg3[%swap3A_382] : memref<32xf32, #tpu.memory_space<smem>>
    memref.store %add3A_381, %arg3[%swap3A_382] : memref<32xf32, #tpu.memory_space<smem>>
    %get3A_384 = arith.constant 25 : index
    %get3A_385 = memref.load %arg1[%get3A_384] : memref<32xf32, #tpu.memory_space<smem>>
    %ge3A_386 = vector.broadcast %get3A_385 : f32 to vector<8192x128xf32>
    %ge3A_387 = arith.cmpf oge, %get3A_1, %ge3A_386 : vector<8192x128xf32>
    %convert_element_type3A_388 = arith.extui %ge3A_387 : vector<8192x128xi1> to vector<8192x128xi32>
    %convert_element_type3A_389 = arith.sitofp %convert_element_type3A_388 : vector<8192x128xi32> to vector<8192x128xf32>
    %reduce_sum3A_390 = vector.shape_cast %convert_element_type3A_389 : vector<8192x128xf32> to vector<1x8192x128xf32>
    %reduce_sum3A_391 = arith.constant dense<0.000000e+00> : vector<1xf32>
    %reduce_sum3A_392 = vector.multi_reduction <add>, %reduce_sum3A_390, %reduce_sum3A_391 [1, 2] : vector<1x8192x128xf32> to vector<1xf32>
    %reduce_sum3A_393 = vector.shape_cast %reduce_sum3A_392 : vector<1xf32> to vector<1x1x1xf32>
    %reduce_sum3A_394 = vector.extract %reduce_sum3A_393[0, 0, 0] : f32 from vector<1x1x1xf32>
    %get3A_395 = arith.constant 25 : index
    %get3A_396 = memref.load %arg3[%get3A_395] : memref<32xf32, #tpu.memory_space<smem>>
    %add3A_397 = arith.addf %get3A_396, %reduce_sum3A_394 : f32
    %swap3A_398 = arith.constant 25 : index
    %swap3A_399 = memref.load %arg3[%swap3A_398] : memref<32xf32, #tpu.memory_space<smem>>
    memref.store %add3A_397, %arg3[%swap3A_398] : memref<32xf32, #tpu.memory_space<smem>>
    %get3A_400 = arith.constant 26 : index
    %get3A_401 = memref.load %arg1[%get3A_400] : memref<32xf32, #tpu.memory_space<smem>>
    %ge3A_402 = vector.broadcast %get3A_401 : f32 to vector<8192x128xf32>
    %ge3A_403 = arith.cmpf oge, %get3A_1, %ge3A_402 : vector<8192x128xf32>
    %convert_element_type3A_404 = arith.extui %ge3A_403 : vector<8192x128xi1> to vector<8192x128xi32>
    %convert_element_type3A_405 = arith.sitofp %convert_element_type3A_404 : vector<8192x128xi32> to vector<8192x128xf32>
    %reduce_sum3A_406 = vector.shape_cast %convert_element_type3A_405 : vector<8192x128xf32> to vector<1x8192x128xf32>
    %reduce_sum3A_407 = arith.constant dense<0.000000e+00> : vector<1xf32>
    %reduce_sum3A_408 = vector.multi_reduction <add>, %reduce_sum3A_406, %reduce_sum3A_407 [1, 2] : vector<1x8192x128xf32> to vector<1xf32>
    %reduce_sum3A_409 = vector.shape_cast %reduce_sum3A_408 : vector<1xf32> to vector<1x1x1xf32>
    %reduce_sum3A_410 = vector.extract %reduce_sum3A_409[0, 0, 0] : f32 from vector<1x1x1xf32>
    %get3A_411 = arith.constant 26 : index
    %get3A_412 = memref.load %arg3[%get3A_411] : memref<32xf32, #tpu.memory_space<smem>>
    %add3A_413 = arith.addf %get3A_412, %reduce_sum3A_410 : f32
    %swap3A_414 = arith.constant 26 : index
    %swap3A_415 = memref.load %arg3[%swap3A_414] : memref<32xf32, #tpu.memory_space<smem>>
    memref.store %add3A_413, %arg3[%swap3A_414] : memref<32xf32, #tpu.memory_space<smem>>
    %get3A_416 = arith.constant 27 : index
    %get3A_417 = memref.load %arg1[%get3A_416] : memref<32xf32, #tpu.memory_space<smem>>
    %ge3A_418 = vector.broadcast %get3A_417 : f32 to vector<8192x128xf32>
    %ge3A_419 = arith.cmpf oge, %get3A_1, %ge3A_418 : vector<8192x128xf32>
    %convert_element_type3A_420 = arith.extui %ge3A_419 : vector<8192x128xi1> to vector<8192x128xi32>
    %convert_element_type3A_421 = arith.sitofp %convert_element_type3A_420 : vector<8192x128xi32> to vector<8192x128xf32>
    %reduce_sum3A_422 = vector.shape_cast %convert_element_type3A_421 : vector<8192x128xf32> to vector<1x8192x128xf32>
    %reduce_sum3A_423 = arith.constant dense<0.000000e+00> : vector<1xf32>
    %reduce_sum3A_424 = vector.multi_reduction <add>, %reduce_sum3A_422, %reduce_sum3A_423 [1, 2] : vector<1x8192x128xf32> to vector<1xf32>
    %reduce_sum3A_425 = vector.shape_cast %reduce_sum3A_424 : vector<1xf32> to vector<1x1x1xf32>
    %reduce_sum3A_426 = vector.extract %reduce_sum3A_425[0, 0, 0] : f32 from vector<1x1x1xf32>
    %get3A_427 = arith.constant 27 : index
    %get3A_428 = memref.load %arg3[%get3A_427] : memref<32xf32, #tpu.memory_space<smem>>
    %add3A_429 = arith.addf %get3A_428, %reduce_sum3A_426 : f32
    %swap3A_430 = arith.constant 27 : index
    %swap3A_431 = memref.load %arg3[%swap3A_430] : memref<32xf32, #tpu.memory_space<smem>>
    memref.store %add3A_429, %arg3[%swap3A_430] : memref<32xf32, #tpu.memory_space<smem>>
    %get3A_432 = arith.constant 28 : index
    %get3A_433 = memref.load %arg1[%get3A_432] : memref<32xf32, #tpu.memory_space<smem>>
    %ge3A_434 = vector.broadcast %get3A_433 : f32 to vector<8192x128xf32>
    %ge3A_435 = arith.cmpf oge, %get3A_1, %ge3A_434 : vector<8192x128xf32>
    %convert_element_type3A_436 = arith.extui %ge3A_435 : vector<8192x128xi1> to vector<8192x128xi32>
    %convert_element_type3A_437 = arith.sitofp %convert_element_type3A_436 : vector<8192x128xi32> to vector<8192x128xf32>
    %reduce_sum3A_438 = vector.shape_cast %convert_element_type3A_437 : vector<8192x128xf32> to vector<1x8192x128xf32>
    %reduce_sum3A_439 = arith.constant dense<0.000000e+00> : vector<1xf32>
    %reduce_sum3A_440 = vector.multi_reduction <add>, %reduce_sum3A_438, %reduce_sum3A_439 [1, 2] : vector<1x8192x128xf32> to vector<1xf32>
    %reduce_sum3A_441 = vector.shape_cast %reduce_sum3A_440 : vector<1xf32> to vector<1x1x1xf32>
    %reduce_sum3A_442 = vector.extract %reduce_sum3A_441[0, 0, 0] : f32 from vector<1x1x1xf32>
    %get3A_443 = arith.constant 28 : index
    %get3A_444 = memref.load %arg3[%get3A_443] : memref<32xf32, #tpu.memory_space<smem>>
    %add3A_445 = arith.addf %get3A_444, %reduce_sum3A_442 : f32
    %swap3A_446 = arith.constant 28 : index
    %swap3A_447 = memref.load %arg3[%swap3A_446] : memref<32xf32, #tpu.memory_space<smem>>
    memref.store %add3A_445, %arg3[%swap3A_446] : memref<32xf32, #tpu.memory_space<smem>>
    %get3A_448 = arith.constant 29 : index
    %get3A_449 = memref.load %arg1[%get3A_448] : memref<32xf32, #tpu.memory_space<smem>>
    %ge3A_450 = vector.broadcast %get3A_449 : f32 to vector<8192x128xf32>
    %ge3A_451 = arith.cmpf oge, %get3A_1, %ge3A_450 : vector<8192x128xf32>
    %convert_element_type3A_452 = arith.extui %ge3A_451 : vector<8192x128xi1> to vector<8192x128xi32>
    %convert_element_type3A_453 = arith.sitofp %convert_element_type3A_452 : vector<8192x128xi32> to vector<8192x128xf32>
    %reduce_sum3A_454 = vector.shape_cast %convert_element_type3A_453 : vector<8192x128xf32> to vector<1x8192x128xf32>
    %reduce_sum3A_455 = arith.constant dense<0.000000e+00> : vector<1xf32>
    %reduce_sum3A_456 = vector.multi_reduction <add>, %reduce_sum3A_454, %reduce_sum3A_455 [1, 2] : vector<1x8192x128xf32> to vector<1xf32>
    %reduce_sum3A_457 = vector.shape_cast %reduce_sum3A_456 : vector<1xf32> to vector<1x1x1xf32>
    %reduce_sum3A_458 = vector.extract %reduce_sum3A_457[0, 0, 0] : f32 from vector<1x1x1xf32>
    %get3A_459 = arith.constant 29 : index
    %get3A_460 = memref.load %arg3[%get3A_459] : memref<32xf32, #tpu.memory_space<smem>>
    %add3A_461 = arith.addf %get3A_460, %reduce_sum3A_458 : f32
    %swap3A_462 = arith.constant 29 : index
    %swap3A_463 = memref.load %arg3[%swap3A_462] : memref<32xf32, #tpu.memory_space<smem>>
    memref.store %add3A_461, %arg3[%swap3A_462] : memref<32xf32, #tpu.memory_space<smem>>
    %get3A_464 = arith.constant 30 : index
    %get3A_465 = memref.load %arg1[%get3A_464] : memref<32xf32, #tpu.memory_space<smem>>
    %ge3A_466 = vector.broadcast %get3A_465 : f32 to vector<8192x128xf32>
    %ge3A_467 = arith.cmpf oge, %get3A_1, %ge3A_466 : vector<8192x128xf32>
    %convert_element_type3A_468 = arith.extui %ge3A_467 : vector<8192x128xi1> to vector<8192x128xi32>
    %convert_element_type3A_469 = arith.sitofp %convert_element_type3A_468 : vector<8192x128xi32> to vector<8192x128xf32>
    %reduce_sum3A_470 = vector.shape_cast %convert_element_type3A_469 : vector<8192x128xf32> to vector<1x8192x128xf32>
    %reduce_sum3A_471 = arith.constant dense<0.000000e+00> : vector<1xf32>
    %reduce_sum3A_472 = vector.multi_reduction <add>, %reduce_sum3A_470, %reduce_sum3A_471 [1, 2] : vector<1x8192x128xf32> to vector<1xf32>
    %reduce_sum3A_473 = vector.shape_cast %reduce_sum3A_472 : vector<1xf32> to vector<1x1x1xf32>
    %reduce_sum3A_474 = vector.extract %reduce_sum3A_473[0, 0, 0] : f32 from vector<1x1x1xf32>
    %get3A_475 = arith.constant 30 : index
    %get3A_476 = memref.load %arg3[%get3A_475] : memref<32xf32, #tpu.memory_space<smem>>
    %add3A_477 = arith.addf %get3A_476, %reduce_sum3A_474 : f32
    %swap3A_478 = arith.constant 30 : index
    %swap3A_479 = memref.load %arg3[%swap3A_478] : memref<32xf32, #tpu.memory_space<smem>>
    memref.store %add3A_477, %arg3[%swap3A_478] : memref<32xf32, #tpu.memory_space<smem>>
    return
  }
  func.func @transform_0(%arg0: i32) -> i32 {
    %c0_i32 = arith.constant 0 : i32
    %c0_i32_0 = arith.constant 0 : i32
    return %c0_i32 : i32
  }
  func.func @transform_1(%arg0: i32) -> (i32, i32) {
    %c0_i32 = arith.constant 0 : i32
    %c0_i32_0 = arith.constant 0 : i32
    return %arg0, %c0_i32 : i32, i32
  }
  func.func @transform_2(%arg0: i32) -> i32 {
    %c0_i32 = arith.constant 0 : i32
    %c0_i32_0 = arith.constant 0 : i32
    return %c0_i32 : i32
  }
}

</mosaic_0001>

<sc_bundles>
// kernel: kernel.6.cloned.1.call-start
scs
__scs_entry_jumppad:
0x0: {  	(pc) =	sbr.rel $0x88, $3  }
0x1: {  	(tag) =	ssettag $0x0;
	lr =	simm.s32 $0x1  }
0x2: {  	[smem:$0x3FA0] =	sst lr;
	_ =	strace $0xD0000000  }
0x3: {  	_ = 	snop  }
0x4: {  	_ = 	snop  }
0x5: {  	_ = 	snop  }
0x6: {  	_ = 	snop  }
0x7: {  	_ = 	snop  }
__scs_overlays_trampoline_lowered:
0x8: {  	[smem:$0x3FAF] =	sst s0  }
0x9: {  	[smem:$0x3FB0] =	sst s1  }
0xa: {  	[smem:$0x3FB1] =	sst s2  }
0xb: {  	[smem:$0x3FB2] =	sst s3  }
0xc: {  	[smem:$0x3FB3] =	sst s4  }
0xd: {  	[smem:$0x3FB4] =	sst s5  }
0xe: {  	[smem:$0x3FB5] =	sst s6  }
0xf: {  	[smem:$0x3FB6] =	sst s7  }
0x10: {  	[smem:$0x3FB7] =	sst s8  }
0x11: {  	[smem:$0x3FB8] =	sst s9;
	s0 =	simm.s32 @!p0 $0x0  }
0x12: {  	s1 =	sld [smem:$0x3F9E];
	s0 =	simm.s32 @p0 $0x1  }
0x13: {  	[smem:$0x3FB9] =	sst s0;
	s0 =	simm.s32 @!p1 $0x0  }
0x14: {  	s2 =	sld [smem:$0x3F9D];
	s0 =	simm.s32 @p1 $0x1  }
0x15: {  	[smem:$0x3FBA] =	sst s0;
	s0 =	simm.s32 @!p2 $0x0  }
0x16: {  	s3 =	sld [smem:$0x3FDB];
	s0 =	simm.s32 @p2 $0x1  }
0x17: {  	s4 =	simm.s32 $0x1BF5;
	[smem:$0x3FBC] =	sst s0  }
0x18: {  	s0 =	sld [smem:$0x3F9F];
	_ =	swait.ge [sflag:s4], $0x0  }
0x19: {  	s7 =	sld [smem:$0x3FA0]  }
0x1a: {  	s8 =	sadd.s32 $0xFFFFE003, lr  }
0x1b: {  	s9 =	sadd.s32 $0xFFFFFEF7, lr;
	s5 =	simm.s32 $0xFFFFFFFF;
	p2 =	slt.u32 s8, $0xFFFFF086  }
0x1c: {  	p1 =	slt.u32 s9, $0xF7A;
	s5 =	simm.s32 @!p2 $0x0  }
0x1d: {  	s5 =	simm.s32 @p1 $0x1;
	p0 =	seq.s32 s7, s2  }
0x1e: {  	s7 =	smul.u32 @!p0 $0xF7A, s2;
	p2 =	seq.s32 @!p0 s5, $0x0  }
0x1f: {  	s9 =	smul.u32 $0xF7A, s1;
	s8 =	simm.s32 @!p0 $0x1BF5;
	p2 =	por !p2, p0  }
0x20: {  	[sflag:s8] =	ssyncset.s32 @!p0 $0xFFFFF086;
	s6 =	sadd.s32 @!p0 s3, s7;
	s7 =	simm.s32 @!p0 $0x108  }
0x21: {  	s3 =	sadd.s32 s3, s9;
	s6 =	sadd.s32 @!p0 $0x88, s6;
	s7 =	simm.s32 @p2 $0x1082  }
0x22: {  	[simem:s7], [sflag:s8] =	dma.local @!p0 [hbm:s6], $0xF7A  }
0x23: {  	s9 =	sor.u32 $0xD0000000, s2;
	s6 =	simm.s32 $0x108;
	_ =	swait.ge @!p0 [sflag:s8], $0x0  }
0x24: {  	s3 =	sadd.s32 $0x88, s3;
	s6 =	simm.s32 @!p1 $0x1082;
	[sflag:s4] =	ssyncset.s32 $0xFFFFF086  }
0x25: {  	[simem:s6], [sflag:s4] =	dma.local [hbm:s3], $0xF7A  }
0x26: {  	[smem:$0x3FA0] =	sst s1;
	(tag) =	ssettag s2;
	_ =	strace s9  }
0x27: {  	s1 =	sld [smem:$0x3FB0]  }
0x28: {  	s2 =	sld [smem:$0x3FB1]  }
0x29: {  	s4 =	sld [smem:$0x3FB3]  }
0x2a: {  	p0 =	seq.s32 s5, $0x0;
	s5 =	sld [smem:$0x3FB4]  }
0x2b: {  	s6 =	sld [smem:$0x3FB5]  }
0x2c: {  	s7 =	sld [smem:$0x3FB6]  }
0x2d: {  	s3 =	simm.s32 $0x108;
	s8 =	sld [smem:$0x3FB7]  }
0x2e: {  	s3 =	simm.s32 @!p0 $0x1082;
	s9 =	sld [smem:$0x3FB8]  }
0x2f: {  	lr =	sadd.s32 s0, s3;
	s0 =	sld [smem:$0x3FAF]  }
0x30: {  	s3 =	sld [smem:$0x3FB2]  }
0x31: {  	[smem:$0x3FBB] =	sst s10  }
0x32: {  	s10 =	sld [smem:$0x3FB9];
	_ =	sdelay $0x3  }
0x33: {  	p0 =	seq.s32 s10, $0x1;
	s10 =	sld [smem:$0x3FBB];
	_ =	sdelay $0x3  }
0x34: {  	[smem:$0x3FBB] =	sst s10  }
0x35: {  	s10 =	sld [smem:$0x3FBA];
	_ =	sdelay $0x3  }
0x36: {  	p1 =	seq.s32 s10, $0x1;
	s10 =	sld [smem:$0x3FBB];
	_ =	sdelay $0x3  }
0x37: {  	[smem:$0x3FBB] =	sst s10  }
0x38: {  	s10 =	sld [smem:$0x3FBC]  }
0x39: {  	_ = 	snop;
	(pc) =	sbr.ind lr, $3  }
0x3a: {  	_ = 	snop  }
0x3b: {  	_ = 	snop  }
0x3c: {  	p2 =	seq.s32 s10, $0x1;
	s10 =	sld [smem:$0x3FBB]  }
0x3d: {  	_ =	shalt  }
0x3e: {  	_ =	shalt  }
0x3f: {  	_ =	shalt  }
0x40: {  	_ =	shalt  }
0x41: {  	_ =	shalt  }
0x42: {  	_ =	shalt  }
0x43: {  	_ =	shalt  }
0x44: {  	_ =	shalt  }
0x45: {  	_ =	shalt  }
0x46: {  	_ =	shalt  }
0x47: {  	_ =	shalt  }
0x48: {  	_ =	shalt  }
0x49: {  	_ =	shalt  }
0x4a: {  	_ =	shalt  }
0x4b: {  	_ =	shalt  }
0x4c: {  	_ =	shalt  }
0x4d: {  	_ =	shalt  }
0x4e: {  	_ =	shalt  }
0x4f: {  	_ =	shalt  }
0x50: {  	_ =	shalt  }
0x51: {  	_ =	shalt  }
0x52: {  	_ =	shalt  }
0x53: {  	_ =	shalt  }
0x54: {  	_ =	shalt  }
0x55: {  	_ =	shalt  }
0x56: {  	_ =	shalt  }
0x57: {  	_ =	shalt  }
0x58: {  	_ =	shalt  }
0x59: {  	_ =	shalt  }
0x5a: {  	_ =	shalt  }
0x5b: {  	_ =	shalt  }
0x5c: {  	_ =	shalt  }
0x5d: {  	_ =	shalt  }
0x5e: {  	_ =	shalt  }
0x5f: {  	_ =	shalt  }
0x60: {  	_ =	shalt  }
0x61: {  	_ =	shalt  }
0x62: {  	_ =	shalt  }
0x63: {  	_ =	shalt  }
0x64: {  	_ =	shalt  }
0x65: {  	_ =	shalt  }
0x66: {  	_ =	shalt  }
0x67: {  	_ =	shalt  }
0x68: {  	_ =	shalt  }
0x69: {  	_ =	shalt  }
0x6a: {  	_ =	shalt  }
0x6b: {  	_ =	shalt  }
0x6c: {  	_ =	shalt  }
0x6d: {  	_ =	shalt  }
0x6e: {  	_ =	shalt  }
0x6f: {  	_ =	shalt  }
0x70: {  	_ =	shalt  }
0x71: {  	_ =	shalt  }
0x72: {  	_ =	shalt  }
0x73: {  	_ =	shalt  }
0x74: {  	_ =	shalt  }
0x75: {  	_ =	shalt  }
0x76: {  	_ =	shalt  }
0x77: {  	_ =	shalt  }
0x78: {  	_ =	shalt  }
0x79: {  	_ =	shalt  }
0x7a: {  	_ =	shalt  }
0x7b: {  	_ =	shalt  }
0x7c: {  	_ =	shalt  }
0x7d: {  	_ =	shalt  }
0x7e: {  	_ =	shalt  }
0x7f: {  	_ =	shalt  }
0x80: {  	_ =	shalt  }
0x81: {  	_ =	shalt  }
0x82: {  	_ =	shalt  }
0x83: {  	_ =	shalt  }
0x84: {  	_ =	shalt  }
0x85: {  	_ =	shalt  }
0x86: {  	_ =	shalt  }
0x87: {  	_ =	shalt  }
.Lfunc_end0:
.L_simem_size_0:
called_computation_lowered:
.L_overlay_start_0:
0x88: {  	s2 =	sld [smem:$0x3FD9]  }
0x89: {  	s3 =	sld [smem:$0x3FFE];
	_ =	sdelay $0x1  }
0x8a: {  	s1 =	srdreg.scid  }
0x8b: {  	s0 =	sand.u32 $0x1, s1  }
0x8c: {  	s17 =	sshll.u32 s0, $0xA;
	s2 =	sadd.s32 s3, s2  }
0x8d: {  	s2 =	sadd.s32 s2, s17  }
0x8e: {  	[smem:$0x3FC7] =	sst s2  }
0x8f: {  	_ = 	snop  }
0x90: {  	s2 =	sld [smem:$0x3FC9];
	(tm) =	ssettm $0x1  }
0x91: {  	s18 =	sld [smem:$0x3FFB];
	_ =	sdelay $0x3  }
0x92: {  	_ =	strace s18  }
0x93: {  	s3 =	sld [smem:$0x3FFC];
	_ =	sdelay $0x3  }
0x94: {  	_ =	strace s3  }
0x95: {  	s3 =	sld [smem:$0x3FFD];
	_ =	sdelay $0x3  }
0x96: {  	_ =	strace s3  }
0x97: {  	_ =	strace $0x8FFFFFFF  }
0x98: {  	s19 =	sld [smem:$0x3FDB];
	_ =	sdelay $0x1  }
0x99: {  	s4 =	simm.s32 $_scs_section_size  }
0x9a: {  	s5 =	simm.s32 $_size__tile_overlayer_lowered;
	s6 =	simm.s32 $_tile_overlayer_lowered  }
0x9b: {  	s22 =	simm.s32 $0x1BFF;
	s21 =	sshll.u32 s6, $0x1;
	s3 =	sadd.s32 s4, s19  }
0x9c: {  	s7 =	simm.s32 $0x0;
	s20 =	sshll.u32 s5, $0x1;
	s5 =	sadd.s32 s21, s3  }
0x9d: {  	[timem:s7], [sflag:s22] =	dma.local [hbm:s5], s20  }
0x9e: {  	_ =	swait.ge [sflag:s22], s20  }
0x9f: {  	s4 =	ssub.s32 $0x0, s20;
	[sflag:s22] =	ssyncset.done $0x0  }
0xa0: {  	[sflag:s22] =	ssyncadd.s32 s4;
	_ =	sdelay $0x1  }
0xa1: {  	s23 =	simm.s32 $0x1B8B  }
0xa2: {  	_ =	swait.ge [sflag:s23], $0x1  }
0xa3: {  	[sflag:s23] =	ssyncset.done $0x0  }
0xa4: {  	s25 =	simm.s32 $0x1B8E;
	s24 =	sld [smem:$0x3FFE];
	[sflag:s23] =	ssyncadd.s32 $0xFFFFFFFF  }
0xa5: {  	s26 =	simm.s32 $execute0_lowered;
	[smem:$0x3FD2] =	sst s25  }
0xa6: {  	s5 =	sshll.u32 s26, $0x1;
	_ =	strace $0x80000046;
	[dreg:$0x1] =	wrdreg $0xFFFFFFFF  }
0xa7: {  	s28 =	simm.s32 $_size_execute0_lowered;
	s3 =	sadd.s32 s3, s5;
	[dreg:$0x0] =	wrdreg $0x0  }
0xa8: {  	s5 =	sshll.u32 s28, $0x1;
	[dreg:$0x2] =	wrdreg s3  }
0xa9: {  	[dreg:$0x3] =	wrdreg s5  }
0xaa: {  	[dreg:$0x4] =	wrdreg $0xC0  }
0xab: {  	_ =	task [dreg:s7], $0x5FFFF  }
0xac: {  	[dreg:$0x1] =	wrdreg $0xFFFFFFFF  }
0xad: {  	[dreg:$0x0] =	wrdreg $0x60  }
0xae: {  	[dreg:$0x2] =	wrdreg s2  }
0xaf: {  	[dreg:$0x3] =	wrdreg s24  }
0xb0: {  	[dreg:$0x4] =	wrdreg $0x9  }
0xb1: {  	_ =	task.clear_ibuf [dreg:s7], $0x5FFFF;
	_ =	strace $0x90000046  }
0xb2: {  	s29 =	simm.s32 $0x9;
	_ =	strace $0x80000048  }
0xb3: {  	_ =	swait.ge [sflag:s29], $0x1  }
0xb4: {  	[sflag:s29] =	ssyncadd.s32 $0xFFFFFFFF  }
0xb5: {  	_ =	strace $0x90000048  }
0xb6: {  	_ =	sfence  }
0xb7: {  	s30 =	sld [smem:$0x0];
	_ =	sdelay $0x2  }
0xb8: {  	s31 =	sshll.u32 s1, $0xD;
	s1 =	sshrl.u32 s1, $0x2  }
0xb9: {  	s3 =	sand.u32 $0x4000, s31;
	s1 =	sadd.s32 s1, s30  }
0xba: {  	s0 =	sor.u32 s3, s0;
	s1 =	sshll.u32 s1, $0x11  }
0xbb: {  	s0 =	sor.u32 s1, s0  }
0xbc: {  	s0 =	sadd.s32 $0x8F2B, s0  }
0xbd: {  	[sflag:s0] =	ssyncadd.remote.s32 $0x1  }
0xbe: {  	_ =	sfence.sel $0xFFFF  }
0xbf: {  	[dreg:$0x0] =	wrdreg $0xFFFFFFFF;
	(pc) =	sbr.abs _section_cstart, $3  }
0xc0: {  	[dreg:$0x1] =	wrdreg $0xFFFFFFFF  }
0xc1: {  	_ =	task.clear_ibuf [dreg:s7], $0x2FFFF;
	_ =	strace $0x9FFFFFFF  }
0xc2: {  	(tm) =	ssettm $0x7FFFFFFF  }
0xc3: {  	_ =	shalt  }
tec
execute0_lowered:
.L_overlay_start_1:
0x0: {  	(tag) =	ssettag $0x1  }
0x1: {  	s4 =	rddreg [dreg:$0x0]  }
0x2: {  	s0 =	srdreg.scid;
	s10 =	rddreg [dreg:$0x1]  }
0x3: {  	s2 =	simm.s32 $0x0;
	s14 =	simm.s32 $0x2;
	s3 =	sand.u32 $0x1, s0  }
0x4: {  	s15 =	simm.s32 $0x10000;
	s0 =	stileid.u32;
	s1 =	sshll.u32 s3, $0x4  }
0x5: {  	s16 =	simm.s32 $0x3;
	s17 =	simm.s32 $0x0;
	s9 =	sor.u32 s0, s1  }
0x6: {  	[smem:$0x7FF] =	sst s2;
	s3 =	ssub.s32 $0x2, s3;
	s5 =	smul.u32 $0x38000, s9  }
0x7: {  	s1 =	rddreg [dreg:$0x2];
	s6 =	sshrl.u32 s3, $0x1;
	_ =	strace $0x80000047  }
0x8: {  	s12 =	ssub.s32 s3, s6;
	s13 =	sshll.u32 s9, $0x3;
	s5 =	sshrl.u32 s5, $0x3  }
0x9: {  	s10 =	sadd.s32 s10, s13;
	s13 =	simm.s32 $0x1;
	s11 =	sadd.s32 s4, s5  }
0xa: {  	s3 =	sadd.s32 $0x120000, s11;
	s4 =	sadd.s32 $0x121000, s11;
	s5 =	sadd.s32 $0x122000, s11  }
0xb: {  	s6 =	sadd.s32 $0x123000, s11;
	s7 =	sadd.s32 $0x124000, s11;
	s8 =	sadd.s32 $0x125000, s11  }
0xc: {  	s9 =	sadd.s32 $0x126000, s11;
	s11 =	smax.u32 s12, $0x1;
	s12 =	simm.s32 $0x8000  }
.LBB2_1:
0xd: {  	[tilespmem:s2], [sflag:$0x1] =	stream.linear.gather [hbm4b:s3+s2], $0x8000, $0x38;
	[tilespmem:$0x10080] =	vst v63  }
0xe: {  	_ = 	snop  }
0xf: {  	[tilespmem:s12], [sflag:$0x2] =	stream.linear.gather [hbm4b:s4+s2], $0x8000, $0x38;
	[tilespmem:$0x10080] =	vst v63  }
0x10: {  	_ =	swait.ge [sflag:s13], $0x8000  }
0x11: {  	[sflag:s13] =	ssyncset.done $0x0  }
0x12: {  	s18 =	simm.s32 $0x0;
	[sflag:s13] =	ssyncadd.s32 $0xFFFF8000  }
0x13: {  	v0 =	vld [tilespmem:s18+$0x0];
	_ =	sdelay $0x1  }
0x14: {  	v9 =	vld [tilespmem:s18+$0x10]  }
0x15: {  	v2 =	vld [tilespmem:s18+$0x20];
	_ =	sdelay $0x1  }
0x16: {  	v1 =	vld [tilespmem:s18+$0x30];
	v3 =	vmul.f32 v0, v0  }
0x17: {  	v4 =	vimm.f32 $0.0e+00  }
0x18: {  	v5 =	vadd.f32 v0, v4;
	v6 =	vmul.f32 v9, v9;
	v4 =	vadd.f32 v3, v4  }
0x19: {  	v7 =	vimm.f32 $+Inf;
	v8 =	vmul.f32 v2, v2;
	v3 =	vld [tilespmem:s18+$0x40]  }
0x1a: {  	v7 =	vmin.f32 v7, v0;
	v5 =	vadd.f32 v9, v5;
	v6 =	vadd.f32 v6, v4  }
0x1b: {  	v11 =	vimm.f32 $-Inf;
	v10 =	vmul.f32 v1, v1;
	v7 =	vmin.f32 v7, v9;
	v4 =	vld [tilespmem:s18+$0x50]  }
0x1c: {  	v7 =	vmin.f32 v7, v2;
	v5 =	vadd.f32 v2, v5;
	v8 =	vadd.f32 v8, v6;
	v6 =	vld [tilespmem:s18+$0x60]  }
0x1d: {  	v11 =	vmax.f32 v11, v0;
	v7 =	vmin.f32 v7, v1  }
0x1e: {  	v13 =	vadd.f32 v1, v5;
	v5 =	vld [tilespmem:s18+$0x70];
	v12 =	vmul.f32 v3, v3;
	v10 =	vadd.f32 v10, v8  }
0x1f: {  	v11 =	vmax.f32 v11, v9;
	s18 =	simm.s32 $0x80;
	v7 =	vmin.f32 v7, v3  }
0x20: {  	s19 =	simm.s32 $0x400;
	v0 =	vld [tilespmem:s18+$0x0];
	v9 =	vadd.f32 v3, v13;
	v8 =	vmul.f32 v4, v4;
	v10 =	vadd.f32 v12, v10  }
.LBB2_2:
0x21: {  	p0 =	sne.s32 s19, $0x1FE00;
	v2 =	vmax.f32 v11, v2;
	v7 =	vmin.f32 v7, v4;
	v11 =	vmul.f32 v6, v6  }
0x22: {  	v1 =	vmax.f32 v2, v1;
	v2 =	vadd.f32 v4, v9;
	v8 =	vadd.f32 v8, v10  }
0x23: {  	v9 =	vld [tilespmem:s18+$0x10];
	v1 =	vmax.f32 v1, v3;
	v3 =	vmin.f32 v7, v6;
	v7 =	vmul.f32 v5, v5  }
0x24: {  	v1 =	vmax.f32 v1, v4;
	v4 =	vadd.f32 v6, v2;
	v8 =	vadd.f32 v11, v8  }
0x25: {  	v11 =	vmin.f32 v3, v5;
	v10 =	vmul.f32 v0, v0;
	v2 =	vld [tilespmem:s18+$0x20];
	v6 =	vmax.f32 v1, v6  }
0x26: {  	v1 =	vld [tilespmem:s18+$0x30];
	v12 =	vmax.f32 v6, v5;
	v3 =	vadd.f32 v5, v4;
	v4 =	vadd.f32 v7, v8;
	_ =	sdelay $0x1  }
0x27: {  	v5 =	vadd.f32 v0, v3;
	v4 =	vadd.f32 v10, v4;
	v6 =	vmul.f32 v9, v9;
	v3 =	vld [tilespmem:s18+$0x40];
	_ =	sdelay $0x1  }
0x28: {  	v5 =	vadd.f32 v9, v5;
	v6 =	vadd.f32 v6, v4;
	v7 =	vmul.f32 v2, v2;
	v4 =	vld [tilespmem:s18+$0x50]  }
0x29: {  	v8 =	vmin.f32 v11, v0;
	v10 =	vmul.f32 v1, v1  }
.Ltmp0:
0x2a: {  	v8 =	vmin.f32 v8, v9;
	v5 =	vadd.f32 v2, v5;
	v7 =	vadd.f32 v7, v6;
	v6 =	vld [tilespmem:s18+$0x60];
	(pc) =	sbr.rel @p0 .LBB2_2-.Ltmp0, $4  }
0x2b: {  	v8 =	vmin.f32 v8, v2;
	v13 =	vmul.f32 v3, v3  }
0x2c: {  	v8 =	vmin.f32 v8, v1;
	v14 =	vadd.f32 v1, v5;
	v10 =	vadd.f32 v10, v7;
	v5 =	vld [tilespmem:s18+$0x70]  }
0x2d: {  	v11 =	vmax.f32 v12, v0;
	s18 =	sshra.s32 s19, $0x2;
	v7 =	vmin.f32 v8, v3;
	v8 =	vmul.f32 v4, v4  }
0x2e: {  	v11 =	vmax.f32 v11, v9;
	s19 =	sadd.s32 $0x200, s19;
	v0 =	vld [tilespmem:s18+$0x0];
	v9 =	vadd.f32 v3, v14;
	v10 =	vadd.f32 v13, v10  }
0x2f: {  	_ = 	snop  }
0x30: {  	v12 =	vmul.f32 v6, v6;
	v9 =	vadd.f32 v4, v9;
	v8 =	vadd.f32 v8, v10  }
0x31: {  	v2 =	vmax.f32 v11, v2;
	v10 =	vld [tilespmem:s18+$0x10]  }
0x32: {  	v11 =	vmul.f32 v5, v5;
	v9 =	vadd.f32 v6, v9;
	v8 =	vadd.f32 v12, v8  }
0x33: {  	v7 =	vmin.f32 v7, v4;
	v1 =	vmax.f32 v2, v1;
	v2 =	vld [tilespmem:s18+$0x20]  }
0x34: {  	v60 =	vmul.f32 v0, v0;
	v9 =	vadd.f32 v5, v9;
	v8 =	vadd.f32 v11, v8  }
0x35: {  	v1 =	vmax.f32 v1, v3;
	v3 =	vmin.f32 v7, v6;
	v7 =	vld [tilespmem:s18+$0x30]  }
0x36: {  	v11 =	vmul.f32 v10, v10;
	v9 =	vadd.f32 v0, v9;
	v8 =	vadd.f32 v60, v8  }
0x37: {  	v1 =	vmax.f32 v1, v4;
	v3 =	vmin.f32 v3, v5;
	v4 =	vld [tilespmem:s18+$0x40]  }
0x38: {  	v61 =	vld [tilespmem:s18+$0x50];
	v9 =	vadd.f32 v10, v9;
	v8 =	vadd.f32 v11, v8;
	v11 =	vmul.f32 v2, v2  }
0x39: {  	v1 =	vmax.f32 v1, v6;
	v3 =	vmin.f32 v3, v0  }
0x3a: {  	s30 =	simm.s32 $0x0;
	v6 =	vld [tilespmem:s18+$0x60];
	v13 =	vmul.f32 v7, v7;
	v9 =	vadd.f32 v2, v9;
	v8 =	vadd.f32 v11, v8  }
0x3b: {  	v1 =	vmax.f32 v1, v5;
	v3 =	vmin.f32 v3, v10;
	v11 =	vld [tilespmem:s18+$0x70];
	[tilespmem:s30], [sflag:$0x1] =	stream.linear.gather [hbm4b:s5+s30], $0x8000, $0x38  }
0x3c: {  	v5 =	vmul.f32 v4, v4;
	_ =	swait.ge [sflag:s14], $0x8000;
	v9 =	vadd.f32 v7, v9;
	v8 =	vadd.f32 v13, v8  }
0x3d: {  	v3 =	vmin.f32 v3, v2;
	v0 =	vmax.f32 v1, v0;
	v1 =	vmul.f32 v61, v61;
	[sflag:s14] =	ssyncset.done $0x0  }
0x3e: {  	s31 =	simm.s32 $0x0;
	v3 =	vmin.f32 v3, v7;
	[sflag:s14] =	ssyncadd.s32 $0xFFFF8000;
	v9 =	vadd.f32 v4, v9;
	v5 =	vadd.f32 v5, v8  }
0x3f: {  	v0 =	vmax.f32 v0, v10;
	v10 =	vmul.f32 v6, v6;
	v3 =	vmin.f32 v3, v4;
	v8 =	vld [tilespmem:s31+$0x8000]  }
0x40: {  	v0 =	vmax.f32 v0, v2;
	v9 =	vadd.f32 v61, v9;
	v1 =	vadd.f32 v1, v5  }
0x41: {  	v3 =	vmin.f32 v3, v61;
	v0 =	vmax.f32 v0, v7;
	v62 =	vld [tilespmem:s31+$0x8010]  }
0x42: {  	v5 =	vmul.f32 v11, v11;
	v9 =	vadd.f32 v6, v9;
	v1 =	vadd.f32 v10, v1  }
0x43: {  	v0 =	vmax.f32 v0, v4;
	v2 =	vld [tilespmem:s31+$0x8020];
	v4 =	vmin.f32 v3, v6  }
0x44: {  	v7 =	vadd.f32 v11, v9;
	v5 =	vadd.f32 v5, v1;
	v9 =	vmul.f32 v8, v8;
	v1 =	vld [tilespmem:s31+$0x8030]  }
0x45: {  	v0 =	vmax.f32 v0, v61;
	v10 =	vmin.f32 v4, v11  }
0x46: {  	v3 =	vld [tilespmem:s31+$0x8040];
	v7 =	vadd.f32 v8, v7;
	v5 =	vadd.f32 v9, v5;
	v9 =	vmul.f32 v62, v62  }
0x47: {  	v0 =	vmax.f32 v0, v6;
	v6 =	vmin.f32 v10, v8  }
0x48: {  	v4 =	vld [tilespmem:s31+$0x8050];
	v7 =	vadd.f32 v62, v7;
	v5 =	vadd.f32 v9, v5;
	v9 =	vmul.f32 v2, v2  }
0x49: {  	v6 =	vmin.f32 v6, v62;
	v10 =	vmul.f32 v1, v1  }
0x4a: {  	v7 =	vadd.f32 v2, v7;
	v5 =	vadd.f32 v9, v5;
	v9 =	vmin.f32 v6, v2;
	v6 =	vld [tilespmem:s31+$0x8060]  }
0x4b: {  	v0 =	vmax.f32 v0, v11;
	v63 =	vmul.f32 v3, v3  }
0x4c: {  	v11 =	vmax.f32 v0, v8;
	v14 =	vadd.f32 v1, v7;
	v10 =	vadd.f32 v10, v5;
	v5 =	vld [tilespmem:s31+$0x8070]  }
0x4d: {  	s18 =	simm.s32 $0x80;
	v11 =	vmax.f32 v11, v62;
	v8 =	vmul.f32 v4, v4;
	v9 =	vmin.f32 v9, v1  }
0x4e: {  	s19 =	simm.s32 $0x400;
	v0 =	vld [tilespmem:s18+$0x8000];
	v7 =	vmin.f32 v9, v3;
	v9 =	vadd.f32 v3, v14;
	v10 =	vadd.f32 v63, v10  }
.LBB2_4:
0x4f: {  	p0 =	sne.s32 s19, $0x1FE00;
	v2 =	vmax.f32 v11, v2;
	v7 =	vmin.f32 v7, v4;
	v11 =	vmul.f32 v6, v6  }
0x50: {  	v1 =	vmax.f32 v2, v1;
	v2 =	vadd.f32 v4, v9;
	v8 =	vadd.f32 v8, v10  }
0x51: {  	v9 =	vld [tilespmem:s18+$0x8010];
	v1 =	vmax.f32 v1, v3;
	v3 =	vmin.f32 v7, v6;
	v7 =	vmul.f32 v5, v5  }
0x52: {  	v1 =	vmax.f32 v1, v4;
	v4 =	vadd.f32 v6, v2;
	v8 =	vadd.f32 v11, v8  }
0x53: {  	v11 =	vmin.f32 v3, v5;
	v10 =	vmul.f32 v0, v0;
	v2 =	vld [tilespmem:s18+$0x8020];
	v6 =	vmax.f32 v1, v6  }
0x54: {  	v1 =	vld [tilespmem:s18+$0x8030];
	v12 =	vmax.f32 v6, v5;
	v3 =	vadd.f32 v5, v4;
	v4 =	vadd.f32 v7, v8;
	_ =	sdelay $0x1  }
0x55: {  	v5 =	vadd.f32 v0, v3;
	v4 =	vadd.f32 v10, v4;
	v6 =	vmul.f32 v9, v9;
	v3 =	vld [tilespmem:s18+$0x8040];
	_ =	sdelay $0x1  }
0x56: {  	v5 =	vadd.f32 v9, v5;
	v6 =	vadd.f32 v6, v4;
	v7 =	vmul.f32 v2, v2;
	v4 =	vld [tilespmem:s18+$0x8050]  }
0x57: {  	v8 =	vmin.f32 v11, v0;
	v10 =	vmul.f32 v1, v1  }
.Ltmp1:
0x58: {  	v8 =	vmin.f32 v8, v9;
	v5 =	vadd.f32 v2, v5;
	v7 =	vadd.f32 v7, v6;
	v6 =	vld [tilespmem:s18+$0x8060];
	(pc) =	sbr.rel @p0 .LBB2_4-.Ltmp1, $4  }
0x59: {  	v8 =	vmin.f32 v8, v2;
	v13 =	vmul.f32 v3, v3  }
0x5a: {  	v8 =	vmin.f32 v8, v1;
	v14 =	vadd.f32 v1, v5;
	v10 =	vadd.f32 v10, v7;
	v5 =	vld [tilespmem:s18+$0x8070]  }
0x5b: {  	v11 =	vmax.f32 v12, v0;
	s18 =	sshra.s32 s19, $0x2;
	v7 =	vmin.f32 v8, v3;
	v8 =	vmul.f32 v4, v4  }
0x5c: {  	v11 =	vmax.f32 v11, v9;
	s19 =	sadd.s32 $0x200, s19;
	v0 =	vld [tilespmem:s18+$0x8000];
	v9 =	vadd.f32 v3, v14;
	v10 =	vadd.f32 v13, v10  }
0x5d: {  	_ = 	snop  }
0x5e: {  	v12 =	vmul.f32 v6, v6;
	v9 =	vadd.f32 v4, v9;
	v8 =	vadd.f32 v8, v10  }
0x5f: {  	v2 =	vmax.f32 v11, v2;
	v10 =	vld [tilespmem:s18+$0x8010]  }
0x60: {  	v11 =	vmul.f32 v5, v5;
	v9 =	vadd.f32 v6, v9;
	v8 =	vadd.f32 v12, v8  }
0x61: {  	v7 =	vmin.f32 v7, v4;
	v1 =	vmax.f32 v2, v1;
	v2 =	vld [tilespmem:s18+$0x8020]  }
0x62: {  	v60 =	vmul.f32 v0, v0;
	v9 =	vadd.f32 v5, v9;
	v8 =	vadd.f32 v11, v8  }
0x63: {  	v1 =	vmax.f32 v1, v3;
	v3 =	vmin.f32 v7, v6;
	v7 =	vld [tilespmem:s18+$0x8030]  }
0x64: {  	v11 =	vmul.f32 v10, v10;
	v9 =	vadd.f32 v0, v9;
	v8 =	vadd.f32 v60, v8  }
0x65: {  	v1 =	vmax.f32 v1, v4;
	v3 =	vmin.f32 v3, v5;
	v4 =	vld [tilespmem:s18+$0x8040]  }
0x66: {  	v61 =	vld [tilespmem:s18+$0x8050];
	v9 =	vadd.f32 v10, v9;
	v8 =	vadd.f32 v11, v8;
	v11 =	vmul.f32 v2, v2  }
0x67: {  	v1 =	vmax.f32 v1, v6;
	v3 =	vmin.f32 v3, v0  }
0x68: {  	s30 =	simm.s32 $0x0;
	v6 =	vld [tilespmem:s18+$0x8060];
	v13 =	vmul.f32 v7, v7;
	v9 =	vadd.f32 v2, v9;
	v8 =	vadd.f32 v11, v8  }
0x69: {  	v1 =	vmax.f32 v1, v5;
	v3 =	vmin.f32 v3, v10;
	v11 =	vld [tilespmem:s18+$0x8070];
	[tilespmem:s12], [sflag:$0x2] =	stream.linear.gather [hbm4b:s6+s30], $0x8000, $0x38  }
0x6a: {  	v5 =	vmul.f32 v4, v4;
	_ =	swait.ge [sflag:s13], $0x8000;
	v9 =	vadd.f32 v7, v9;
	v8 =	vadd.f32 v13, v8  }
0x6b: {  	v3 =	vmin.f32 v3, v2;
	v0 =	vmax.f32 v1, v0;
	v1 =	vmul.f32 v61, v61;
	[sflag:s13] =	ssyncset.done $0x0  }
0x6c: {  	s31 =	simm.s32 $0x0;
	v3 =	vmin.f32 v3, v7;
	[sflag:s13] =	ssyncadd.s32 $0xFFFF8000;
	v9 =	vadd.f32 v4, v9;
	v5 =	vadd.f32 v5, v8  }
0x6d: {  	v0 =	vmax.f32 v0, v10;
	v10 =	vmul.f32 v6, v6;
	v3 =	vmin.f32 v3, v4;
	v8 =	vld [tilespmem:s31+$0x0]  }
0x6e: {  	v0 =	vmax.f32 v0, v2;
	v9 =	vadd.f32 v61, v9;
	v1 =	vadd.f32 v1, v5  }
0x6f: {  	v3 =	vmin.f32 v3, v61;
	v0 =	vmax.f32 v0, v7;
	v62 =	vld [tilespmem:s31+$0x10]  }
0x70: {  	v5 =	vmul.f32 v11, v11;
	v9 =	vadd.f32 v6, v9;
	v1 =	vadd.f32 v10, v1  }
0x71: {  	v0 =	vmax.f32 v0, v4;
	v2 =	vld [tilespmem:s31+$0x20];
	v4 =	vmin.f32 v3, v6  }
0x72: {  	v7 =	vadd.f32 v11, v9;
	v5 =	vadd.f32 v5, v1;
	v9 =	vmul.f32 v8, v8;
	v1 =	vld [tilespmem:s31+$0x30]  }
0x73: {  	v0 =	vmax.f32 v0, v61;
	v10 =	vmin.f32 v4, v11  }
0x74: {  	v3 =	vld [tilespmem:s31+$0x40];
	v7 =	vadd.f32 v8, v7;
	v5 =	vadd.f32 v9, v5;
	v9 =	vmul.f32 v62, v62  }
0x75: {  	v0 =	vmax.f32 v0, v6;
	v6 =	vmin.f32 v10, v8  }
0x76: {  	v4 =	vld [tilespmem:s31+$0x50];
	v7 =	vadd.f32 v62, v7;
	v5 =	vadd.f32 v9, v5;
	v9 =	vmul.f32 v2, v2  }
0x77: {  	v6 =	vmin.f32 v6, v62;
	v10 =	vmul.f32 v1, v1  }
0x78: {  	v7 =	vadd.f32 v2, v7;
	v5 =	vadd.f32 v9, v5;
	v9 =	vmin.f32 v6, v2;
	v6 =	vld [tilespmem:s31+$0x60]  }
0x79: {  	v0 =	vmax.f32 v0, v11;
	v63 =	vmul.f32 v3, v3  }
0x7a: {  	v11 =	vmax.f32 v0, v8;
	v14 =	vadd.f32 v1, v7;
	v10 =	vadd.f32 v10, v5;
	v5 =	vld [tilespmem:s31+$0x70]  }
0x7b: {  	s18 =	simm.s32 $0x80;
	v11 =	vmax.f32 v11, v62;
	v8 =	vmul.f32 v4, v4;
	v9 =	vmin.f32 v9, v1  }
0x7c: {  	s19 =	simm.s32 $0x400;
	v0 =	vld [tilespmem:s18+$0x0];
	v7 =	vmin.f32 v9, v3;
	v9 =	vadd.f32 v3, v14;
	v10 =	vadd.f32 v63, v10  }
.LBB2_6:
0x7d: {  	p0 =	sne.s32 s19, $0x1FE00;
	v2 =	vmax.f32 v11, v2;
	v7 =	vmin.f32 v7, v4;
	v11 =	vmul.f32 v6, v6  }
0x7e: {  	v1 =	vmax.f32 v2, v1;
	v2 =	vadd.f32 v4, v9;
	v8 =	vadd.f32 v8, v10  }
0x7f: {  	v9 =	vld [tilespmem:s18+$0x10];
	v1 =	vmax.f32 v1, v3;
	v3 =	vmin.f32 v7, v6;
	v7 =	vmul.f32 v5, v5  }
0x80: {  	v1 =	vmax.f32 v1, v4;
	v4 =	vadd.f32 v6, v2;
	v8 =	vadd.f32 v11, v8  }
0x81: {  	v11 =	vmin.f32 v3, v5;
	v10 =	vmul.f32 v0, v0;
	v2 =	vld [tilespmem:s18+$0x20];
	v6 =	vmax.f32 v1, v6  }
0x82: {  	v1 =	vld [tilespmem:s18+$0x30];
	v12 =	vmax.f32 v6, v5;
	v3 =	vadd.f32 v5, v4;
	v4 =	vadd.f32 v7, v8;
	_ =	sdelay $0x1  }
0x83: {  	v5 =	vadd.f32 v0, v3;
	v4 =	vadd.f32 v10, v4;
	v6 =	vmul.f32 v9, v9;
	v3 =	vld [tilespmem:s18+$0x40];
	_ =	sdelay $0x1  }
0x84: {  	v5 =	vadd.f32 v9, v5;
	v6 =	vadd.f32 v6, v4;
	v7 =	vmul.f32 v2, v2;
	v4 =	vld [tilespmem:s18+$0x50]  }
0x85: {  	v8 =	vmin.f32 v11, v0;
	v10 =	vmul.f32 v1, v1  }
.Ltmp2:
0x86: {  	v8 =	vmin.f32 v8, v9;
	v5 =	vadd.f32 v2, v5;
	v7 =	vadd.f32 v7, v6;
	v6 =	vld [tilespmem:s18+$0x60];
	(pc) =	sbr.rel @p0 .LBB2_6-.Ltmp2, $4  }
0x87: {  	v8 =	vmin.f32 v8, v2;
	v13 =	vmul.f32 v3, v3  }
0x88: {  	v8 =	vmin.f32 v8, v1;
	v14 =	vadd.f32 v1, v5;
	v10 =	vadd.f32 v10, v7;
	v5 =	vld [tilespmem:s18+$0x70]  }
0x89: {  	v11 =	vmax.f32 v12, v0;
	s18 =	sshra.s32 s19, $0x2;
	v7 =	vmin.f32 v8, v3;
	v8 =	vmul.f32 v4, v4  }
0x8a: {  	v11 =	vmax.f32 v11, v9;
	s19 =	sadd.s32 $0x200, s19;
	v0 =	vld [tilespmem:s18+$0x0];
	v9 =	vadd.f32 v3, v14;
	v10 =	vadd.f32 v13, v10  }
0x8b: {  	_ = 	snop  }
0x8c: {  	v12 =	vmul.f32 v6, v6;
	v9 =	vadd.f32 v4, v9;
	v8 =	vadd.f32 v8, v10  }
0x8d: {  	v2 =	vmax.f32 v11, v2;
	v10 =	vld [tilespmem:s18+$0x10]  }
0x8e: {  	v11 =	vmul.f32 v5, v5;
	v9 =	vadd.f32 v6, v9;
	v8 =	vadd.f32 v12, v8  }
0x8f: {  	v7 =	vmin.f32 v7, v4;
	v1 =	vmax.f32 v2, v1;
	v2 =	vld [tilespmem:s18+$0x20]  }
0x90: {  	v60 =	vmul.f32 v0, v0;
	v9 =	vadd.f32 v5, v9;
	v8 =	vadd.f32 v11, v8  }
0x91: {  	v1 =	vmax.f32 v1, v3;
	v3 =	vmin.f32 v7, v6;
	v7 =	vld [tilespmem:s18+$0x30]  }
0x92: {  	v11 =	vmul.f32 v10, v10;
	v9 =	vadd.f32 v0, v9;
	v8 =	vadd.f32 v60, v8  }
0x93: {  	v1 =	vmax.f32 v1, v4;
	v3 =	vmin.f32 v3, v5;
	v4 =	vld [tilespmem:s18+$0x40]  }
0x94: {  	v61 =	vld [tilespmem:s18+$0x50];
	v9 =	vadd.f32 v10, v9;
	v8 =	vadd.f32 v11, v8;
	v11 =	vmul.f32 v2, v2  }
0x95: {  	v1 =	vmax.f32 v1, v6;
	v3 =	vmin.f32 v3, v0  }
0x96: {  	s30 =	simm.s32 $0x0;
	v6 =	vld [tilespmem:s18+$0x60];
	v13 =	vmul.f32 v7, v7;
	v9 =	vadd.f32 v2, v9;
	v8 =	vadd.f32 v11, v8  }
0x97: {  	v1 =	vmax.f32 v1, v5;
	v3 =	vmin.f32 v3, v10;
	v11 =	vld [tilespmem:s18+$0x70];
	[tilespmem:s30], [sflag:$0x1] =	stream.linear.gather [hbm4b:s7+s30], $0x8000, $0x38  }
0x98: {  	v5 =	vmul.f32 v4, v4;
	_ =	swait.ge [sflag:s14], $0x8000;
	v9 =	vadd.f32 v7, v9;
	v8 =	vadd.f32 v13, v8  }
0x99: {  	v3 =	vmin.f32 v3, v2;
	v0 =	vmax.f32 v1, v0;
	v1 =	vmul.f32 v61, v61;
	[sflag:s14] =	ssyncset.done $0x0  }
0x9a: {  	s31 =	simm.s32 $0x0;
	v3 =	vmin.f32 v3, v7;
	[sflag:s14] =	ssyncadd.s32 $0xFFFF8000;
	v9 =	vadd.f32 v4, v9;
	v5 =	vadd.f32 v5, v8  }
0x9b: {  	v0 =	vmax.f32 v0, v10;
	v10 =	vmul.f32 v6, v6;
	v3 =	vmin.f32 v3, v4;
	v8 =	vld [tilespmem:s31+$0x8000]  }
0x9c: {  	v0 =	vmax.f32 v0, v2;
	v9 =	vadd.f32 v61, v9;
	v1 =	vadd.f32 v1, v5  }
0x9d: {  	v3 =	vmin.f32 v3, v61;
	v0 =	vmax.f32 v0, v7;
	v62 =	vld [tilespmem:s31+$0x8010]  }
0x9e: {  	v5 =	vmul.f32 v11, v11;
	v9 =	vadd.f32 v6, v9;
	v1 =	vadd.f32 v10, v1  }
0x9f: {  	v0 =	vmax.f32 v0, v4;
	v2 =	vld [tilespmem:s31+$0x8020];
	v4 =	vmin.f32 v3, v6  }
0xa0: {  	v7 =	vadd.f32 v11, v9;
	v5 =	vadd.f32 v5, v1;
	v9 =	vmul.f32 v8, v8;
	v1 =	vld [tilespmem:s31+$0x8030]  }
0xa1: {  	v0 =	vmax.f32 v0, v61;
	v10 =	vmin.f32 v4, v11  }
0xa2: {  	v3 =	vld [tilespmem:s31+$0x8040];
	v7 =	vadd.f32 v8, v7;
	v5 =	vadd.f32 v9, v5;
	v9 =	vmul.f32 v62, v62  }
0xa3: {  	v0 =	vmax.f32 v0, v6;
	v6 =	vmin.f32 v10, v8  }
0xa4: {  	v4 =	vld [tilespmem:s31+$0x8050];
	v7 =	vadd.f32 v62, v7;
	v5 =	vadd.f32 v9, v5;
	v9 =	vmul.f32 v2, v2  }
0xa5: {  	v6 =	vmin.f32 v6, v62;
	v10 =	vmul.f32 v1, v1  }
0xa6: {  	v7 =	vadd.f32 v2, v7;
	v5 =	vadd.f32 v9, v5;
	v9 =	vmin.f32 v6, v2;
	v6 =	vld [tilespmem:s31+$0x8060]  }
0xa7: {  	v0 =	vmax.f32 v0, v11;
	v63 =	vmul.f32 v3, v3  }
0xa8: {  	v11 =	vmax.f32 v0, v8;
	v14 =	vadd.f32 v1, v7;
	v10 =	vadd.f32 v10, v5;
	v5 =	vld [tilespmem:s31+$0x8070]  }
0xa9: {  	s18 =	simm.s32 $0x80;
	v11 =	vmax.f32 v11, v62;
	v8 =	vmul.f32 v4, v4;
	v9 =	vmin.f32 v9, v1  }
0xaa: {  	s19 =	simm.s32 $0x400;
	v0 =	vld [tilespmem:s18+$0x8000];
	v7 =	vmin.f32 v9, v3;
	v9 =	vadd.f32 v3, v14;
	v10 =	vadd.f32 v63, v10  }
.LBB2_8:
0xab: {  	p0 =	sne.s32 s19, $0x1FE00;
	v2 =	vmax.f32 v11, v2;
	v7 =	vmin.f32 v7, v4;
	v11 =	vmul.f32 v6, v6  }
0xac: {  	v1 =	vmax.f32 v2, v1;
	v2 =	vadd.f32 v4, v9;
	v8 =	vadd.f32 v8, v10  }
0xad: {  	v9 =	vld [tilespmem:s18+$0x8010];
	v1 =	vmax.f32 v1, v3;
	v3 =	vmin.f32 v7, v6;
	v7 =	vmul.f32 v5, v5  }
0xae: {  	v1 =	vmax.f32 v1, v4;
	v4 =	vadd.f32 v6, v2;
	v8 =	vadd.f32 v11, v8  }
0xaf: {  	v11 =	vmin.f32 v3, v5;
	v10 =	vmul.f32 v0, v0;
	v2 =	vld [tilespmem:s18+$0x8020];
	v6 =	vmax.f32 v1, v6  }
0xb0: {  	v1 =	vld [tilespmem:s18+$0x8030];
	v12 =	vmax.f32 v6, v5;
	v3 =	vadd.f32 v5, v4;
	v4 =	vadd.f32 v7, v8;
	_ =	sdelay $0x1  }
0xb1: {  	v5 =	vadd.f32 v0, v3;
	v4 =	vadd.f32 v10, v4;
	v6 =	vmul.f32 v9, v9;
	v3 =	vld [tilespmem:s18+$0x8040];
	_ =	sdelay $0x1  }
0xb2: {  	v5 =	vadd.f32 v9, v5;
	v6 =	vadd.f32 v6, v4;
	v7 =	vmul.f32 v2, v2;
	v4 =	vld [tilespmem:s18+$0x8050]  }
0xb3: {  	v8 =	vmin.f32 v11, v0;
	v10 =	vmul.f32 v1, v1  }
.Ltmp3:
0xb4: {  	v8 =	vmin.f32 v8, v9;
	v5 =	vadd.f32 v2, v5;
	v7 =	vadd.f32 v7, v6;
	v6 =	vld [tilespmem:s18+$0x8060];
	(pc) =	sbr.rel @p0 .LBB2_8-.Ltmp3, $4  }
0xb5: {  	v8 =	vmin.f32 v8, v2;
	v13 =	vmul.f32 v3, v3  }
0xb6: {  	v8 =	vmin.f32 v8, v1;
	v14 =	vadd.f32 v1, v5;
	v10 =	vadd.f32 v10, v7;
	v5 =	vld [tilespmem:s18+$0x8070]  }
0xb7: {  	v11 =	vmax.f32 v12, v0;
	s18 =	sshra.s32 s19, $0x2;
	v7 =	vmin.f32 v8, v3;
	v8 =	vmul.f32 v4, v4  }
0xb8: {  	v11 =	vmax.f32 v11, v9;
	s19 =	sadd.s32 $0x200, s19;
	v0 =	vld [tilespmem:s18+$0x8000];
	v9 =	vadd.f32 v3, v14;
	v10 =	vadd.f32 v13, v10  }
0xb9: {  	_ = 	snop  }
0xba: {  	v12 =	vmul.f32 v6, v6;
	v9 =	vadd.f32 v4, v9;
	v8 =	vadd.f32 v8, v10  }
0xbb: {  	v2 =	vmax.f32 v11, v2;
	v10 =	vld [tilespmem:s18+$0x8010]  }
0xbc: {  	v11 =	vmul.f32 v5, v5;
	v9 =	vadd.f32 v6, v9;
	v8 =	vadd.f32 v12, v8  }
0xbd: {  	v7 =	vmin.f32 v7, v4;
	v1 =	vmax.f32 v2, v1;
	v2 =	vld [tilespmem:s18+$0x8020]  }
0xbe: {  	v60 =	vmul.f32 v0, v0;
	v9 =	vadd.f32 v5, v9;
	v8 =	vadd.f32 v11, v8  }
0xbf: {  	v1 =	vmax.f32 v1, v3;
	v3 =	vmin.f32 v7, v6;
	v7 =	vld [tilespmem:s18+$0x8030]  }
0xc0: {  	v11 =	vmul.f32 v10, v10;
	v9 =	vadd.f32 v0, v9;
	v8 =	vadd.f32 v60, v8  }
0xc1: {  	v1 =	vmax.f32 v1, v4;
	v3 =	vmin.f32 v3, v5;
	v4 =	vld [tilespmem:s18+$0x8040]  }
0xc2: {  	v61 =	vld [tilespmem:s18+$0x8050];
	v9 =	vadd.f32 v10, v9;
	v8 =	vadd.f32 v11, v8;
	v11 =	vmul.f32 v2, v2  }
0xc3: {  	v1 =	vmax.f32 v1, v6;
	v3 =	vmin.f32 v3, v0  }
0xc4: {  	s30 =	simm.s32 $0x0;
	v6 =	vld [tilespmem:s18+$0x8060];
	v13 =	vmul.f32 v7, v7;
	v9 =	vadd.f32 v2, v9;
	v8 =	vadd.f32 v11, v8  }
0xc5: {  	v1 =	vmax.f32 v1, v5;
	v3 =	vmin.f32 v3, v10;
	v11 =	vld [tilespmem:s18+$0x8070];
	[tilespmem:s12], [sflag:$0x2] =	stream.linear.gather [hbm4b:s8+s30], $0x8000, $0x38  }
0xc6: {  	v5 =	vmul.f32 v4, v4;
	_ =	swait.ge [sflag:s13], $0x8000;
	v9 =	vadd.f32 v7, v9;
	v8 =	vadd.f32 v13, v8  }
0xc7: {  	v3 =	vmin.f32 v3, v2;
	v0 =	vmax.f32 v1, v0;
	v1 =	vmul.f32 v61, v61;
	[sflag:s13] =	ssyncset.done $0x0  }
0xc8: {  	s31 =	simm.s32 $0x0;
	v3 =	vmin.f32 v3, v7;
	[sflag:s13] =	ssyncadd.s32 $0xFFFF8000;
	v9 =	vadd.f32 v4, v9;
	v5 =	vadd.f32 v5, v8  }
0xc9: {  	v0 =	vmax.f32 v0, v10;
	v10 =	vmul.f32 v6, v6;
	v3 =	vmin.f32 v3, v4;
	v8 =	vld [tilespmem:s31+$0x0]  }
0xca: {  	v0 =	vmax.f32 v0, v2;
	v9 =	vadd.f32 v61, v9;
	v1 =	vadd.f32 v1, v5  }
0xcb: {  	v3 =	vmin.f32 v3, v61;
	v0 =	vmax.f32 v0, v7;
	v62 =	vld [tilespmem:s31+$0x10]  }
0xcc: {  	v5 =	vmul.f32 v11, v11;
	v9 =	vadd.f32 v6, v9;
	v1 =	vadd.f32 v10, v1  }
0xcd: {  	v0 =	vmax.f32 v0, v4;
	v2 =	vld [tilespmem:s31+$0x20];
	v4 =	vmin.f32 v3, v6  }
0xce: {  	v7 =	vadd.f32 v11, v9;
	v5 =	vadd.f32 v5, v1;
	v9 =	vmul.f32 v8, v8;
	v1 =	vld [tilespmem:s31+$0x30]  }
0xcf: {  	v0 =	vmax.f32 v0, v61;
	v10 =	vmin.f32 v4, v11  }
0xd0: {  	v3 =	vld [tilespmem:s31+$0x40];
	v7 =	vadd.f32 v8, v7;
	v5 =	vadd.f32 v9, v5;
	v9 =	vmul.f32 v62, v62  }
0xd1: {  	v0 =	vmax.f32 v0, v6;
	v6 =	vmin.f32 v10, v8  }
0xd2: {  	v4 =	vld [tilespmem:s31+$0x50];
	v7 =	vadd.f32 v62, v7;
	v5 =	vadd.f32 v9, v5;
	v9 =	vmul.f32 v2, v2  }
0xd3: {  	v6 =	vmin.f32 v6, v62;
	v10 =	vmul.f32 v1, v1  }
0xd4: {  	v7 =	vadd.f32 v2, v7;
	v5 =	vadd.f32 v9, v5;
	v9 =	vmin.f32 v6, v2;
	v6 =	vld [tilespmem:s31+$0x60]  }
0xd5: {  	v0 =	vmax.f32 v0, v11;
	v63 =	vmul.f32 v3, v3  }
0xd6: {  	v11 =	vmax.f32 v0, v8;
	v14 =	vadd.f32 v1, v7;
	v10 =	vadd.f32 v10, v5;
	v5 =	vld [tilespmem:s31+$0x70]  }
0xd7: {  	s18 =	simm.s32 $0x80;
	v11 =	vmax.f32 v11, v62;
	v8 =	vmul.f32 v4, v4;
	v9 =	vmin.f32 v9, v1  }
0xd8: {  	s19 =	simm.s32 $0x400;
	v0 =	vld [tilespmem:s18+$0x0];
	v7 =	vmin.f32 v9, v3;
	v9 =	vadd.f32 v3, v14;
	v10 =	vadd.f32 v63, v10  }
.LBB2_10:
0xd9: {  	p0 =	sne.s32 s19, $0x1FE00;
	v2 =	vmax.f32 v11, v2;
	v7 =	vmin.f32 v7, v4;
	v11 =	vmul.f32 v6, v6  }
0xda: {  	v1 =	vmax.f32 v2, v1;
	v2 =	vadd.f32 v4, v9;
	v8 =	vadd.f32 v8, v10  }
0xdb: {  	v9 =	vld [tilespmem:s18+$0x10];
	v1 =	vmax.f32 v1, v3;
	v3 =	vmin.f32 v7, v6;
	v7 =	vmul.f32 v5, v5  }
0xdc: {  	v1 =	vmax.f32 v1, v4;
	v4 =	vadd.f32 v6, v2;
	v8 =	vadd.f32 v11, v8  }
0xdd: {  	v11 =	vmin.f32 v3, v5;
	v10 =	vmul.f32 v0, v0;
	v2 =	vld [tilespmem:s18+$0x20];
	v6 =	vmax.f32 v1, v6  }
0xde: {  	v1 =	vld [tilespmem:s18+$0x30];
	v12 =	vmax.f32 v6, v5;
	v3 =	vadd.f32 v5, v4;
	v4 =	vadd.f32 v7, v8;
	_ =	sdelay $0x1  }
0xdf: {  	v5 =	vadd.f32 v0, v3;
	v4 =	vadd.f32 v10, v4;
	v6 =	vmul.f32 v9, v9;
	v3 =	vld [tilespmem:s18+$0x40];
	_ =	sdelay $0x1  }
0xe0: {  	v5 =	vadd.f32 v9, v5;
	v6 =	vadd.f32 v6, v4;
	v7 =	vmul.f32 v2, v2;
	v4 =	vld [tilespmem:s18+$0x50]  }
0xe1: {  	v8 =	vmin.f32 v11, v0;
	v10 =	vmul.f32 v1, v1  }
.Ltmp4:
0xe2: {  	v8 =	vmin.f32 v8, v9;
	v5 =	vadd.f32 v2, v5;
	v7 =	vadd.f32 v7, v6;
	v6 =	vld [tilespmem:s18+$0x60];
	(pc) =	sbr.rel @p0 .LBB2_10-.Ltmp4, $4  }
0xe3: {  	v8 =	vmin.f32 v8, v2;
	v13 =	vmul.f32 v3, v3  }
0xe4: {  	v8 =	vmin.f32 v8, v1;
	v14 =	vadd.f32 v1, v5;
	v10 =	vadd.f32 v10, v7;
	v5 =	vld [tilespmem:s18+$0x70]  }
0xe5: {  	v11 =	vmax.f32 v12, v0;
	s18 =	sshra.s32 s19, $0x2;
	v7 =	vmin.f32 v8, v3;
	v8 =	vmul.f32 v4, v4  }
0xe6: {  	v11 =	vmax.f32 v11, v9;
	s19 =	sadd.s32 $0x200, s19;
	v0 =	vld [tilespmem:s18+$0x0];
	v9 =	vadd.f32 v3, v14;
	v10 =	vadd.f32 v13, v10  }
0xe7: {  	_ = 	snop  }
0xe8: {  	v12 =	vmul.f32 v6, v6;
	v9 =	vadd.f32 v4, v9;
	v8 =	vadd.f32 v8, v10  }
0xe9: {  	v2 =	vmax.f32 v11, v2;
	v10 =	vld [tilespmem:s18+$0x10]  }
0xea: {  	v11 =	vmul.f32 v5, v5;
	v9 =	vadd.f32 v6, v9;
	v8 =	vadd.f32 v12, v8  }
0xeb: {  	v7 =	vmin.f32 v7, v4;
	v1 =	vmax.f32 v2, v1;
	v2 =	vld [tilespmem:s18+$0x20]  }
0xec: {  	v60 =	vmul.f32 v0, v0;
	v9 =	vadd.f32 v5, v9;
	v8 =	vadd.f32 v11, v8  }
0xed: {  	v1 =	vmax.f32 v1, v3;
	v3 =	vmin.f32 v7, v6;
	v7 =	vld [tilespmem:s18+$0x30]  }
0xee: {  	v11 =	vmul.f32 v10, v10;
	v9 =	vadd.f32 v0, v9;
	v8 =	vadd.f32 v60, v8  }
0xef: {  	v1 =	vmax.f32 v1, v4;
	v3 =	vmin.f32 v3, v5;
	v4 =	vld [tilespmem:s18+$0x40]  }
0xf0: {  	v61 =	vld [tilespmem:s18+$0x50];
	v9 =	vadd.f32 v10, v9;
	v8 =	vadd.f32 v11, v8;
	v11 =	vmul.f32 v2, v2  }
0xf1: {  	v1 =	vmax.f32 v1, v6;
	v3 =	vmin.f32 v3, v0  }
0xf2: {  	s30 =	simm.s32 $0x0;
	v6 =	vld [tilespmem:s18+$0x60];
	v13 =	vmul.f32 v7, v7;
	v9 =	vadd.f32 v2, v9;
	v8 =	vadd.f32 v11, v8  }
0xf3: {  	v1 =	vmax.f32 v1, v5;
	v3 =	vmin.f32 v3, v10;
	v11 =	vld [tilespmem:s18+$0x70];
	[tilespmem:s30], [sflag:$0x1] =	stream.linear.gather [hbm4b:s9+s30], $0x8000, $0x38  }
0xf4: {  	v5 =	vmul.f32 v4, v4;
	_ =	swait.ge [sflag:s14], $0x8000;
	v9 =	vadd.f32 v7, v9;
	v8 =	vadd.f32 v13, v8  }
0xf5: {  	v3 =	vmin.f32 v3, v2;
	v0 =	vmax.f32 v1, v0;
	v1 =	vmul.f32 v61, v61;
	[sflag:s14] =	ssyncset.done $0x0  }
0xf6: {  	s31 =	simm.s32 $0x0;
	v3 =	vmin.f32 v3, v7;
	[sflag:s14] =	ssyncadd.s32 $0xFFFF8000;
	v9 =	vadd.f32 v4, v9;
	v5 =	vadd.f32 v5, v8  }
0xf7: {  	v0 =	vmax.f32 v0, v10;
	v10 =	vmul.f32 v6, v6;
	v3 =	vmin.f32 v3, v4;
	v8 =	vld [tilespmem:s31+$0x8000]  }
0xf8: {  	v0 =	vmax.f32 v0, v2;
	v9 =	vadd.f32 v61, v9;
	v1 =	vadd.f32 v1, v5  }
0xf9: {  	v3 =	vmin.f32 v3, v61;
	v0 =	vmax.f32 v0, v7;
	v62 =	vld [tilespmem:s31+$0x8010]  }
0xfa: {  	v5 =	vmul.f32 v11, v11;
	v9 =	vadd.f32 v6, v9;
	v1 =	vadd.f32 v10, v1  }
0xfb: {  	v0 =	vmax.f32 v0, v4;
	v2 =	vld [tilespmem:s31+$0x8020];
	v4 =	vmin.f32 v3, v6  }
0xfc: {  	v7 =	vadd.f32 v11, v9;
	v5 =	vadd.f32 v5, v1;
	v9 =	vmul.f32 v8, v8  }
0xfd: {  	v0 =	vmax.f32 v0, v61;
	v10 =	vmin.f32 v4, v11;
	v1 =	vld [tilespmem:s31+$0x8030]  }
0xfe: {  	v3 =	vld [tilespmem:s31+$0x8040];
	v7 =	vadd.f32 v8, v7;
	v5 =	vadd.f32 v9, v5;
	v9 =	vmul.f32 v62, v62  }
0xff: {  	v0 =	vmax.f32 v0, v6;
	v6 =	vmin.f32 v10, v8  }
0x100: {  	v4 =	vld [tilespmem:s31+$0x8050];
	v7 =	vadd.f32 v62, v7;
	v5 =	vadd.f32 v9, v5;
	v9 =	vmul.f32 v2, v2  }
0x101: {  	v6 =	vmin.f32 v6, v62  }
0x102: {  	v10 =	vmul.f32 v1, v1;
	v7 =	vadd.f32 v2, v7;
	v9 =	vadd.f32 v9, v5;
	v5 =	vld [tilespmem:s31+$0x8060]  }
0x103: {  	v0 =	vmax.f32 v0, v11;
	v63 =	vmul.f32 v3, v3;
	v6 =	vmin.f32 v6, v2  }
0x104: {  	v11 =	vmin.f32 v6, v1;
	v6 =	vld [tilespmem:s31+$0x8070];
	v14 =	vadd.f32 v1, v7;
	v10 =	vadd.f32 v10, v9  }
0x105: {  	s18 =	simm.s32 $0x80;
	v9 =	vmax.f32 v0, v8;
	v7 =	vmin.f32 v11, v3;
	v8 =	vmul.f32 v4, v4  }
0x106: {  	s19 =	simm.s32 $0x400;
	v0 =	vld [tilespmem:s18+$0x8000];
	v11 =	vmax.f32 v9, v62;
	v9 =	vadd.f32 v3, v14;
	v10 =	vadd.f32 v63, v10  }
.LBB2_12:
0x107: {  	p0 =	sne.s32 s19, $0x1FE00;
	v2 =	vmax.f32 v11, v2;
	v7 =	vmin.f32 v7, v4;
	v11 =	vmul.f32 v5, v5  }
0x108: {  	v1 =	vmax.f32 v2, v1;
	v2 =	vadd.f32 v4, v9;
	v8 =	vadd.f32 v8, v10  }
0x109: {  	v9 =	vld [tilespmem:s18+$0x8010];
	v1 =	vmax.f32 v1, v3;
	v3 =	vmin.f32 v7, v5;
	v7 =	vmul.f32 v6, v6  }
0x10a: {  	v1 =	vmax.f32 v1, v4;
	v4 =	vadd.f32 v5, v2;
	v8 =	vadd.f32 v11, v8  }
0x10b: {  	v11 =	vmin.f32 v3, v6;
	v10 =	vmul.f32 v0, v0;
	v2 =	vld [tilespmem:s18+$0x8020];
	v5 =	vmax.f32 v1, v5  }
0x10c: {  	v1 =	vld [tilespmem:s18+$0x8030];
	v12 =	vmax.f32 v5, v6;
	v3 =	vadd.f32 v6, v4;
	v4 =	vadd.f32 v7, v8;
	_ =	sdelay $0x1  }
0x10d: {  	v5 =	vadd.f32 v0, v3;
	v4 =	vadd.f32 v10, v4;
	v6 =	vmul.f32 v9, v9;
	v3 =	vld [tilespmem:s18+$0x8040];
	_ =	sdelay $0x1  }
0x10e: {  	v5 =	vadd.f32 v9, v5;
	v6 =	vadd.f32 v6, v4;
	v7 =	vmul.f32 v2, v2;
	v4 =	vld [tilespmem:s18+$0x8050]  }
0x10f: {  	v8 =	vmin.f32 v11, v0;
	v10 =	vmul.f32 v1, v1  }
.Ltmp5:
0x110: {  	v8 =	vmin.f32 v8, v9;
	v11 =	vadd.f32 v2, v5;
	v6 =	vadd.f32 v7, v6;
	v5 =	vld [tilespmem:s18+$0x8060];
	(pc) =	sbr.rel @p0 .LBB2_12-.Ltmp5, $4  }
0x111: {  	v7 =	vmin.f32 v8, v2;
	v13 =	vmul.f32 v3, v3  }
0x112: {  	v7 =	vmin.f32 v7, v1;
	v14 =	vadd.f32 v1, v11;
	v10 =	vadd.f32 v10, v6;
	v6 =	vld [tilespmem:s18+$0x8070]  }
0x113: {  	s18 =	sshra.s32 s19, $0x2;
	v11 =	vmax.f32 v12, v0;
	v7 =	vmin.f32 v7, v3;
	v8 =	vmul.f32 v4, v4  }
0x114: {  	s19 =	sadd.s32 $0x200, s19;
	v11 =	vmax.f32 v11, v9;
	v0 =	vld [tilespmem:s18+$0x8000];
	v9 =	vadd.f32 v3, v14;
	v10 =	vadd.f32 v13, v10  }
0x115: {  	v12 =	vmul.f32 v5, v5  }
0x116: {  	v2 =	vmax.f32 v11, v2;
	v9 =	vadd.f32 v4, v9;
	v8 =	vadd.f32 v8, v10  }
0x117: {  	v7 =	vmin.f32 v7, v4;
	v10 =	vld [tilespmem:s18+$0x8010];
	v1 =	vmax.f32 v2, v1  }
0x118: {  	v11 =	vmul.f32 v6, v6;
	v9 =	vadd.f32 v5, v9;
	v8 =	vadd.f32 v12, v8  }
0x119: {  	v2 =	vld [tilespmem:s18+$0x8020];
	v1 =	vmax.f32 v1, v3;
	v3 =	vmin.f32 v7, v5  }
0x11a: {  	v59 =	vmul.f32 v0, v0;
	v9 =	vadd.f32 v6, v9;
	v8 =	vadd.f32 v11, v8  }
0x11b: {  	v7 =	vld [tilespmem:s18+$0x8030];
	v1 =	vmax.f32 v1, v4;
	v3 =	vmin.f32 v3, v6  }
0x11c: {  	v11 =	vmul.f32 v10, v10;
	v9 =	vadd.f32 v0, v9;
	v8 =	vadd.f32 v59, v8  }
0x11d: {  	v4 =	vld [tilespmem:s18+$0x8040];
	v1 =	vmax.f32 v1, v5;
	v3 =	vmin.f32 v3, v0  }
0x11e: {  	v5 =	vld [tilespmem:s18+$0x8050];
	v9 =	vadd.f32 v10, v9;
	v8 =	vadd.f32 v11, v8;
	v11 =	vmul.f32 v2, v2  }
0x11f: {  	v1 =	vmax.f32 v1, v6;
	v3 =	vmin.f32 v3, v10  }
0x120: {  	v60 =	vmul.f32 v7, v7;
	v9 =	vadd.f32 v2, v9;
	v8 =	vadd.f32 v11, v8  }
0x121: {  	v3 =	vmin.f32 v3, v2;
	v0 =	vmax.f32 v1, v0;
	v11 =	vld [tilespmem:s18+$0x8060]  }
0x122: {  	v6 =	vld [tilespmem:s18+$0x8070];
	v13 =	vmul.f32 v4, v4;
	_ =	swait.ge [sflag:s13], $0x8000;
	v9 =	vadd.f32 v7, v9;
	v8 =	vadd.f32 v60, v8  }
0x123: {  	v3 =	vmin.f32 v3, v7;
	v0 =	vmax.f32 v0, v10;
	v1 =	vmul.f32 v5, v5;
	[sflag:s13] =	ssyncset.done $0x0  }
0x124: {  	s31 =	simm.s32 $0x0;
	v0 =	vmax.f32 v0, v2;
	[sflag:s13] =	ssyncadd.s32 $0xFFFF8000;
	v9 =	vadd.f32 v4, v9;
	v8 =	vadd.f32 v13, v8  }
0x125: {  	v3 =	vmin.f32 v3, v4;
	v0 =	vmax.f32 v0, v7;
	v10 =	vld [tilespmem:s31+$0x0]  }
0x126: {  	v61 =	vmul.f32 v11, v11;
	v9 =	vadd.f32 v5, v9;
	v1 =	vadd.f32 v1, v8  }
0x127: {  	v3 =	vmin.f32 v3, v5;
	v2 =	vmul.f32 v6, v6;
	v0 =	vmax.f32 v0, v4;
	v62 =	vld [tilespmem:s31+$0x10]  }
0x128: {  	v4 =	vmin.f32 v3, v11;
	v8 =	vadd.f32 v11, v9;
	v9 =	vadd.f32 v61, v1  }
0x129: {  	v0 =	vmax.f32 v0, v5;
	v5 =	vmin.f32 v4, v6;
	v1 =	vld [tilespmem:s31+$0x20]  }
0x12a: {  	v7 =	vadd.f32 v6, v8;
	v8 =	vadd.f32 v2, v9;
	v9 =	vmul.f32 v10, v10  }
0x12b: {  	v5 =	vmin.f32 v5, v10;
	v2 =	vld [tilespmem:s31+$0x30]  }
0x12c: {  	v3 =	vld [tilespmem:s31+$0x40];
	v7 =	vadd.f32 v10, v7;
	v8 =	vadd.f32 v9, v8;
	v9 =	vmul.f32 v62, v62  }
0x12d: {  	v0 =	vmax.f32 v0, v11;
	v5 =	vmin.f32 v5, v62  }
0x12e: {  	v4 =	vld [tilespmem:s31+$0x50];
	v7 =	vadd.f32 v62, v7;
	v8 =	vadd.f32 v9, v8;
	v9 =	vmul.f32 v1, v1  }
0x12f: {  	v0 =	vmax.f32 v0, v6;
	v6 =	vmin.f32 v5, v1  }
0x130: {  	v5 =	vld [tilespmem:s31+$0x60];
	v11 =	vmul.f32 v2, v2;
	v7 =	vadd.f32 v1, v7;
	v8 =	vadd.f32 v9, v8  }
0x131: {  	v63 =	vmul.f32 v3, v3  }
0x132: {  	v9 =	vmin.f32 v6, v2;
	v6 =	vld [tilespmem:s31+$0x70];
	v14 =	vadd.f32 v2, v7;
	v15 =	vadd.f32 v11, v8  }
0x133: {  	s18 =	simm.s32 $0x80;
	v10 =	vmax.f32 v0, v10;
	v7 =	vmin.f32 v9, v3;
	v8 =	vmul.f32 v4, v4  }
0x134: {  	s19 =	simm.s32 $0x400;
	v0 =	vld [tilespmem:s18+$0x0];
	v9 =	vmax.f32 v10, v62;
	v11 =	vadd.f32 v3, v14;
	v10 =	vadd.f32 v63, v15  }
.LBB2_14:
0x135: {  	p0 =	sne.s32 s19, $0x1FE00;
	v1 =	vmax.f32 v9, v1;
	v7 =	vmin.f32 v7, v4;
	v9 =	vmul.f32 v5, v5  }
0x136: {  	v1 =	vmax.f32 v1, v2;
	v2 =	vadd.f32 v4, v11;
	v8 =	vadd.f32 v8, v10  }
0x137: {  	v10 =	vld [tilespmem:s18+$0x10];
	v1 =	vmax.f32 v1, v3;
	v3 =	vmin.f32 v7, v5;
	v7 =	vmul.f32 v6, v6  }
0x138: {  	v4 =	vmax.f32 v1, v4;
	v11 =	vadd.f32 v5, v2;
	v8 =	vadd.f32 v9, v8  }
0x139: {  	v9 =	vmul.f32 v0, v0;
	v1 =	vld [tilespmem:s18+$0x20];
	v4 =	vmax.f32 v4, v5;
	v5 =	vmin.f32 v3, v6  }
0x13a: {  	v2 =	vld [tilespmem:s18+$0x30];
	v12 =	vmax.f32 v4, v6;
	v3 =	vadd.f32 v6, v11;
	v4 =	vadd.f32 v7, v8;
	_ =	sdelay $0x1  }
0x13b: {  	v6 =	vadd.f32 v0, v3;
	v4 =	vadd.f32 v9, v4;
	v7 =	vmul.f32 v10, v10;
	v3 =	vld [tilespmem:s18+$0x40];
	_ =	sdelay $0x1  }
0x13c: {  	v6 =	vadd.f32 v10, v6;
	v7 =	vadd.f32 v7, v4;
	v8 =	vmul.f32 v1, v1;
	v4 =	vld [tilespmem:s18+$0x50]  }
0x13d: {  	v5 =	vmin.f32 v5, v0;
	v9 =	vmul.f32 v2, v2  }
.Ltmp6:
0x13e: {  	v11 =	vmin.f32 v5, v10;
	v6 =	vadd.f32 v1, v6;
	v7 =	vadd.f32 v8, v7;
	v5 =	vld [tilespmem:s18+$0x60];
	(pc) =	sbr.rel @p0 .LBB2_14-.Ltmp6, $4  }
0x13f: {  	v8 =	vmin.f32 v11, v1;
	v13 =	vmul.f32 v3, v3  }
0x140: {  	v8 =	vmin.f32 v8, v2;
	v11 =	vadd.f32 v2, v6;
	v14 =	vadd.f32 v9, v7;
	v6 =	vld [tilespmem:s18+$0x70]  }
0x141: {  	s18 =	sshra.s32 s19, $0x2;
	v9 =	vmax.f32 v12, v0;
	v7 =	vmin.f32 v8, v3;
	v8 =	vmul.f32 v4, v4  }
0x142: {  	s19 =	sadd.s32 $0x200, s19;
	v9 =	vmax.f32 v9, v10;
	v0 =	vld [tilespmem:s18+$0x0];
	v11 =	vadd.f32 v3, v11;
	v10 =	vadd.f32 v13, v14  }
0x143: {  	_ = 	snop  }
0x144: {  	v11 =	vadd.f32 v4, v11  }
0x145: {  	v12 =	vmul.f32 v5, v5;
	v8 =	vadd.f32 v8, v10  }
0x146: {  	v42 =	vld [tilespmem:s18+$0x10];
	v11 =	vadd.f32 v5, v11  }
0x147: {  	v44 =	vld [tilespmem:s18+$0x20];
	v43 =	vmul.f32 v6, v6;
	v8 =	vadd.f32 v12, v8  }
0x148: {  	v1 =	vmax.f32 v9, v1;
	v7 =	vmin.f32 v7, v4;
	v47 =	vld [tilespmem:s18+$0x30];
	v11 =	vadd.f32 v6, v11  }
0x149: {  	v49 =	vld [tilespmem:s18+$0x40];
	v1 =	vmax.f32 v1, v2;
	v45 =	vmul.f32 v0, v0;
	v8 =	vadd.f32 v43, v8  }
0x14a: {  	v52 =	vld [tilespmem:s18+$0x50];
	v46 =	vmin.f32 v7, v5;
	v1 =	vmax.f32 v1, v3;
	v11 =	vadd.f32 v0, v11  }
0x14b: {  	v54 =	vld [tilespmem:s18+$0x60];
	v1 =	vmax.f32 v1, v4;
	v48 =	vmul.f32 v42, v42;
	v2 =	vadd.f32 v45, v8  }
0x14c: {  	v56 =	vld [tilespmem:s18+$0x70];
	v3 =	vmin.f32 v46, v6;
	v1 =	vmax.f32 v1, v5;
	v50 =	vadd.f32 v42, v11  }
0x14d: {  	v3 =	vmin.f32 v3, v0;
	v51 =	vmul.f32 v44, v44;
	v2 =	vadd.f32 v48, v2  }
0x14e: {  	v1 =	vmax.f32 v1, v6;
	v3 =	vmin.f32 v3, v42;
	v5 =	vadd.f32 v44, v50  }
0x14f: {  	v53 =	vmul.f32 v47, v47;
	v55 =	vmul.f32 v49, v49;
	v2 =	vadd.f32 v51, v2  }
0x150: {  	v59 =	vmul.f32 v52, v52;
	v60 =	vmul.f32 v54, v54;
	v5 =	vadd.f32 v47, v5  }
0x151: {  	v61 =	vmul.f32 v56, v56;
	v57 =	vmax.f32 v1, v0;
	v2 =	vadd.f32 v53, v2  }
0x152: {  	v3 =	vmin.f32 v3, v44;
	v0 =	vmax.f32 v57, v42;
	v5 =	vadd.f32 v49, v5  }
0x153: {  	v3 =	vmin.f32 v3, v47;
	v0 =	vmax.f32 v0, v44;
	v2 =	vadd.f32 v55, v2  }
0x154: {  	v58 =	vmin.f32 v3, v49;
	v0 =	vmax.f32 v0, v47;
	v5 =	vadd.f32 v52, v5  }
0x155: {  	v1 =	vmin.f32 v58, v52;
	v0 =	vmax.f32 v0, v49;
	v2 =	vadd.f32 v59, v2  }
0x156: {  	v1 =	vmin.f32 v1, v54;
	v0 =	vmax.f32 v0, v52;
	v5 =	vadd.f32 v54, v5  }
0x157: {  	v1 =	vmin.f32 v1, v56;
	v0 =	vmax.f32 v0, v54;
	v2 =	vadd.f32 v60, v2  }
0x158: {  	[tilespmem:$0x10000] =	vst v1;
	v0 =	vmax.f32 v0, v56;
	v62 =	vadd.f32 v56, v5  }
0x159: {  	s17 =	sadd.s32 $0x1, s17;
	[tilespmem:$0x10010] =	vst v0;
	v63 =	vadd.f32 v61, v2  }
0x15a: {  	p0 =	sne.s32 s17, s11;
	[tilespmem:$0x10020] =	vst v62  }
.Ltmp7:
0x15b: {  	[tilespmem:$0x10030] =	vst v63;
	(pc) =	sbr.rel @p0 .LBB2_1-.Ltmp7, $4  }
0x15c: {  	[hbm4b:s10+s2] =	stream.linear.scatter [tilespmem:s15], [sflag:$0x3], $0x40, $0x38;
	[tilespmem:$0x10080] =	vst v63  }
0x15d: {  	_ =	swait.ge [sflag:s16], $0x40  }
0x15e: {  	[sflag:s16] =	ssyncset.done $0x0  }
0x15f: {  	[sflag:s16] =	ssyncadd.s32 $0xFFFFFFC0  }
0x160: {  	_ =	sfence.sel $0x180000  }
0x161: {  	[bflag:$0x0] =	sbarrier.arrive $0xFFFF  }
0x162: {  	p0 =	sne.s32 s0, $0x0;
	_ =	strace $0x90000047  }
0x163: {  	s0 =	sadd.s32 @!p0 $0x100000, s1;
	[bflag:$0x2] =	sbarrier.arrive $0xFFFF  }
0x164: {  	[sflag:s0] =	ssyncadd.tile.s32 @!p0 $0x1;
	_ =	shalt  }
.Lfunc_end2:
_tile_overlayer_lowered:
.L_overlay_start_2:
0x165: {  	(tag) =	ssettag $0x2  }
0x166: {  	s0 =	rddreg [dreg:$0x0];
	s2 =	stileid.u32  }
0x167: {  	s1 =	rddreg [dreg:$0x1];
	p0 =	sne.s32 s2, $0x0  }
0x168: {  	s3 =	rddreg [dreg:$0x2];
	[bflag:$0x3] =	sbarrier.arrive $0xFFFF;
	s2 =	simm.s32 @!p0 $0x1C03  }
0x169: {  	[timem:s3], [sflag:s2] =	dma.local @!p0 [hbm:s0], s1  }
0x16a: {  	s0 =	simm.s32 @!p0 $0x3  }
0x16b: {  	_ =	swait.ge @!p0 [sflag:s0], s1  }
0x16c: {  	s1 =	ssub.s32 @!p0 $0x0, s1;
	[sflag:s0] =	ssyncset.done @!p0 $0x0  }
0x16d: {  	[sflag:s0] =	ssyncadd.s32 @!p0 s1  }
0x16e: {  	[bflag:$0x3] =	sbarrier.arrive $0xFFFF  }
0x16f: {  	_ =	shalt  }

// kernel: kernel.9.cloned.1.call-start
scs
__scs_entry_jumppad:
0x0: {  	(pc) =	sbr.rel $0x88, $3  }
0x1: {  	(tag) =	ssettag $0x0;
	lr =	simm.s32 $0x1  }
0x2: {  	[smem:$0x3FA0] =	sst lr;
	_ =	strace $0xD0000000  }
0x3: {  	_ = 	snop  }
0x4: {  	_ = 	snop  }
0x5: {  	_ = 	snop  }
0x6: {  	_ = 	snop  }
0x7: {  	_ = 	snop  }
__scs_overlays_trampoline_lowered:
0x8: {  	[smem:$0x3FAF] =	sst s0  }
0x9: {  	[smem:$0x3FB0] =	sst s1  }
0xa: {  	[smem:$0x3FB1] =	sst s2  }
0xb: {  	[smem:$0x3FB2] =	sst s3  }
0xc: {  	[smem:$0x3FB3] =	sst s4  }
0xd: {  	[smem:$0x3FB4] =	sst s5  }
0xe: {  	[smem:$0x3FB5] =	sst s6  }
0xf: {  	[smem:$0x3FB6] =	sst s7  }
0x10: {  	[smem:$0x3FB7] =	sst s8  }
0x11: {  	[smem:$0x3FB8] =	sst s9;
	s0 =	simm.s32 @!p0 $0x0  }
0x12: {  	s1 =	sld [smem:$0x3F9E];
	s0 =	simm.s32 @p0 $0x1  }
0x13: {  	[smem:$0x3FB9] =	sst s0;
	s0 =	simm.s32 @!p1 $0x0  }
0x14: {  	s2 =	sld [smem:$0x3F9D];
	s0 =	simm.s32 @p1 $0x1  }
0x15: {  	[smem:$0x3FBA] =	sst s0;
	s0 =	simm.s32 @!p2 $0x0  }
0x16: {  	s3 =	sld [smem:$0x3FDB];
	s0 =	simm.s32 @p2 $0x1  }
0x17: {  	s4 =	simm.s32 $0x1BF5;
	[smem:$0x3FBC] =	sst s0  }
0x18: {  	s0 =	sld [smem:$0x3F9F];
	_ =	swait.ge [sflag:s4], $0x0  }
0x19: {  	s7 =	sld [smem:$0x3FA0]  }
0x1a: {  	s8 =	sadd.s32 $0xFFFFE003, lr  }
0x1b: {  	s9 =	sadd.s32 $0xFFFFFEF7, lr;
	s5 =	simm.s32 $0xFFFFFFFF;
	p2 =	slt.u32 s8, $0xFFFFF086  }
0x1c: {  	p1 =	slt.u32 s9, $0xF7A;
	s5 =	simm.s32 @!p2 $0x0  }
0x1d: {  	s5 =	simm.s32 @p1 $0x1;
	p0 =	seq.s32 s7, s2  }
0x1e: {  	s7 =	smul.u32 @!p0 $0xF7A, s2;
	p2 =	seq.s32 @!p0 s5, $0x0  }
0x1f: {  	s9 =	smul.u32 $0xF7A, s1;
	s8 =	simm.s32 @!p0 $0x1BF5;
	p2 =	por !p2, p0  }
0x20: {  	[sflag:s8] =	ssyncset.s32 @!p0 $0xFFFFF086;
	s6 =	sadd.s32 @!p0 s3, s7;
	s7 =	simm.s32 @!p0 $0x108  }
0x21: {  	s3 =	sadd.s32 s3, s9;
	s6 =	sadd.s32 @!p0 $0x88, s6;
	s7 =	simm.s32 @p2 $0x1082  }
0x22: {  	[simem:s7], [sflag:s8] =	dma.local @!p0 [hbm:s6], $0xF7A  }
0x23: {  	s9 =	sor.u32 $0xD0000000, s2;
	s6 =	simm.s32 $0x108;
	_ =	swait.ge @!p0 [sflag:s8], $0x0  }
0x24: {  	s3 =	sadd.s32 $0x88, s3;
	s6 =	simm.s32 @!p1 $0x1082;
	[sflag:s4] =	ssyncset.s32 $0xFFFFF086  }
0x25: {  	[simem:s6], [sflag:s4] =	dma.local [hbm:s3], $0xF7A  }
0x26: {  	[smem:$0x3FA0] =	sst s1;
	(tag) =	ssettag s2;
	_ =	strace s9  }
0x27: {  	s1 =	sld [smem:$0x3FB0]  }
0x28: {  	s2 =	sld [smem:$0x3FB1]  }
0x29: {  	s4 =	sld [smem:$0x3FB3]  }
0x2a: {  	p0 =	seq.s32 s5, $0x0;
	s5 =	sld [smem:$0x3FB4]  }
0x2b: {  	s6 =	sld [smem:$0x3FB5]  }
0x2c: {  	s7 =	sld [smem:$0x3FB6]  }
0x2d: {  	s3 =	simm.s32 $0x108;
	s8 =	sld [smem:$0x3FB7]  }
0x2e: {  	s3 =	simm.s32 @!p0 $0x1082;
	s9 =	sld [smem:$0x3FB8]  }
0x2f: {  	lr =	sadd.s32 s0, s3;
	s0 =	sld [smem:$0x3FAF]  }
0x30: {  	s3 =	sld [smem:$0x3FB2]  }
0x31: {  	[smem:$0x3FBB] =	sst s10  }
0x32: {  	s10 =	sld [smem:$0x3FB9];
	_ =	sdelay $0x3  }
0x33: {  	p0 =	seq.s32 s10, $0x1;
	s10 =	sld [smem:$0x3FBB];
	_ =	sdelay $0x3  }
0x34: {  	[smem:$0x3FBB] =	sst s10  }
0x35: {  	s10 =	sld [smem:$0x3FBA];
	_ =	sdelay $0x3  }
0x36: {  	p1 =	seq.s32 s10, $0x1;
	s10 =	sld [smem:$0x3FBB];
	_ =	sdelay $0x3  }
0x37: {  	[smem:$0x3FBB] =	sst s10  }
0x38: {  	s10 =	sld [smem:$0x3FBC]  }
0x39: {  	_ = 	snop;
	(pc) =	sbr.ind lr, $3  }
0x3a: {  	_ = 	snop  }
0x3b: {  	_ = 	snop  }
0x3c: {  	p2 =	seq.s32 s10, $0x1;
	s10 =	sld [smem:$0x3FBB]  }
0x3d: {  	_ =	shalt  }
0x3e: {  	_ =	shalt  }
0x3f: {  	_ =	shalt  }
0x40: {  	_ =	shalt  }
0x41: {  	_ =	shalt  }
0x42: {  	_ =	shalt  }
0x43: {  	_ =	shalt  }
0x44: {  	_ =	shalt  }
0x45: {  	_ =	shalt  }
0x46: {  	_ =	shalt  }
0x47: {  	_ =	shalt  }
0x48: {  	_ =	shalt  }
0x49: {  	_ =	shalt  }
0x4a: {  	_ =	shalt  }
0x4b: {  	_ =	shalt  }
0x4c: {  	_ =	shalt  }
0x4d: {  	_ =	shalt  }
0x4e: {  	_ =	shalt  }
0x4f: {  	_ =	shalt  }
0x50: {  	_ =	shalt  }
0x51: {  	_ =	shalt  }
0x52: {  	_ =	shalt  }
0x53: {  	_ =	shalt  }
0x54: {  	_ =	shalt  }
0x55: {  	_ =	shalt  }
0x56: {  	_ =	shalt  }
0x57: {  	_ =	shalt  }
0x58: {  	_ =	shalt  }
0x59: {  	_ =	shalt  }
0x5a: {  	_ =	shalt  }
0x5b: {  	_ =	shalt  }
0x5c: {  	_ =	shalt  }
0x5d: {  	_ =	shalt  }
0x5e: {  	_ =	shalt  }
0x5f: {  	_ =	shalt  }
0x60: {  	_ =	shalt  }
0x61: {  	_ =	shalt  }
0x62: {  	_ =	shalt  }
0x63: {  	_ =	shalt  }
0x64: {  	_ =	shalt  }
0x65: {  	_ =	shalt  }
0x66: {  	_ =	shalt  }
0x67: {  	_ =	shalt  }
0x68: {  	_ =	shalt  }
0x69: {  	_ =	shalt  }
0x6a: {  	_ =	shalt  }
0x6b: {  	_ =	shalt  }
0x6c: {  	_ =	shalt  }
0x6d: {  	_ =	shalt  }
0x6e: {  	_ =	shalt  }
0x6f: {  	_ =	shalt  }
0x70: {  	_ =	shalt  }
0x71: {  	_ =	shalt  }
0x72: {  	_ =	shalt  }
0x73: {  	_ =	shalt  }
0x74: {  	_ =	shalt  }
0x75: {  	_ =	shalt  }
0x76: {  	_ =	shalt  }
0x77: {  	_ =	shalt  }
0x78: {  	_ =	shalt  }
0x79: {  	_ =	shalt  }
0x7a: {  	_ =	shalt  }
0x7b: {  	_ =	shalt  }
0x7c: {  	_ =	shalt  }
0x7d: {  	_ =	shalt  }
0x7e: {  	_ =	shalt  }
0x7f: {  	_ =	shalt  }
0x80: {  	_ =	shalt  }
0x81: {  	_ =	shalt  }
0x82: {  	_ =	shalt  }
0x83: {  	_ =	shalt  }
0x84: {  	_ =	shalt  }
0x85: {  	_ =	shalt  }
0x86: {  	_ =	shalt  }
0x87: {  	_ =	shalt  }
.Lfunc_end0:
.L_simem_size_0:
called_computation.1_lowered:
.L_overlay_start_0:
0x88: {  	s2 =	sld [smem:$0x3FD9]  }
0x89: {  	s3 =	sld [smem:$0x3FFE];
	_ =	sdelay $0x1  }
0x8a: {  	s1 =	srdreg.scid  }
0x8b: {  	s0 =	sand.u32 $0x1, s1  }
0x8c: {  	s17 =	sshll.u32 s0, $0xA;
	s2 =	sadd.s32 s3, s2  }
0x8d: {  	s2 =	sadd.s32 s2, s17  }
0x8e: {  	[smem:$0x3FC7] =	sst s2  }
0x8f: {  	_ = 	snop  }
0x90: {  	s2 =	sld [smem:$0x3FC9];
	(tm) =	ssettm $0x1  }
0x91: {  	s18 =	sld [smem:$0x3FFB];
	_ =	sdelay $0x3  }
0x92: {  	_ =	strace s18  }
0x93: {  	s3 =	sld [smem:$0x3FFC];
	_ =	sdelay $0x3  }
0x94: {  	_ =	strace s3  }
0x95: {  	s3 =	sld [smem:$0x3FFD];
	_ =	sdelay $0x3  }
0x96: {  	_ =	strace s3  }
0x97: {  	_ =	strace $0x8FFFFFFF  }
0x98: {  	s19 =	sld [smem:$0x3FDB];
	_ =	sdelay $0x1  }
0x99: {  	s4 =	simm.s32 $_scs_section_size  }
0x9a: {  	s5 =	simm.s32 $_size__tile_overlayer_lowered;
	s6 =	simm.s32 $_tile_overlayer_lowered  }
0x9b: {  	s22 =	simm.s32 $0x1BFF;
	s21 =	sshll.u32 s6, $0x1;
	s3 =	sadd.s32 s4, s19  }
0x9c: {  	s7 =	simm.s32 $0x0;
	s20 =	sshll.u32 s5, $0x1;
	s5 =	sadd.s32 s21, s3  }
0x9d: {  	[timem:s7], [sflag:s22] =	dma.local [hbm:s5], s20  }
0x9e: {  	_ =	swait.ge [sflag:s22], s20  }
0x9f: {  	s4 =	ssub.s32 $0x0, s20;
	[sflag:s22] =	ssyncset.done $0x0  }
0xa0: {  	[sflag:s22] =	ssyncadd.s32 s4;
	_ =	sdelay $0x1  }
0xa1: {  	s23 =	simm.s32 $0x1B8B  }
0xa2: {  	_ =	swait.ge [sflag:s23], $0x1  }
0xa3: {  	[sflag:s23] =	ssyncset.done $0x0  }
0xa4: {  	s25 =	simm.s32 $0x1B8E;
	s24 =	sld [smem:$0x3FFE];
	[sflag:s23] =	ssyncadd.s32 $0xFFFFFFFF  }
0xa5: {  	s26 =	simm.s32 $execute0_lowered;
	[smem:$0x3FD2] =	sst s25  }
0xa6: {  	s5 =	sshll.u32 s26, $0x1;
	_ =	strace $0x80000049;
	[dreg:$0x1] =	wrdreg $0xFFFFFFFF  }
0xa7: {  	s28 =	simm.s32 $_size_execute0_lowered;
	s3 =	sadd.s32 s3, s5;
	[dreg:$0x0] =	wrdreg $0x0  }
0xa8: {  	s5 =	sshll.u32 s28, $0x1;
	[dreg:$0x2] =	wrdreg s3  }
0xa9: {  	[dreg:$0x3] =	wrdreg s5  }
0xaa: {  	[dreg:$0x4] =	wrdreg $0xC0  }
0xab: {  	_ =	task [dreg:s7], $0x5FFFF  }
0xac: {  	[dreg:$0x1] =	wrdreg $0xFFFFFFFF  }
0xad: {  	[dreg:$0x0] =	wrdreg $0x60  }
0xae: {  	[dreg:$0x2] =	wrdreg s2  }
0xaf: {  	[dreg:$0x3] =	wrdreg s24  }
0xb0: {  	[dreg:$0x4] =	wrdreg $0x9  }
0xb1: {  	_ =	task.clear_ibuf [dreg:s7], $0x5FFFF;
	_ =	strace $0x90000049  }
0xb2: {  	s29 =	simm.s32 $0x9;
	_ =	strace $0x8000004B  }
0xb3: {  	_ =	swait.ge [sflag:s29], $0x1  }
0xb4: {  	[sflag:s29] =	ssyncadd.s32 $0xFFFFFFFF  }
0xb5: {  	_ =	strace $0x9000004B  }
0xb6: {  	_ =	sfence  }
0xb7: {  	s30 =	sld [smem:$0x0];
	_ =	sdelay $0x2  }
0xb8: {  	s31 =	sshll.u32 s1, $0xD;
	s1 =	sshrl.u32 s1, $0x2  }
0xb9: {  	s3 =	sand.u32 $0x4000, s31;
	s1 =	sadd.s32 s1, s30  }
0xba: {  	s0 =	sor.u32 s3, s0;
	s1 =	sshll.u32 s1, $0x11  }
0xbb: {  	s0 =	sor.u32 s1, s0  }
0xbc: {  	s0 =	sadd.s32 $0x8F2B, s0  }
0xbd: {  	[sflag:s0] =	ssyncadd.remote.s32 $0x1  }
0xbe: {  	_ =	sfence.sel $0xFFFF  }
0xbf: {  	[dreg:$0x0] =	wrdreg $0xFFFFFFFF;
	(pc) =	sbr.abs _section_cstart, $3  }
0xc0: {  	[dreg:$0x1] =	wrdreg $0xFFFFFFFF  }
0xc1: {  	_ =	task.clear_ibuf [dreg:s7], $0x2FFFF;
	_ =	strace $0x9FFFFFFF  }
0xc2: {  	(tm) =	ssettm $0x7FFFFFFF  }
0xc3: {  	_ =	shalt  }
tec
execute0_lowered:
.L_overlay_start_1:
0x0: {  	(tag) =	ssettag $0x1  }
0x1: {  	s0 =	srdreg.scid;
	s4 =	rddreg [dreg:$0x0]  }
0x2: {  	s2 =	rddreg [dreg:$0x1];
	s1 =	stileid.u32  }
0x3: {  	s3 =	simm.s32 $0x0;
	s11 =	simm.s32 $0x10000;
	s12 =	simm.s32 $0x3  }
0x4: {  	s13 =	simm.s32 $0x8000;
	s14 =	simm.s32 $0x1;
	s15 =	simm.s32 $0x10080  }
0x5: {  	s16 =	simm.s32 $0x10280;
	s17 =	simm.s32 $0x10480;
	s18 =	simm.s32 $0x10680  }
0x6: {  	s19 =	simm.s32 $0x10880;
	s20 =	simm.s32 $0x10A80;
	s5 =	sand.u32 $0x1, s0  }
0x7: {  	s21 =	simm.s32 $0x10C80;
	s22 =	simm.s32 $0x10E80;
	s6 =	sshll.u32 s5, $0x4  }
0x8: {  	s23 =	simm.s32 $0x2;
	s24 =	simm.s32 $0x0;
	s6 =	sor.u32 s1, s6  }
0x9: {  	[smem:$0x7FF] =	sst s3;
	s5 =	ssub.s32 $0x2, s5;
	s7 =	smul.u32 $0x28000, s6  }
0xa: {  	s0 =	rddreg [dreg:$0x2];
	_ =	strace $0x8000004A;
	s8 =	sshrl.u32 s5, $0x1  }
0xb: {  	s6 =	sshll.u32 s6, $0x6;
	s10 =	ssub.s32 s5, s8;
	s7 =	sshrl.u32 s7, $0x3  }
0xc: {  	s9 =	sadd.s32 s6, s2;
	s10 =	smax.u32 s10, $0x1;
	s31 =	sadd.s32 s4, s7  }
0xd: {  	s9 =	sadd.s32 $0x400, s9;
	s4 =	sadd.s32 $0x160000, s31;
	s5 =	sadd.s32 $0x161000, s31  }
0xe: {  	v0 =	vimm.f32 $0.0e+00;
	v1 =	vlaneseq.u32;
	v2 =	vimm.f32 $1.000000000e+00;
	s6 =	sadd.s32 $0x162000, s31;
	s7 =	sadd.s32 $0x163000, s31;
	s8 =	sadd.s32 $0x164000, s31  }
.LBB2_1:
0xf: {  	[tilespmem:s3], [sflag:$0x1] =	stream.linear.gather [hbm4b:s4+s3], $0x8000, $0x38;
	[tilespmem:$0x11080] =	vst v63  }
0x10: {  	_ = 	snop  }
0x11: {  	[tilespmem:s11], [sflag:$0x3] =	stream.linear.gather [hbm4b:s2+s3], $0x80, $0x38;
	[tilespmem:$0x11080] =	vst v63  }
0x12: {  	_ =	swait.ge [sflag:s12], $0x80  }
0x13: {  	[sflag:s12] =	ssyncset.done $0x0  }
0x14: {  	[sflag:s12] =	ssyncadd.s32 $0xFFFFFF80  }
0x15: {  	v3 =	vld [tilespmem:$0x10000]  }
0x16: {  	s25 =	simm.s32 $0x0;
	s26 =	simm.s32 $0x40;
	v4 =	vld [tilespmem:$0x10010]  }
.LBB2_2:
0x17: {  	p0 =	sne.s32 s26, $0x7C0;
	[tilespmem:s25+$0x10E80] =	vst v0  }
0x18: {  	[tilespmem:s25+$0x10080] =	vst v0  }
0x19: {  	[tilespmem:s25+$0x10280] =	vst v0  }
.Ltmp0:
0x1a: {  	[tilespmem:s25+$0x10480] =	vst v0;
	(pc) =	sbr.rel @p0 .LBB2_2-.Ltmp0, $4  }
0x1b: {  	[tilespmem:s25+$0x10680] =	vst v0  }
0x1c: {  	[tilespmem:s25+$0x10880] =	vst v0  }
0x1d: {  	[tilespmem:s25+$0x10A80] =	vst v0  }
0x1e: {  	[tilespmem:s25+$0x10C80] =	vst v0;
	s25 =	sshra.s32 s26, $0x2;
	s26 =	sadd.s32 $0x40, s26  }
0x1f: {  	[tilespmem:s25+$0x10E80] =	vst v0  }
0x20: {  	[tilespmem:s25+$0x10080] =	vst v0  }
0x21: {  	[tilespmem:s25+$0x10280] =	vst v0  }
0x22: {  	[tilespmem:s25+$0x10480] =	vst v0  }
0x23: {  	[tilespmem:s25+$0x10680] =	vst v0  }
0x24: {  	[tilespmem:s25+$0x10880] =	vst v0  }
0x25: {  	[tilespmem:s25+$0x10A80] =	vst v0  }
0x26: {  	[tilespmem:s25+$0x10C80] =	vst v0;
	s25 =	simm.s32 $0x0  }
0x27: {  	[tilespmem:s13], [sflag:$0x2] =	stream.linear.gather [hbm4b:s5+s25], $0x8000, $0x38;
	[tilespmem:$0x11080] =	vst v63  }
0x28: {  	_ =	swait.ge [sflag:s14], $0x8000  }
0x29: {  	[sflag:s14] =	ssyncset.done $0x0  }
0x2a: {  	[sflag:s14] =	ssyncadd.s32 $0xFFFF8000  }
.LBB2_4:
0x2b: {  	s26 =	sshra.s32 s25, $0x2  }
0x2c: {  	v5 =	vld [tilespmem:s26+$0x0];
	_ =	sdelay $0x4  }
0x2d: {  	v5 =	vsub.f32 v5, v3;
	_ =	sdelay $0x1  }
0x2e: {  	v5 =	vmul.f32 v5, v4;
	_ =	sdelay $0x1  }
0x2f: {  	v5 =	vtrunc.f32 v5  }
0x30: {  	v5 =	vcvt.f32.s32 v5;
	_ =	sdelay $0x1  }
0x31: {  	v5 =	vshll.u32 v5, $0x4  }
0x32: {  	v5 =	vor.u32 v1, v5;
	_ =	sdelay $0x4  }
0x33: {  	[tilespmem:v5+s15+$0x0] =	vst.idx.add.f32.msk $0xffff, v2  }
0x34: {  	v5 =	vld [tilespmem:s26+$0x10];
	_ =	sdelay $0x4  }
0x35: {  	v5 =	vsub.f32 v5, v3;
	_ =	sdelay $0x1  }
0x36: {  	v5 =	vmul.f32 v5, v4;
	_ =	sdelay $0x1  }
0x37: {  	v5 =	vtrunc.f32 v5  }
0x38: {  	v5 =	vcvt.f32.s32 v5;
	_ =	sdelay $0x1  }
0x39: {  	v5 =	vshll.u32 v5, $0x4  }
0x3a: {  	v5 =	vor.u32 v1, v5;
	_ =	sdelay $0x4  }
0x3b: {  	[tilespmem:v5+s16+$0x0] =	vst.idx.add.f32.msk $0xffff, v2  }
0x3c: {  	v5 =	vld [tilespmem:s26+$0x20];
	_ =	sdelay $0x4  }
0x3d: {  	v5 =	vsub.f32 v5, v3;
	_ =	sdelay $0x1  }
0x3e: {  	v5 =	vmul.f32 v5, v4;
	_ =	sdelay $0x1  }
0x3f: {  	v5 =	vtrunc.f32 v5  }
0x40: {  	v5 =	vcvt.f32.s32 v5;
	_ =	sdelay $0x1  }
0x41: {  	v5 =	vshll.u32 v5, $0x4  }
0x42: {  	v5 =	vor.u32 v1, v5;
	_ =	sdelay $0x4  }
0x43: {  	[tilespmem:v5+s17+$0x0] =	vst.idx.add.f32.msk $0xffff, v2  }
0x44: {  	v5 =	vld [tilespmem:s26+$0x30];
	_ =	sdelay $0x4  }
0x45: {  	v5 =	vsub.f32 v5, v3;
	_ =	sdelay $0x1  }
0x46: {  	v5 =	vmul.f32 v5, v4;
	_ =	sdelay $0x1  }
0x47: {  	v5 =	vtrunc.f32 v5  }
0x48: {  	v5 =	vcvt.f32.s32 v5;
	_ =	sdelay $0x1  }
0x49: {  	v5 =	vshll.u32 v5, $0x4  }
0x4a: {  	v5 =	vor.u32 v1, v5;
	_ =	sdelay $0x4  }
0x4b: {  	[tilespmem:v5+s18+$0x0] =	vst.idx.add.f32.msk $0xffff, v2  }
0x4c: {  	v5 =	vld [tilespmem:s26+$0x40];
	_ =	sdelay $0x4  }
0x4d: {  	v5 =	vsub.f32 v5, v3;
	_ =	sdelay $0x1  }
0x4e: {  	v5 =	vmul.f32 v5, v4;
	_ =	sdelay $0x1  }
0x4f: {  	v5 =	vtrunc.f32 v5  }
0x50: {  	v5 =	vcvt.f32.s32 v5;
	_ =	sdelay $0x1  }
0x51: {  	v5 =	vshll.u32 v5, $0x4  }
0x52: {  	v5 =	vor.u32 v1, v5;
	_ =	sdelay $0x4  }
0x53: {  	[tilespmem:v5+s19+$0x0] =	vst.idx.add.f32.msk $0xffff, v2  }
0x54: {  	v5 =	vld [tilespmem:s26+$0x50];
	_ =	sdelay $0x4  }
0x55: {  	v5 =	vsub.f32 v5, v3;
	_ =	sdelay $0x1  }
0x56: {  	v5 =	vmul.f32 v5, v4;
	_ =	sdelay $0x1  }
0x57: {  	v5 =	vtrunc.f32 v5  }
0x58: {  	v5 =	vcvt.f32.s32 v5;
	_ =	sdelay $0x1  }
0x59: {  	v5 =	vshll.u32 v5, $0x4  }
0x5a: {  	v5 =	vor.u32 v1, v5;
	_ =	sdelay $0x4  }
0x5b: {  	[tilespmem:v5+s20+$0x0] =	vst.idx.add.f32.msk $0xffff, v2  }
0x5c: {  	v5 =	vld [tilespmem:s26+$0x60];
	_ =	sdelay $0x4  }
0x5d: {  	v5 =	vsub.f32 v5, v3;
	_ =	sdelay $0x1  }
0x5e: {  	v5 =	vmul.f32 v5, v4;
	_ =	sdelay $0x1  }
0x5f: {  	v5 =	vtrunc.f32 v5  }
0x60: {  	v5 =	vcvt.f32.s32 v5;
	_ =	sdelay $0x1  }
0x61: {  	v5 =	vshll.u32 v5, $0x4  }
0x62: {  	v5 =	vor.u32 v1, v5;
	_ =	sdelay $0x4  }
0x63: {  	[tilespmem:v5+s21+$0x0] =	vst.idx.add.f32.msk $0xffff, v2  }
0x64: {  	v5 =	vld [tilespmem:s26+$0x70];
	_ =	sdelay $0x4  }
0x65: {  	v5 =	vsub.f32 v5, v3;
	_ =	sdelay $0x1  }
0x66: {  	v5 =	vmul.f32 v5, v4;
	_ =	sdelay $0x1  }
0x67: {  	v5 =	vtrunc.f32 v5  }
0x68: {  	v5 =	vcvt.f32.s32 v5;
	_ =	sdelay $0x1  }
0x69: {  	v5 =	vshll.u32 v5, $0x4  }
0x6a: {  	p0 =	sne.s32 s25, $0x1FE00;
	v5 =	vor.u32 v1, v5  }
.Ltmp1:
0x6b: {  	_ = 	snop;
	(pc) =	sbr.rel @p0 .LBB2_4-.Ltmp1, $2  }
0x6c: {  	_ =	sdelay $0x2  }
0x6d: {  	s25 =	sadd.s32 $0x200, s25;
	[tilespmem:v5+s22+$0x0] =	vst.idx.add.f32.msk $0xffff, v2  }
0x6e: {  	s25 =	simm.s32 $0x0  }
0x6f: {  	[tilespmem:s25], [sflag:$0x1] =	stream.linear.gather [hbm4b:s6+s25], $0x8000, $0x38;
	[tilespmem:$0x11080] =	vst v63  }
0x70: {  	_ =	swait.ge [sflag:s23], $0x8000  }
0x71: {  	[sflag:s23] =	ssyncset.done $0x0  }
0x72: {  	[sflag:s23] =	ssyncadd.s32 $0xFFFF8000  }
.LBB2_6:
0x73: {  	s26 =	sshra.s32 s25, $0x2  }
0x74: {  	v5 =	vld [tilespmem:s26+$0x8000];
	_ =	sdelay $0x4  }
0x75: {  	v5 =	vsub.f32 v5, v3;
	_ =	sdelay $0x1  }
0x76: {  	v5 =	vmul.f32 v5, v4;
	_ =	sdelay $0x1  }
0x77: {  	v5 =	vtrunc.f32 v5  }
0x78: {  	v5 =	vcvt.f32.s32 v5;
	_ =	sdelay $0x1  }
0x79: {  	v5 =	vshll.u32 v5, $0x4  }
0x7a: {  	v5 =	vor.u32 v1, v5;
	_ =	sdelay $0x4  }
0x7b: {  	[tilespmem:v5+s15+$0x0] =	vst.idx.add.f32.msk $0xffff, v2  }
0x7c: {  	v5 =	vld [tilespmem:s26+$0x8010];
	_ =	sdelay $0x4  }
0x7d: {  	v5 =	vsub.f32 v5, v3;
	_ =	sdelay $0x1  }
0x7e: {  	v5 =	vmul.f32 v5, v4;
	_ =	sdelay $0x1  }
0x7f: {  	v5 =	vtrunc.f32 v5  }
0x80: {  	v5 =	vcvt.f32.s32 v5;
	_ =	sdelay $0x1  }
0x81: {  	v5 =	vshll.u32 v5, $0x4  }
0x82: {  	v5 =	vor.u32 v1, v5;
	_ =	sdelay $0x4  }
0x83: {  	[tilespmem:v5+s16+$0x0] =	vst.idx.add.f32.msk $0xffff, v2  }
0x84: {  	v5 =	vld [tilespmem:s26+$0x8020];
	_ =	sdelay $0x4  }
0x85: {  	v5 =	vsub.f32 v5, v3;
	_ =	sdelay $0x1  }
0x86: {  	v5 =	vmul.f32 v5, v4;
	_ =	sdelay $0x1  }
0x87: {  	v5 =	vtrunc.f32 v5  }
0x88: {  	v5 =	vcvt.f32.s32 v5;
	_ =	sdelay $0x1  }
0x89: {  	v5 =	vshll.u32 v5, $0x4  }
0x8a: {  	v5 =	vor.u32 v1, v5;
	_ =	sdelay $0x4  }
0x8b: {  	[tilespmem:v5+s17+$0x0] =	vst.idx.add.f32.msk $0xffff, v2  }
0x8c: {  	v5 =	vld [tilespmem:s26+$0x8030];
	_ =	sdelay $0x4  }
0x8d: {  	v5 =	vsub.f32 v5, v3;
	_ =	sdelay $0x1  }
0x8e: {  	v5 =	vmul.f32 v5, v4;
	_ =	sdelay $0x1  }
0x8f: {  	v5 =	vtrunc.f32 v5  }
0x90: {  	v5 =	vcvt.f32.s32 v5;
	_ =	sdelay $0x1  }
0x91: {  	v5 =	vshll.u32 v5, $0x4  }
0x92: {  	v5 =	vor.u32 v1, v5;
	_ =	sdelay $0x4  }
0x93: {  	[tilespmem:v5+s18+$0x0] =	vst.idx.add.f32.msk $0xffff, v2  }
0x94: {  	v5 =	vld [tilespmem:s26+$0x8040];
	_ =	sdelay $0x4  }
0x95: {  	v5 =	vsub.f32 v5, v3;
	_ =	sdelay $0x1  }
0x96: {  	v5 =	vmul.f32 v5, v4;
	_ =	sdelay $0x1  }
0x97: {  	v5 =	vtrunc.f32 v5  }
0x98: {  	v5 =	vcvt.f32.s32 v5;
	_ =	sdelay $0x1  }
0x99: {  	v5 =	vshll.u32 v5, $0x4  }
0x9a: {  	v5 =	vor.u32 v1, v5;
	_ =	sdelay $0x4  }
0x9b: {  	[tilespmem:v5+s19+$0x0] =	vst.idx.add.f32.msk $0xffff, v2  }
0x9c: {  	v5 =	vld [tilespmem:s26+$0x8050];
	_ =	sdelay $0x4  }
0x9d: {  	v5 =	vsub.f32 v5, v3;
	_ =	sdelay $0x1  }
0x9e: {  	v5 =	vmul.f32 v5, v4;
	_ =	sdelay $0x1  }
0x9f: {  	v5 =	vtrunc.f32 v5  }
0xa0: {  	v5 =	vcvt.f32.s32 v5;
	_ =	sdelay $0x1  }
0xa1: {  	v5 =	vshll.u32 v5, $0x4  }
0xa2: {  	v5 =	vor.u32 v1, v5;
	_ =	sdelay $0x4  }
0xa3: {  	[tilespmem:v5+s20+$0x0] =	vst.idx.add.f32.msk $0xffff, v2  }
0xa4: {  	v5 =	vld [tilespmem:s26+$0x8060];
	_ =	sdelay $0x4  }
0xa5: {  	v5 =	vsub.f32 v5, v3;
	_ =	sdelay $0x1  }
0xa6: {  	v5 =	vmul.f32 v5, v4;
	_ =	sdelay $0x1  }
0xa7: {  	v5 =	vtrunc.f32 v5  }
0xa8: {  	v5 =	vcvt.f32.s32 v5;
	_ =	sdelay $0x1  }
0xa9: {  	v5 =	vshll.u32 v5, $0x4  }
0xaa: {  	v5 =	vor.u32 v1, v5;
	_ =	sdelay $0x4  }
0xab: {  	[tilespmem:v5+s21+$0x0] =	vst.idx.add.f32.msk $0xffff, v2  }
0xac: {  	v5 =	vld [tilespmem:s26+$0x8070];
	_ =	sdelay $0x4  }
0xad: {  	v5 =	vsub.f32 v5, v3;
	_ =	sdelay $0x1  }
0xae: {  	v5 =	vmul.f32 v5, v4;
	_ =	sdelay $0x1  }
0xaf: {  	v5 =	vtrunc.f32 v5  }
0xb0: {  	v5 =	vcvt.f32.s32 v5;
	_ =	sdelay $0x1  }
0xb1: {  	v5 =	vshll.u32 v5, $0x4  }
0xb2: {  	p0 =	sne.s32 s25, $0x1FE00;
	v5 =	vor.u32 v1, v5  }
.Ltmp2:
0xb3: {  	_ = 	snop;
	(pc) =	sbr.rel @p0 .LBB2_6-.Ltmp2, $2  }
0xb4: {  	_ =	sdelay $0x2  }
0xb5: {  	s25 =	sadd.s32 $0x200, s25;
	[tilespmem:v5+s22+$0x0] =	vst.idx.add.f32.msk $0xffff, v2  }
0xb6: {  	s25 =	simm.s32 $0x0  }
0xb7: {  	[tilespmem:s13], [sflag:$0x2] =	stream.linear.gather [hbm4b:s7+s25], $0x8000, $0x38;
	[tilespmem:$0x11080] =	vst v63  }
0xb8: {  	_ =	swait.ge [sflag:s14], $0x8000  }
0xb9: {  	[sflag:s14] =	ssyncset.done $0x0  }
0xba: {  	[sflag:s14] =	ssyncadd.s32 $0xFFFF8000  }
.LBB2_8:
0xbb: {  	s26 =	sshra.s32 s25, $0x2  }
0xbc: {  	v5 =	vld [tilespmem:s26+$0x0];
	_ =	sdelay $0x4  }
0xbd: {  	v5 =	vsub.f32 v5, v3;
	_ =	sdelay $0x1  }
0xbe: {  	v5 =	vmul.f32 v5, v4;
	_ =	sdelay $0x1  }
0xbf: {  	v5 =	vtrunc.f32 v5  }
0xc0: {  	v5 =	vcvt.f32.s32 v5;
	_ =	sdelay $0x1  }
0xc1: {  	v5 =	vshll.u32 v5, $0x4  }
0xc2: {  	v5 =	vor.u32 v1, v5;
	_ =	sdelay $0x4  }
0xc3: {  	[tilespmem:v5+s15+$0x0] =	vst.idx.add.f32.msk $0xffff, v2  }
0xc4: {  	v5 =	vld [tilespmem:s26+$0x10];
	_ =	sdelay $0x4  }
0xc5: {  	v5 =	vsub.f32 v5, v3;
	_ =	sdelay $0x1  }
0xc6: {  	v5 =	vmul.f32 v5, v4;
	_ =	sdelay $0x1  }
0xc7: {  	v5 =	vtrunc.f32 v5  }
0xc8: {  	v5 =	vcvt.f32.s32 v5;
	_ =	sdelay $0x1  }
0xc9: {  	v5 =	vshll.u32 v5, $0x4  }
0xca: {  	v5 =	vor.u32 v1, v5;
	_ =	sdelay $0x4  }
0xcb: {  	[tilespmem:v5+s16+$0x0] =	vst.idx.add.f32.msk $0xffff, v2  }
0xcc: {  	v5 =	vld [tilespmem:s26+$0x20];
	_ =	sdelay $0x4  }
0xcd: {  	v5 =	vsub.f32 v5, v3;
	_ =	sdelay $0x1  }
0xce: {  	v5 =	vmul.f32 v5, v4;
	_ =	sdelay $0x1  }
0xcf: {  	v5 =	vtrunc.f32 v5  }
0xd0: {  	v5 =	vcvt.f32.s32 v5;
	_ =	sdelay $0x1  }
0xd1: {  	v5 =	vshll.u32 v5, $0x4  }
0xd2: {  	v5 =	vor.u32 v1, v5;
	_ =	sdelay $0x4  }
0xd3: {  	[tilespmem:v5+s17+$0x0] =	vst.idx.add.f32.msk $0xffff, v2  }
0xd4: {  	v5 =	vld [tilespmem:s26+$0x30];
	_ =	sdelay $0x4  }
0xd5: {  	v5 =	vsub.f32 v5, v3;
	_ =	sdelay $0x1  }
0xd6: {  	v5 =	vmul.f32 v5, v4;
	_ =	sdelay $0x1  }
0xd7: {  	v5 =	vtrunc.f32 v5  }
0xd8: {  	v5 =	vcvt.f32.s32 v5;
	_ =	sdelay $0x1  }
0xd9: {  	v5 =	vshll.u32 v5, $0x4  }
0xda: {  	v5 =	vor.u32 v1, v5;
	_ =	sdelay $0x4  }
0xdb: {  	[tilespmem:v5+s18+$0x0] =	vst.idx.add.f32.msk $0xffff, v2  }
0xdc: {  	v5 =	vld [tilespmem:s26+$0x40];
	_ =	sdelay $0x4  }
0xdd: {  	v5 =	vsub.f32 v5, v3;
	_ =	sdelay $0x1  }
0xde: {  	v5 =	vmul.f32 v5, v4;
	_ =	sdelay $0x1  }
0xdf: {  	v5 =	vtrunc.f32 v5  }
0xe0: {  	v5 =	vcvt.f32.s32 v5;
	_ =	sdelay $0x1  }
0xe1: {  	v5 =	vshll.u32 v5, $0x4  }
0xe2: {  	v5 =	vor.u32 v1, v5;
	_ =	sdelay $0x4  }
0xe3: {  	[tilespmem:v5+s19+$0x0] =	vst.idx.add.f32.msk $0xffff, v2  }
0xe4: {  	v5 =	vld [tilespmem:s26+$0x50];
	_ =	sdelay $0x4  }
0xe5: {  	v5 =	vsub.f32 v5, v3;
	_ =	sdelay $0x1  }
0xe6: {  	v5 =	vmul.f32 v5, v4;
	_ =	sdelay $0x1  }
0xe7: {  	v5 =	vtrunc.f32 v5  }
0xe8: {  	v5 =	vcvt.f32.s32 v5;
	_ =	sdelay $0x1  }
0xe9: {  	v5 =	vshll.u32 v5, $0x4  }
0xea: {  	v5 =	vor.u32 v1, v5;
	_ =	sdelay $0x4  }
0xeb: {  	[tilespmem:v5+s20+$0x0] =	vst.idx.add.f32.msk $0xffff, v2  }
0xec: {  	v5 =	vld [tilespmem:s26+$0x60];
	_ =	sdelay $0x4  }
0xed: {  	v5 =	vsub.f32 v5, v3;
	_ =	sdelay $0x1  }
0xee: {  	v5 =	vmul.f32 v5, v4;
	_ =	sdelay $0x1  }
0xef: {  	v5 =	vtrunc.f32 v5  }
0xf0: {  	v5 =	vcvt.f32.s32 v5;
	_ =	sdelay $0x1  }
0xf1: {  	v5 =	vshll.u32 v5, $0x4  }
0xf2: {  	v5 =	vor.u32 v1, v5;
	_ =	sdelay $0x4  }
0xf3: {  	[tilespmem:v5+s21+$0x0] =	vst.idx.add.f32.msk $0xffff, v2  }
0xf4: {  	v5 =	vld [tilespmem:s26+$0x70];
	_ =	sdelay $0x4  }
0xf5: {  	v5 =	vsub.f32 v5, v3;
	_ =	sdelay $0x1  }
0xf6: {  	v5 =	vmul.f32 v5, v4;
	_ =	sdelay $0x1  }
0xf7: {  	v5 =	vtrunc.f32 v5  }
0xf8: {  	v5 =	vcvt.f32.s32 v5;
	_ =	sdelay $0x1  }
0xf9: {  	v5 =	vshll.u32 v5, $0x4  }
0xfa: {  	p0 =	sne.s32 s25, $0x1FE00;
	v5 =	vor.u32 v1, v5  }
.Ltmp3:
0xfb: {  	_ = 	snop;
	(pc) =	sbr.rel @p0 .LBB2_8-.Ltmp3, $2  }
0xfc: {  	_ =	sdelay $0x2  }
0xfd: {  	s25 =	sadd.s32 $0x200, s25;
	[tilespmem:v5+s22+$0x0] =	vst.idx.add.f32.msk $0xffff, v2  }
0xfe: {  	s25 =	simm.s32 $0x0  }
0xff: {  	[tilespmem:s25], [sflag:$0x1] =	stream.linear.gather [hbm4b:s8+s25], $0x8000, $0x38;
	[tilespmem:$0x11080] =	vst v63  }
0x100: {  	_ =	swait.ge [sflag:s23], $0x8000  }
0x101: {  	[sflag:s23] =	ssyncset.done $0x0  }
0x102: {  	[sflag:s23] =	ssyncadd.s32 $0xFFFF8000  }
.LBB2_10:
0x103: {  	s26 =	sshra.s32 s25, $0x2  }
0x104: {  	v5 =	vld [tilespmem:s26+$0x8000];
	_ =	sdelay $0x4  }
0x105: {  	v5 =	vsub.f32 v5, v3;
	_ =	sdelay $0x1  }
0x106: {  	v5 =	vmul.f32 v5, v4;
	_ =	sdelay $0x1  }
0x107: {  	v5 =	vtrunc.f32 v5  }
0x108: {  	v5 =	vcvt.f32.s32 v5;
	_ =	sdelay $0x1  }
0x109: {  	v5 =	vshll.u32 v5, $0x4  }
0x10a: {  	v5 =	vor.u32 v1, v5;
	_ =	sdelay $0x4  }
0x10b: {  	[tilespmem:v5+s15+$0x0] =	vst.idx.add.f32.msk $0xffff, v2  }
0x10c: {  	v5 =	vld [tilespmem:s26+$0x8010];
	_ =	sdelay $0x4  }
0x10d: {  	v5 =	vsub.f32 v5, v3;
	_ =	sdelay $0x1  }
0x10e: {  	v5 =	vmul.f32 v5, v4;
	_ =	sdelay $0x1  }
0x10f: {  	v5 =	vtrunc.f32 v5  }
0x110: {  	v5 =	vcvt.f32.s32 v5;
	_ =	sdelay $0x1  }
0x111: {  	v5 =	vshll.u32 v5, $0x4  }
0x112: {  	v5 =	vor.u32 v1, v5;
	_ =	sdelay $0x4  }
0x113: {  	[tilespmem:v5+s16+$0x0] =	vst.idx.add.f32.msk $0xffff, v2  }
0x114: {  	v5 =	vld [tilespmem:s26+$0x8020];
	_ =	sdelay $0x4  }
0x115: {  	v5 =	vsub.f32 v5, v3;
	_ =	sdelay $0x1  }
0x116: {  	v5 =	vmul.f32 v5, v4;
	_ =	sdelay $0x1  }
0x117: {  	v5 =	vtrunc.f32 v5  }
0x118: {  	v5 =	vcvt.f32.s32 v5;
	_ =	sdelay $0x1  }
0x119: {  	v5 =	vshll.u32 v5, $0x4  }
0x11a: {  	v5 =	vor.u32 v1, v5;
	_ =	sdelay $0x4  }
0x11b: {  	[tilespmem:v5+s17+$0x0] =	vst.idx.add.f32.msk $0xffff, v2  }
0x11c: {  	v5 =	vld [tilespmem:s26+$0x8030];
	_ =	sdelay $0x4  }
0x11d: {  	v5 =	vsub.f32 v5, v3;
	_ =	sdelay $0x1  }
0x11e: {  	v5 =	vmul.f32 v5, v4;
	_ =	sdelay $0x1  }
0x11f: {  	v5 =	vtrunc.f32 v5  }
0x120: {  	v5 =	vcvt.f32.s32 v5;
	_ =	sdelay $0x1  }
0x121: {  	v5 =	vshll.u32 v5, $0x4  }
0x122: {  	v5 =	vor.u32 v1, v5;
	_ =	sdelay $0x4  }
0x123: {  	[tilespmem:v5+s18+$0x0] =	vst.idx.add.f32.msk $0xffff, v2  }
0x124: {  	v5 =	vld [tilespmem:s26+$0x8040];
	_ =	sdelay $0x4  }
0x125: {  	v5 =	vsub.f32 v5, v3;
	_ =	sdelay $0x1  }
0x126: {  	v5 =	vmul.f32 v5, v4;
	_ =	sdelay $0x1  }
0x127: {  	v5 =	vtrunc.f32 v5  }
0x128: {  	v5 =	vcvt.f32.s32 v5;
	_ =	sdelay $0x1  }
0x129: {  	v5 =	vshll.u32 v5, $0x4  }
0x12a: {  	v5 =	vor.u32 v1, v5;
	_ =	sdelay $0x4  }
0x12b: {  	[tilespmem:v5+s19+$0x0] =	vst.idx.add.f32.msk $0xffff, v2  }
0x12c: {  	v5 =	vld [tilespmem:s26+$0x8050];
	_ =	sdelay $0x4  }
0x12d: {  	v5 =	vsub.f32 v5, v3;
	_ =	sdelay $0x1  }
0x12e: {  	v5 =	vmul.f32 v5, v4;
	_ =	sdelay $0x1  }
0x12f: {  	v5 =	vtrunc.f32 v5  }
0x130: {  	v5 =	vcvt.f32.s32 v5;
	_ =	sdelay $0x1  }
0x131: {  	v5 =	vshll.u32 v5, $0x4  }
0x132: {  	v5 =	vor.u32 v1, v5;
	_ =	sdelay $0x4  }
0x133: {  	[tilespmem:v5+s20+$0x0] =	vst.idx.add.f32.msk $0xffff, v2  }
0x134: {  	v5 =	vld [tilespmem:s26+$0x8060];
	_ =	sdelay $0x4  }
0x135: {  	v5 =	vsub.f32 v5, v3;
	_ =	sdelay $0x1  }
0x136: {  	v5 =	vmul.f32 v5, v4;
	_ =	sdelay $0x1  }
0x137: {  	v5 =	vtrunc.f32 v5  }
0x138: {  	v5 =	vcvt.f32.s32 v5;
	_ =	sdelay $0x1  }
0x139: {  	v5 =	vshll.u32 v5, $0x4  }
0x13a: {  	v5 =	vor.u32 v1, v5;
	_ =	sdelay $0x4  }
0x13b: {  	[tilespmem:v5+s21+$0x0] =	vst.idx.add.f32.msk $0xffff, v2  }
0x13c: {  	v5 =	vld [tilespmem:s26+$0x8070];
	_ =	sdelay $0x4  }
0x13d: {  	v5 =	vsub.f32 v5, v3;
	_ =	sdelay $0x1  }
0x13e: {  	v5 =	vmul.f32 v5, v4;
	_ =	sdelay $0x1  }
0x13f: {  	v5 =	vtrunc.f32 v5  }
0x140: {  	v5 =	vcvt.f32.s32 v5;
	_ =	sdelay $0x1  }
0x141: {  	v5 =	vshll.u32 v5, $0x4  }
0x142: {  	p0 =	sne.s32 s25, $0x1FE00;
	v5 =	vor.u32 v1, v5  }
.Ltmp4:
0x143: {  	_ = 	snop;
	(pc) =	sbr.rel @p0 .LBB2_10-.Ltmp4, $2  }
0x144: {  	_ =	sdelay $0x2  }
0x145: {  	s25 =	sadd.s32 $0x200, s25;
	[tilespmem:v5+s22+$0x0] =	vst.idx.add.f32.msk $0xffff, v2  }
0x146: {  	_ =	swait.ge [sflag:s14], $0x8000  }
0x147: {  	[sflag:s14] =	ssyncset.done $0x0  }
0x148: {  	s25 =	simm.s32 $0x0;
	[sflag:s14] =	ssyncadd.s32 $0xFFFF8000  }
.LBB2_12:
0x149: {  	s26 =	sshra.s32 s25, $0x2  }
0x14a: {  	v5 =	vld [tilespmem:s26+$0x0];
	_ =	sdelay $0x4  }
0x14b: {  	v5 =	vsub.f32 v5, v3;
	_ =	sdelay $0x1  }
0x14c: {  	v5 =	vmul.f32 v5, v4;
	_ =	sdelay $0x1  }
0x14d: {  	v5 =	vtrunc.f32 v5  }
0x14e: {  	v5 =	vcvt.f32.s32 v5;
	_ =	sdelay $0x1  }
0x14f: {  	v5 =	vshll.u32 v5, $0x4  }
0x150: {  	v5 =	vor.u32 v1, v5;
	_ =	sdelay $0x4  }
0x151: {  	[tilespmem:v5+s15+$0x0] =	vst.idx.add.f32.msk $0xffff, v2  }
0x152: {  	v5 =	vld [tilespmem:s26+$0x10];
	_ =	sdelay $0x4  }
0x153: {  	v5 =	vsub.f32 v5, v3;
	_ =	sdelay $0x1  }
0x154: {  	v5 =	vmul.f32 v5, v4;
	_ =	sdelay $0x1  }
0x155: {  	v5 =	vtrunc.f32 v5  }
0x156: {  	v5 =	vcvt.f32.s32 v5;
	_ =	sdelay $0x1  }
0x157: {  	v5 =	vshll.u32 v5, $0x4  }
0x158: {  	v5 =	vor.u32 v1, v5;
	_ =	sdelay $0x4  }
0x159: {  	[tilespmem:v5+s16+$0x0] =	vst.idx.add.f32.msk $0xffff, v2  }
0x15a: {  	v5 =	vld [tilespmem:s26+$0x20];
	_ =	sdelay $0x4  }
0x15b: {  	v5 =	vsub.f32 v5, v3;
	_ =	sdelay $0x1  }
0x15c: {  	v5 =	vmul.f32 v5, v4;
	_ =	sdelay $0x1  }
0x15d: {  	v5 =	vtrunc.f32 v5  }
0x15e: {  	v5 =	vcvt.f32.s32 v5;
	_ =	sdelay $0x1  }
0x15f: {  	v5 =	vshll.u32 v5, $0x4  }
0x160: {  	v5 =	vor.u32 v1, v5;
	_ =	sdelay $0x4  }
0x161: {  	[tilespmem:v5+s17+$0x0] =	vst.idx.add.f32.msk $0xffff, v2  }
0x162: {  	v5 =	vld [tilespmem:s26+$0x30];
	_ =	sdelay $0x4  }
0x163: {  	v5 =	vsub.f32 v5, v3;
	_ =	sdelay $0x1  }
0x164: {  	v5 =	vmul.f32 v5, v4;
	_ =	sdelay $0x1  }
0x165: {  	v5 =	vtrunc.f32 v5  }
0x166: {  	v5 =	vcvt.f32.s32 v5;
	_ =	sdelay $0x1  }
0x167: {  	v5 =	vshll.u32 v5, $0x4  }
0x168: {  	v5 =	vor.u32 v1, v5;
	_ =	sdelay $0x4  }
0x169: {  	[tilespmem:v5+s18+$0x0] =	vst.idx.add.f32.msk $0xffff, v2  }
0x16a: {  	v5 =	vld [tilespmem:s26+$0x40];
	_ =	sdelay $0x4  }
0x16b: {  	v5 =	vsub.f32 v5, v3;
	_ =	sdelay $0x1  }
0x16c: {  	v5 =	vmul.f32 v5, v4;
	_ =	sdelay $0x1  }
0x16d: {  	v5 =	vtrunc.f32 v5  }
0x16e: {  	v5 =	vcvt.f32.s32 v5;
	_ =	sdelay $0x1  }
0x16f: {  	v5 =	vshll.u32 v5, $0x4  }
0x170: {  	v5 =	vor.u32 v1, v5;
	_ =	sdelay $0x4  }
0x171: {  	[tilespmem:v5+s19+$0x0] =	vst.idx.add.f32.msk $0xffff, v2  }
0x172: {  	v5 =	vld [tilespmem:s26+$0x50];
	_ =	sdelay $0x4  }
0x173: {  	v5 =	vsub.f32 v5, v3;
	_ =	sdelay $0x1  }
0x174: {  	v5 =	vmul.f32 v5, v4;
	_ =	sdelay $0x1  }
0x175: {  	v5 =	vtrunc.f32 v5  }
0x176: {  	v5 =	vcvt.f32.s32 v5;
	_ =	sdelay $0x1  }
0x177: {  	v5 =	vshll.u32 v5, $0x4  }
0x178: {  	v5 =	vor.u32 v1, v5;
	_ =	sdelay $0x4  }
0x179: {  	[tilespmem:v5+s20+$0x0] =	vst.idx.add.f32.msk $0xffff, v2  }
0x17a: {  	v5 =	vld [tilespmem:s26+$0x60];
	_ =	sdelay $0x4  }
0x17b: {  	v5 =	vsub.f32 v5, v3;
	_ =	sdelay $0x1  }
0x17c: {  	v5 =	vmul.f32 v5, v4;
	_ =	sdelay $0x1  }
0x17d: {  	v5 =	vtrunc.f32 v5  }
0x17e: {  	v5 =	vcvt.f32.s32 v5;
	_ =	sdelay $0x1  }
0x17f: {  	v5 =	vshll.u32 v5, $0x4  }
0x180: {  	v5 =	vor.u32 v1, v5;
	_ =	sdelay $0x4  }
0x181: {  	[tilespmem:v5+s21+$0x0] =	vst.idx.add.f32.msk $0xffff, v2  }
0x182: {  	v5 =	vld [tilespmem:s26+$0x70];
	_ =	sdelay $0x4  }
0x183: {  	v5 =	vsub.f32 v5, v3;
	_ =	sdelay $0x1  }
0x184: {  	v5 =	vmul.f32 v5, v4;
	_ =	sdelay $0x1  }
0x185: {  	v5 =	vtrunc.f32 v5  }
0x186: {  	v5 =	vcvt.f32.s32 v5;
	_ =	sdelay $0x1  }
0x187: {  	v5 =	vshll.u32 v5, $0x4  }
0x188: {  	p0 =	sne.s32 s25, $0x1FE00;
	v5 =	vor.u32 v1, v5  }
.Ltmp5:
0x189: {  	_ = 	snop;
	(pc) =	sbr.rel @p0 .LBB2_12-.Ltmp5, $2  }
0x18a: {  	_ =	sdelay $0x2  }
0x18b: {  	s25 =	sadd.s32 $0x200, s25;
	[tilespmem:v5+s22+$0x0] =	vst.idx.add.f32.msk $0xffff, v2  }
0x18c: {  	s25 =	simm.s32 $0x0  }
0x18d: {  	s26 =	simm.s32 $0x40;
	v3 =	vld [tilespmem:s25+$0x10280]  }
.LBB2_14:
0x18e: {  	p0 =	sne.s32 s26, $0x7C0;
	v4 =	vld [tilespmem:s25+$0x10080];
	_ =	sdelay $0x1  }
0x18f: {  	v5 =	vld [tilespmem:s25+$0x10480];
	_ =	sdelay $0x1  }
0x190: {  	v6 =	vld [tilespmem:s25+$0x10680]  }
0x191: {  	v3 =	vadd.f32 v3, v4  }
0x192: {  	v4 =	vld [tilespmem:s25+$0x10880]  }
0x193: {  	v3 =	vadd.f32 v5, v3  }
0x194: {  	v5 =	vld [tilespmem:s25+$0x10A80]  }
0x195: {  	v3 =	vadd.f32 v6, v3  }
0x196: {  	v6 =	vld [tilespmem:s25+$0x10C80]  }
0x197: {  	v3 =	vadd.f32 v4, v3  }
0x198: {  	v4 =	vld [tilespmem:s25+$0x10E80]  }
0x199: {  	v3 =	vadd.f32 v5, v3;
	_ =	sdelay $0x1  }
.Ltmp6:
0x19a: {  	v3 =	vadd.f32 v6, v3;
	(pc) =	sbr.rel @p0 .LBB2_14-.Ltmp6, $4  }
0x19b: {  	_ = 	snop  }
0x19c: {  	v4 =	vadd.f32 v4, v3  }
0x19d: {  	s28 =	sshra.s32 s26, $0x2  }
0x19e: {  	s26 =	sadd.s32 $0x40, s26;
	v3 =	vld [tilespmem:s28+$0x10280];
	[tilespmem:s25+$0x10080] =	vst v4;
	s25 =	smov.u32 s28  }
0x19f: {  	v4 =	vld [tilespmem:s25+$0x10080];
	_ =	sdelay $0x1  }
0x1a0: {  	v5 =	vld [tilespmem:s25+$0x10480];
	_ =	sdelay $0x1  }
0x1a1: {  	v6 =	vld [tilespmem:s25+$0x10680]  }
0x1a2: {  	v3 =	vadd.f32 v3, v4  }
0x1a3: {  	v60 =	vld [tilespmem:s25+$0x10880]  }
0x1a4: {  	v3 =	vadd.f32 v5, v3  }
0x1a5: {  	v61 =	vld [tilespmem:s25+$0x10A80]  }
0x1a6: {  	v3 =	vadd.f32 v6, v3  }
0x1a7: {  	v62 =	vld [tilespmem:s25+$0x10C80]  }
0x1a8: {  	v3 =	vadd.f32 v60, v3  }
0x1a9: {  	v63 =	vld [tilespmem:s25+$0x10E80]  }
0x1aa: {  	v3 =	vadd.f32 v61, v3;
	_ =	sdelay $0x1  }
0x1ab: {  	v3 =	vadd.f32 v62, v3;
	_ =	sdelay $0x1  }
0x1ac: {  	s24 =	sadd.s32 $0x1, s24;
	v3 =	vadd.f32 v63, v3  }
0x1ad: {  	p0 =	sne.s32 s24, s10  }
.Ltmp7:
0x1ae: {  	[tilespmem:s25+$0x10080] =	vst v3;
	(pc) =	sbr.rel @p0 .LBB2_1-.Ltmp7, $4  }
0x1af: {  	[hbm4b:s9+s3] =	stream.linear.scatter [tilespmem:s15], [sflag:$0x3], $0x200, $0x38;
	[tilespmem:$0x11080] =	vst v63  }
0x1b0: {  	_ =	swait.ge [sflag:s12], $0x200  }
0x1b1: {  	[sflag:s12] =	ssyncset.done $0x0  }
0x1b2: {  	[sflag:s12] =	ssyncadd.s32 $0xFFFFFE00  }
0x1b3: {  	_ =	sfence.sel $0x180000  }
0x1b4: {  	[bflag:$0x0] =	sbarrier.arrive $0xFFFF  }
0x1b5: {  	p0 =	sne.s32 s1, $0x0;
	_ =	strace $0x9000004A  }
0x1b6: {  	s0 =	sadd.s32 @!p0 $0x100000, s0;
	[bflag:$0x2] =	sbarrier.arrive $0xFFFF  }
0x1b7: {  	[sflag:s0] =	ssyncadd.tile.s32 @!p0 $0x1;
	_ =	shalt  }
.Lfunc_end2:
_tile_overlayer_lowered:
.L_overlay_start_2:
0x1b8: {  	(tag) =	ssettag $0x2  }
0x1b9: {  	s0 =	rddreg [dreg:$0x0];
	s2 =	stileid.u32  }
0x1ba: {  	s1 =	rddreg [dreg:$0x1];
	p0 =	sne.s32 s2, $0x0  }
0x1bb: {  	s3 =	rddreg [dreg:$0x2];
	[bflag:$0x3] =	sbarrier.arrive $0xFFFF;
	s2 =	simm.s32 @!p0 $0x1C03  }
0x1bc: {  	[timem:s3], [sflag:s2] =	dma.local @!p0 [hbm:s0], s1  }
0x1bd: {  	s0 =	simm.s32 @!p0 $0x3  }
0x1be: {  	_ =	swait.ge @!p0 [sflag:s0], s1  }
0x1bf: {  	s1 =	ssub.s32 @!p0 $0x0, s1;
	[sflag:s0] =	ssyncset.done @!p0 $0x0  }
0x1c0: {  	[sflag:s0] =	ssyncadd.s32 @!p0 s1  }
0x1c1: {  	[bflag:$0x3] =	sbarrier.arrive $0xFFFF  }
0x1c2: {  	_ =	shalt  }

</sc_bundles>
